<compile_context>
chip_gen: v7x
topology: tpu7x:2x2x1
jax: 0.10.2.dev20260603
libtpu: 0.0.44.dev20260713+nightly
codegen_flags: <defaults>
</compile_context>

<pallas_src>
import functools

import jax
import jax.numpy as jnp
from jax import lax
from jax.experimental import pallas as pl
from jax.experimental.pallas import tpu as pltpu
from jax.experimental.pallas import tpu_sc as plsc

N_EXPERTS = 64
TOP_K = 8
TOK_BLOCK_TC = 512
TOK_BLOCK_FIN = 8192
KEY_SCALE = float(1 << 19)


def _tc_keys_body(x_ref, w_ref, out_ref):
    logits = lax.dot_general(
        x_ref[...],
        w_ref[...],
        dimension_numbers=(((1,), (1,)), ((), ())),
        preferred_element_type=jnp.float32,
    )
    fix = jnp.clip(
        logits * jnp.float32(KEY_SCALE), -33554000.0, 33554000.0
    ).astype(jnp.int32)
    e = lax.broadcasted_iota(jnp.int32, logits.shape, 1)
    keys = lax.shift_left(fix, 6) | (jnp.int32(N_EXPERTS - 1) - e)
    pad = jnp.zeros(keys.shape, jnp.int32)
    out_ref[...] = jnp.concatenate([keys, pad], axis=1)


def _tc_keys(x, w):
    t, h = x.shape
    return pl.pallas_call(
        _tc_keys_body,
        grid=(t // TOK_BLOCK_TC,),
        in_specs=[
            pl.BlockSpec((TOK_BLOCK_TC, h), lambda i: (i, 0)),
            pl.BlockSpec((N_EXPERTS, h), lambda i: (0, 0)),
        ],
        out_specs=pl.BlockSpec((TOK_BLOCK_TC, 2 * N_EXPERTS), lambda i: (i, 0)),
        out_shape=jax.ShapeDtypeStruct((t, 2 * N_EXPERTS), jnp.int32),
    )(x, w)


def _sc_select(keys):
    t = keys.shape[0]
    info = plsc.get_sparse_core_info()
    nc, ns, lanes = info.num_cores, info.num_subcores, info.num_lanes
    nw = nc * ns
    per_w = t // nw
    n_blocks = per_w // lanes
    mesh = plsc.VectorSubcoreMesh(core_axis_name="c", subcore_axis_name="s")

    @functools.partial(
        pl.kernel,
        mesh=mesh,
        out_type=jax.ShapeDtypeStruct((t, 2 * N_EXPERTS), jnp.int32),
        scratch_types=[
            pltpu.VMEM((lanes, 2 * N_EXPERTS), jnp.int32),
            pltpu.VMEM((lanes, 2 * N_EXPERTS), jnp.int32),
            pltpu.VMEM((per_w, 2 * N_EXPERTS), jnp.int32),
            pltpu.SemaphoreType.DMA,
            pltpu.SemaphoreType.DMA,
        ],
        compiler_params=pltpu.CompilerParams(
            needs_layout_passes=False, use_tc_tiling_on_sc=False
        ),
    )
    def k(keys_hbm, outk_hbm, lblk0, lblk1, kv, sem0, sem1):
        wid = lax.axis_index("s") * nc + lax.axis_index("c")
        base = wid * per_w
        rows = lax.iota(jnp.int32, lanes)
        sems = (sem0, sem1)
        bufs = (lblk0, lblk1)

        def src(b):
            return keys_hbm.at[pl.ds(base + b * lanes, lanes)]

        sort8_pairs = (
            (0, 1), (2, 3), (4, 5), (6, 7),
            (0, 2), (1, 3), (4, 6), (5, 7),
            (1, 2), (5, 6),
            (0, 4), (1, 5), (2, 6), (3, 7),
            (2, 4), (3, 5),
            (1, 2), (3, 4), (5, 6),
        )

        def sort8(g):
            for i, j in sort8_pairs:
                hi = jnp.maximum(g[i], g[j])
                g[j] = jnp.minimum(g[i], g[j])
                g[i] = hi
            return g

        def gather8(buf, g0):
            return [
                plsc.load_gather(buf, [rows, jnp.full((lanes,), g0 + q, jnp.int32)])
                for q in range(TOP_K)
            ]

        def compute(buf, b):
            tkey = sort8(gather8(buf, 0))
            for g0 in range(TOP_K, N_EXPERTS, TOP_K):
                g = sort8(gather8(buf, g0))
                h = [jnp.maximum(tkey[i], g[TOP_K - 1 - i]) for i in range(TOP_K)]
                for d in (4, 2, 1):
                    for i in range(TOP_K):
                        if (i // d) % 2 == 0:
                            hi = jnp.maximum(h[i], h[i + d])
                            h[i + d] = jnp.minimum(h[i], h[i + d])
                            h[i] = hi
                tkey = h
            loc = b * lanes + rows
            for j in range(TOP_K):
                jv = jnp.full((lanes,), j, jnp.int32)
                plsc.store_scatter(kv, [loc, jv], tkey[j])

        pltpu.async_copy(src(0), lblk0, sem0)
        pltpu.async_copy(src(1), lblk1, sem1)

        def pair(g, carry):
            b0 = 2 * g
            for q in range(2):
                b = b0 + q
                buf, sem = bufs[q], sems[q]
                pltpu.make_async_copy(src(b), buf, sem).wait()
                compute(buf, b)
                nxt = jnp.minimum(b + 2, n_blocks - 1)
                pltpu.async_copy(src(nxt), buf, sem)
            return carry

        lax.fori_loop(0, n_blocks // 2, pair, 0)
        pltpu.make_async_copy(src(0), lblk0, sem0).wait()
        pltpu.make_async_copy(src(1), lblk1, sem1).wait()
        pltpu.sync_copy(kv, outk_hbm.at[pl.ds(base, per_w)])

    return k(keys)


def _tc_finish_body(k_ref, w_ref, i_ref):
    k2 = k_ref[:, :TOP_K]
    i_ref[...] = jnp.int32(N_EXPERTS - 1) - (k2 & jnp.int32(63))
    fix = lax.shift_right_arithmetic(k2, 6)
    d = (fix - fix[:, 0:1]).astype(jnp.float32) * jnp.float32(1.0 / KEY_SCALE)
    e = jnp.exp(d)
    w_ref[...] = e / jnp.sum(e, axis=1, keepdims=True)


def _tc_finish(keys8, t):
    return pl.pallas_call(
        _tc_finish_body,
        grid=(t // TOK_BLOCK_FIN,),
        in_specs=[pl.BlockSpec((TOK_BLOCK_FIN, 2 * N_EXPERTS), lambda i: (i, 0))],
        out_specs=[
            pl.BlockSpec((TOK_BLOCK_FIN, TOP_K), lambda i: (i, 0)),
            pl.BlockSpec((TOK_BLOCK_FIN, TOP_K), lambda i: (i, 0)),
        ],
        out_shape=[
            jax.ShapeDtypeStruct((t, TOP_K), jnp.float32),
            jax.ShapeDtypeStruct((t, TOP_K), jnp.int32),
        ],
    )(keys8)


def kernel(hidden_states, weight):
    b, s, h = hidden_states.shape
    x = hidden_states.reshape(-1, h)
    t = x.shape[0]
    keys = _tc_keys(x, weight)
    keys8 = _sc_select(keys)
    topw, topi = _tc_finish(keys8, t)
    return topw, topi

# --- scband reference (transcript-rebuilt; emitter-appended) ---
"""Pipeline reference for scband-mo-egate-61400852464236 (READ-ONLY COPY).

The authoritative reference and input builder live on the scoring server;
editing this copy changes nothing except your own understanding.
"""

import jax, jax.numpy as jnp
import numpy as np

B = 4
S = 4096
HIDDEN = 4096
N_EXPERTS = 64
TOP_K = 8


def setup_inputs(seed: int = 0) -> dict:
    key = jax.random.key(seed)
    k1, k2 = jax.random.split(key)
    hidden_states = jax.random.normal(k1, (B, S, HIDDEN), dtype=jnp.float32)
    # gate weight parameter: [n_routed_experts, gating_dim]
    weight = jax.random.normal(k2, (N_EXPERTS, HIDDEN), dtype=jnp.float32) * (1.0 / np.sqrt(HIDDEN))
    return {"hidden_states": hidden_states, "weight": weight}


def reference(hidden_states, weight):
    b, s, h = hidden_states.shape
    x = hidden_states.reshape(-1, h).astype(jnp.float32)
    # logits = F.linear(hidden_states.float(), weight.float())
    logits = x @ weight.astype(jnp.float32).T  # [B*S, E]
    # greedy router: softmax over experts, then top-k selection with renormalization
    scores = jax.nn.softmax(logits, axis=-1)
    topk_weight, topk_idx = jax.lax.top_k(scores, TOP_K)  # [B*S, K]
    topk_weight = topk_weight / jnp.sum(topk_weight, axis=-1, keepdims=True)
    return topk_weight, topk_idx

if __name__ == "__main__":
    import jax
    _d = setup_inputs()
    print(jax.jit(kernel)(*tuple(_d.values())))

</pallas_src>

<mosaic_0001>
#map = affine_map<(d0, d1) -> (0, 0)>
module attributes {stable_mosaic.version = 14 : i64} {
  func.func @k(%arg0: i32, %arg1: i32, %arg2: memref<16384x128xi32, #tpu.memory_space<hbm>>, %arg3: memref<16384x128xi32, #tpu.memory_space<hbm>>, %arg4: memref<16x128xi32, #tpu.memory_space<vmem>>, %arg5: memref<16x128xi32, #tpu.memory_space<vmem>>, %arg6: memref<512x128xi32, #tpu.memory_space<vmem>>, %arg7: memref<!tpu.dma_semaphore, #tpu.memory_space<semaphore_mem>>, %arg8: memref<!tpu.dma_semaphore, #tpu.memory_space<semaphore_mem>>) attributes {dimension_semantics = [#tpu.dimension_semantics<core_parallel>, #tpu.dimension_semantics<subcore_parallel>], iteration_bounds = array<i64: 2, 16>, scalar_prefetch = 0 : i64, scratch_operands = 5 : i64, tpu.core_type = #tpu.core_type<sc_vector_subcore>, window_params = [{transform_indices = #map}, {transform_indices = #map}]} {
    %mul3A = arith.constant 2 : i32
    %mul3A_0 = arith.muli %arg1, %mul3A : i32
    %add3A = arith.addi %mul3A_0, %arg0 : i32
    %mul3A_1 = arith.constant 512 : i32
    %mul3A_2 = arith.muli %add3A, %mul3A_1 : i32
    %iota3A = tpu.iota {dimensions = array<i32: 0>} : vector<16xi32>
    %add3A_3 = arith.constant 0 : i32
    %add3A_4 = arith.addi %mul3A_2, %add3A_3 : i32
    %dma_start3A = arith.constant 0 : i32
    %dma_start3A_5 = tpu.memref_slice %arg2[%add3A_4, %dma_start3A] : memref<16384x128xi32, #tpu.memory_space<hbm>> -> memref<16x128xi32, #tpu.memory_space<hbm>>
    %dma_start3A_6 = arith.constant 0 : i32
    %dma_start3A_7 = tpu.memref_slice %arg2[%add3A_4, %dma_start3A_6] : memref<16384x128xi32, #tpu.memory_space<hbm>> -> memref<16x128xi32, #tpu.memory_space<hbm>>
    tpu.enqueue_dma source(%dma_start3A_7 : memref<16x128xi32, #tpu.memory_space<hbm>>) target(%arg4 : memref<16x128xi32, #tpu.memory_space<vmem>>) target_semaphore(%arg7 : memref<!tpu.dma_semaphore, #tpu.memory_space<semaphore_mem>>)
    %add3A_8 = arith.constant 16 : i32
    %add3A_9 = arith.addi %mul3A_2, %add3A_8 : i32
    %dma_start3A_10 = arith.constant 0 : i32
    %dma_start3A_11 = tpu.memref_slice %arg2[%add3A_9, %dma_start3A_10] : memref<16384x128xi32, #tpu.memory_space<hbm>> -> memref<16x128xi32, #tpu.memory_space<hbm>>
    %dma_start3A_12 = arith.constant 0 : i32
    %dma_start3A_13 = tpu.memref_slice %arg2[%add3A_9, %dma_start3A_12] : memref<16384x128xi32, #tpu.memory_space<hbm>> -> memref<16x128xi32, #tpu.memory_space<hbm>>
    tpu.enqueue_dma source(%dma_start3A_13 : memref<16x128xi32, #tpu.memory_space<hbm>>) target(%arg5 : memref<16x128xi32, #tpu.memory_space<vmem>>) target_semaphore(%arg8 : memref<!tpu.dma_semaphore, #tpu.memory_space<semaphore_mem>>)
    %scan3A = arith.constant 0 : i32
    %scan3A_14 = arith.constant 0 : i32
    %scan3A_15 = arith.constant 16 : i32
    %scan3A_16 = arith.addi %scan3A_14, %scan3A_15 : i32
    %scan3A_17 = arith.constant 1 : i32
    scf.for %scan3A_30 = %scan3A_14 to %scan3A_16 step %scan3A_17  : i32 {
      %mul3A_31 = arith.constant 2 : i32
      %mul3A_32 = arith.muli %mul3A_31, %scan3A_30 : i32
      %add3A_33 = arith.constant 0 : i32
      %add3A_34 = arith.addi %mul3A_32, %add3A_33 : i32
      %mul3A_35 = arith.constant 16 : i32
      %mul3A_36 = arith.muli %add3A_34, %mul3A_35 : i32
      %add3A_37 = arith.addi %mul3A_2, %mul3A_36 : i32
      %dma_wait3A_38 = arith.constant 0 : i32
      %dma_wait3A_39 = tpu.memref_slice %arg2[%add3A_37, %dma_wait3A_38] : memref<16384x128xi32, #tpu.memory_space<hbm>> -> memref<16x128xi32, #tpu.memory_space<hbm>>
      %dma_wait3A_40 = arith.constant 0 : i32
      %dma_wait3A_41 = tpu.memref_slice %arg2[%add3A_37, %dma_wait3A_40] : memref<16384x128xi32, #tpu.memory_space<hbm>> -> memref<16x128xi32, #tpu.memory_space<hbm>>
      tpu.wait_dma2 semaphore(%arg7 : memref<!tpu.dma_semaphore, #tpu.memory_space<semaphore_mem>>) src(%dma_wait3A_41 : memref<16x128xi32, #tpu.memory_space<hbm>>) dst(%arg4 : memref<16x128xi32, #tpu.memory_space<vmem>>)
      %broadcast_in_dim3A = arith.constant 0 : i32
      %broadcast_in_dim3A_42 = vector.broadcast %broadcast_in_dim3A : i32 to vector<16xi32>
      %gather3A = tpu.vector_load_idx %arg4[%iota3A, %broadcast_in_dim3A_42] : memref<16x128xi32, #tpu.memory_space<vmem>>[vector<16xi32>, vector<16xi32>], vector<16xi32>,
      %broadcast_in_dim3A_43 = arith.constant 1 : i32
      %broadcast_in_dim3A_44 = vector.broadcast %broadcast_in_dim3A_43 : i32 to vector<16xi32>
      %gather3A_45 = tpu.vector_load_idx %arg4[%iota3A, %broadcast_in_dim3A_44] : memref<16x128xi32, #tpu.memory_space<vmem>>[vector<16xi32>, vector<16xi32>], vector<16xi32>,
      %broadcast_in_dim3A_46 = arith.constant 2 : i32
      %broadcast_in_dim3A_47 = vector.broadcast %broadcast_in_dim3A_46 : i32 to vector<16xi32>
      %gather3A_48 = tpu.vector_load_idx %arg4[%iota3A, %broadcast_in_dim3A_47] : memref<16x128xi32, #tpu.memory_space<vmem>>[vector<16xi32>, vector<16xi32>], vector<16xi32>,
      %broadcast_in_dim3A_49 = arith.constant 3 : i32
      %broadcast_in_dim3A_50 = vector.broadcast %broadcast_in_dim3A_49 : i32 to vector<16xi32>
      %gather3A_51 = tpu.vector_load_idx %arg4[%iota3A, %broadcast_in_dim3A_50] : memref<16x128xi32, #tpu.memory_space<vmem>>[vector<16xi32>, vector<16xi32>], vector<16xi32>,
      %broadcast_in_dim3A_52 = arith.constant 4 : i32
      %broadcast_in_dim3A_53 = vector.broadcast %broadcast_in_dim3A_52 : i32 to vector<16xi32>
      %gather3A_54 = tpu.vector_load_idx %arg4[%iota3A, %broadcast_in_dim3A_53] : memref<16x128xi32, #tpu.memory_space<vmem>>[vector<16xi32>, vector<16xi32>], vector<16xi32>,
      %broadcast_in_dim3A_55 = arith.constant 5 : i32
      %broadcast_in_dim3A_56 = vector.broadcast %broadcast_in_dim3A_55 : i32 to vector<16xi32>
      %gather3A_57 = tpu.vector_load_idx %arg4[%iota3A, %broadcast_in_dim3A_56] : memref<16x128xi32, #tpu.memory_space<vmem>>[vector<16xi32>, vector<16xi32>], vector<16xi32>,
      %broadcast_in_dim3A_58 = arith.constant 6 : i32
      %broadcast_in_dim3A_59 = vector.broadcast %broadcast_in_dim3A_58 : i32 to vector<16xi32>
      %gather3A_60 = tpu.vector_load_idx %arg4[%iota3A, %broadcast_in_dim3A_59] : memref<16x128xi32, #tpu.memory_space<vmem>>[vector<16xi32>, vector<16xi32>], vector<16xi32>,
      %broadcast_in_dim3A_61 = arith.constant 7 : i32
      %broadcast_in_dim3A_62 = vector.broadcast %broadcast_in_dim3A_61 : i32 to vector<16xi32>
      %gather3A_63 = tpu.vector_load_idx %arg4[%iota3A, %broadcast_in_dim3A_62] : memref<16x128xi32, #tpu.memory_space<vmem>>[vector<16xi32>, vector<16xi32>], vector<16xi32>,
      %max3A = arith.maxsi %gather3A, %gather3A_45 : vector<16xi32>
      %min3A = arith.minsi %gather3A, %gather3A_45 : vector<16xi32>
      %max3A_64 = arith.maxsi %gather3A_48, %gather3A_51 : vector<16xi32>
      %min3A_65 = arith.minsi %gather3A_48, %gather3A_51 : vector<16xi32>
      %max3A_66 = arith.maxsi %gather3A_54, %gather3A_57 : vector<16xi32>
      %min3A_67 = arith.minsi %gather3A_54, %gather3A_57 : vector<16xi32>
      %max3A_68 = arith.maxsi %gather3A_60, %gather3A_63 : vector<16xi32>
      %min3A_69 = arith.minsi %gather3A_60, %gather3A_63 : vector<16xi32>
      %max3A_70 = arith.maxsi %max3A, %max3A_64 : vector<16xi32>
      %min3A_71 = arith.minsi %max3A, %max3A_64 : vector<16xi32>
      %max3A_72 = arith.maxsi %min3A, %min3A_65 : vector<16xi32>
      %min3A_73 = arith.minsi %min3A, %min3A_65 : vector<16xi32>
      %max3A_74 = arith.maxsi %max3A_66, %max3A_68 : vector<16xi32>
      %min3A_75 = arith.minsi %max3A_66, %max3A_68 : vector<16xi32>
      %max3A_76 = arith.maxsi %min3A_67, %min3A_69 : vector<16xi32>
      %min3A_77 = arith.minsi %min3A_67, %min3A_69 : vector<16xi32>
      %max3A_78 = arith.maxsi %max3A_72, %min3A_71 : vector<16xi32>
      %min3A_79 = arith.minsi %max3A_72, %min3A_71 : vector<16xi32>
      %max3A_80 = arith.maxsi %max3A_76, %min3A_75 : vector<16xi32>
      %min3A_81 = arith.minsi %max3A_76, %min3A_75 : vector<16xi32>
      %max3A_82 = arith.maxsi %max3A_70, %max3A_74 : vector<16xi32>
      %min3A_83 = arith.minsi %max3A_70, %max3A_74 : vector<16xi32>
      %max3A_84 = arith.maxsi %max3A_78, %max3A_80 : vector<16xi32>
      %min3A_85 = arith.minsi %max3A_78, %max3A_80 : vector<16xi32>
      %max3A_86 = arith.maxsi %min3A_79, %min3A_81 : vector<16xi32>
      %min3A_87 = arith.minsi %min3A_79, %min3A_81 : vector<16xi32>
      %max3A_88 = arith.maxsi %min3A_73, %min3A_77 : vector<16xi32>
      %min3A_89 = arith.minsi %min3A_73, %min3A_77 : vector<16xi32>
      %max3A_90 = arith.maxsi %max3A_86, %min3A_83 : vector<16xi32>
      %min3A_91 = arith.minsi %max3A_86, %min3A_83 : vector<16xi32>
      %max3A_92 = arith.maxsi %max3A_88, %min3A_85 : vector<16xi32>
      %min3A_93 = arith.minsi %max3A_88, %min3A_85 : vector<16xi32>
      %max3A_94 = arith.maxsi %max3A_84, %max3A_90 : vector<16xi32>
      %min3A_95 = arith.minsi %max3A_84, %max3A_90 : vector<16xi32>
      %max3A_96 = arith.maxsi %max3A_92, %min3A_91 : vector<16xi32>
      %min3A_97 = arith.minsi %max3A_92, %min3A_91 : vector<16xi32>
      %max3A_98 = arith.maxsi %min3A_93, %min3A_87 : vector<16xi32>
      %min3A_99 = arith.minsi %min3A_93, %min3A_87 : vector<16xi32>
      %broadcast_in_dim3A_100 = arith.constant 8 : i32
      %broadcast_in_dim3A_101 = vector.broadcast %broadcast_in_dim3A_100 : i32 to vector<16xi32>
      %gather3A_102 = tpu.vector_load_idx %arg4[%iota3A, %broadcast_in_dim3A_101] : memref<16x128xi32, #tpu.memory_space<vmem>>[vector<16xi32>, vector<16xi32>], vector<16xi32>,
      %broadcast_in_dim3A_103 = arith.constant 9 : i32
      %broadcast_in_dim3A_104 = vector.broadcast %broadcast_in_dim3A_103 : i32 to vector<16xi32>
      %gather3A_105 = tpu.vector_load_idx %arg4[%iota3A, %broadcast_in_dim3A_104] : memref<16x128xi32, #tpu.memory_space<vmem>>[vector<16xi32>, vector<16xi32>], vector<16xi32>,
      %broadcast_in_dim3A_106 = arith.constant 10 : i32
      %broadcast_in_dim3A_107 = vector.broadcast %broadcast_in_dim3A_106 : i32 to vector<16xi32>
      %gather3A_108 = tpu.vector_load_idx %arg4[%iota3A, %broadcast_in_dim3A_107] : memref<16x128xi32, #tpu.memory_space<vmem>>[vector<16xi32>, vector<16xi32>], vector<16xi32>,
      %broadcast_in_dim3A_109 = arith.constant 11 : i32
      %broadcast_in_dim3A_110 = vector.broadcast %broadcast_in_dim3A_109 : i32 to vector<16xi32>
      %gather3A_111 = tpu.vector_load_idx %arg4[%iota3A, %broadcast_in_dim3A_110] : memref<16x128xi32, #tpu.memory_space<vmem>>[vector<16xi32>, vector<16xi32>], vector<16xi32>,
      %broadcast_in_dim3A_112 = arith.constant 12 : i32
      %broadcast_in_dim3A_113 = vector.broadcast %broadcast_in_dim3A_112 : i32 to vector<16xi32>
      %gather3A_114 = tpu.vector_load_idx %arg4[%iota3A, %broadcast_in_dim3A_113] : memref<16x128xi32, #tpu.memory_space<vmem>>[vector<16xi32>, vector<16xi32>], vector<16xi32>,
      %broadcast_in_dim3A_115 = arith.constant 13 : i32
      %broadcast_in_dim3A_116 = vector.broadcast %broadcast_in_dim3A_115 : i32 to vector<16xi32>
      %gather3A_117 = tpu.vector_load_idx %arg4[%iota3A, %broadcast_in_dim3A_116] : memref<16x128xi32, #tpu.memory_space<vmem>>[vector<16xi32>, vector<16xi32>], vector<16xi32>,
      %broadcast_in_dim3A_118 = arith.constant 14 : i32
      %broadcast_in_dim3A_119 = vector.broadcast %broadcast_in_dim3A_118 : i32 to vector<16xi32>
      %gather3A_120 = tpu.vector_load_idx %arg4[%iota3A, %broadcast_in_dim3A_119] : memref<16x128xi32, #tpu.memory_space<vmem>>[vector<16xi32>, vector<16xi32>], vector<16xi32>,
      %broadcast_in_dim3A_121 = arith.constant 15 : i32
      %broadcast_in_dim3A_122 = vector.broadcast %broadcast_in_dim3A_121 : i32 to vector<16xi32>
      %gather3A_123 = tpu.vector_load_idx %arg4[%iota3A, %broadcast_in_dim3A_122] : memref<16x128xi32, #tpu.memory_space<vmem>>[vector<16xi32>, vector<16xi32>], vector<16xi32>,
      %max3A_124 = arith.maxsi %gather3A_102, %gather3A_105 : vector<16xi32>
      %min3A_125 = arith.minsi %gather3A_102, %gather3A_105 : vector<16xi32>
      %max3A_126 = arith.maxsi %gather3A_108, %gather3A_111 : vector<16xi32>
      %min3A_127 = arith.minsi %gather3A_108, %gather3A_111 : vector<16xi32>
      %max3A_128 = arith.maxsi %gather3A_114, %gather3A_117 : vector<16xi32>
      %min3A_129 = arith.minsi %gather3A_114, %gather3A_117 : vector<16xi32>
      %max3A_130 = arith.maxsi %gather3A_120, %gather3A_123 : vector<16xi32>
      %min3A_131 = arith.minsi %gather3A_120, %gather3A_123 : vector<16xi32>
      %max3A_132 = arith.maxsi %max3A_124, %max3A_126 : vector<16xi32>
      %min3A_133 = arith.minsi %max3A_124, %max3A_126 : vector<16xi32>
      %max3A_134 = arith.maxsi %min3A_125, %min3A_127 : vector<16xi32>
      %min3A_135 = arith.minsi %min3A_125, %min3A_127 : vector<16xi32>
      %max3A_136 = arith.maxsi %max3A_128, %max3A_130 : vector<16xi32>
      %min3A_137 = arith.minsi %max3A_128, %max3A_130 : vector<16xi32>
      %max3A_138 = arith.maxsi %min3A_129, %min3A_131 : vector<16xi32>
      %min3A_139 = arith.minsi %min3A_129, %min3A_131 : vector<16xi32>
      %max3A_140 = arith.maxsi %max3A_134, %min3A_133 : vector<16xi32>
      %min3A_141 = arith.minsi %max3A_134, %min3A_133 : vector<16xi32>
      %max3A_142 = arith.maxsi %max3A_138, %min3A_137 : vector<16xi32>
      %min3A_143 = arith.minsi %max3A_138, %min3A_137 : vector<16xi32>
      %max3A_144 = arith.maxsi %max3A_132, %max3A_136 : vector<16xi32>
      %min3A_145 = arith.minsi %max3A_132, %max3A_136 : vector<16xi32>
      %max3A_146 = arith.maxsi %max3A_140, %max3A_142 : vector<16xi32>
      %min3A_147 = arith.minsi %max3A_140, %max3A_142 : vector<16xi32>
      %max3A_148 = arith.maxsi %min3A_141, %min3A_143 : vector<16xi32>
      %min3A_149 = arith.minsi %min3A_141, %min3A_143 : vector<16xi32>
      %max3A_150 = arith.maxsi %min3A_135, %min3A_139 : vector<16xi32>
      %min3A_151 = arith.minsi %min3A_135, %min3A_139 : vector<16xi32>
      %max3A_152 = arith.maxsi %max3A_148, %min3A_145 : vector<16xi32>
      %min3A_153 = arith.minsi %max3A_148, %min3A_145 : vector<16xi32>
      %max3A_154 = arith.maxsi %max3A_150, %min3A_147 : vector<16xi32>
      %min3A_155 = arith.minsi %max3A_150, %min3A_147 : vector<16xi32>
      %max3A_156 = arith.maxsi %max3A_146, %max3A_152 : vector<16xi32>
      %min3A_157 = arith.minsi %max3A_146, %max3A_152 : vector<16xi32>
      %max3A_158 = arith.maxsi %max3A_154, %min3A_153 : vector<16xi32>
      %min3A_159 = arith.minsi %max3A_154, %min3A_153 : vector<16xi32>
      %max3A_160 = arith.maxsi %min3A_155, %min3A_149 : vector<16xi32>
      %min3A_161 = arith.minsi %min3A_155, %min3A_149 : vector<16xi32>
      %max3A_162 = arith.maxsi %max3A_82, %min3A_151 : vector<16xi32>
      %max3A_163 = arith.maxsi %max3A_94, %min3A_161 : vector<16xi32>
      %max3A_164 = arith.maxsi %min3A_95, %max3A_160 : vector<16xi32>
      %max3A_165 = arith.maxsi %max3A_96, %min3A_159 : vector<16xi32>
      %max3A_166 = arith.maxsi %min3A_97, %max3A_158 : vector<16xi32>
      %max3A_167 = arith.maxsi %max3A_98, %min3A_157 : vector<16xi32>
      %max3A_168 = arith.maxsi %min3A_99, %max3A_156 : vector<16xi32>
      %max3A_169 = arith.maxsi %min3A_89, %max3A_144 : vector<16xi32>
      %max3A_170 = arith.maxsi %max3A_162, %max3A_166 : vector<16xi32>
      %min3A_171 = arith.minsi %max3A_162, %max3A_166 : vector<16xi32>
      %max3A_172 = arith.maxsi %max3A_163, %max3A_167 : vector<16xi32>
      %min3A_173 = arith.minsi %max3A_163, %max3A_167 : vector<16xi32>
      %max3A_174 = arith.maxsi %max3A_164, %max3A_168 : vector<16xi32>
      %min3A_175 = arith.minsi %max3A_164, %max3A_168 : vector<16xi32>
      %max3A_176 = arith.maxsi %max3A_165, %max3A_169 : vector<16xi32>
      %min3A_177 = arith.minsi %max3A_165, %max3A_169 : vector<16xi32>
      %max3A_178 = arith.maxsi %max3A_170, %max3A_174 : vector<16xi32>
      %min3A_179 = arith.minsi %max3A_170, %max3A_174 : vector<16xi32>
      %max3A_180 = arith.maxsi %max3A_172, %max3A_176 : vector<16xi32>
      %min3A_181 = arith.minsi %max3A_172, %max3A_176 : vector<16xi32>
      %max3A_182 = arith.maxsi %min3A_171, %min3A_175 : vector<16xi32>
      %min3A_183 = arith.minsi %min3A_171, %min3A_175 : vector<16xi32>
      %max3A_184 = arith.maxsi %min3A_173, %min3A_177 : vector<16xi32>
      %min3A_185 = arith.minsi %min3A_173, %min3A_177 : vector<16xi32>
      %max3A_186 = arith.maxsi %max3A_178, %max3A_180 : vector<16xi32>
      %min3A_187 = arith.minsi %max3A_178, %max3A_180 : vector<16xi32>
      %max3A_188 = arith.maxsi %min3A_179, %min3A_181 : vector<16xi32>
      %min3A_189 = arith.minsi %min3A_179, %min3A_181 : vector<16xi32>
      %max3A_190 = arith.maxsi %max3A_182, %max3A_184 : vector<16xi32>
      %min3A_191 = arith.minsi %max3A_182, %max3A_184 : vector<16xi32>
      %max3A_192 = arith.maxsi %min3A_183, %min3A_185 : vector<16xi32>
      %min3A_193 = arith.minsi %min3A_183, %min3A_185 : vector<16xi32>
      %broadcast_in_dim3A_194 = arith.constant 16 : i32
      %broadcast_in_dim3A_195 = vector.broadcast %broadcast_in_dim3A_194 : i32 to vector<16xi32>
      %gather3A_196 = tpu.vector_load_idx %arg4[%iota3A, %broadcast_in_dim3A_195] : memref<16x128xi32, #tpu.memory_space<vmem>>[vector<16xi32>, vector<16xi32>], vector<16xi32>,
      %broadcast_in_dim3A_197 = arith.constant 17 : i32
      %broadcast_in_dim3A_198 = vector.broadcast %broadcast_in_dim3A_197 : i32 to vector<16xi32>
      %gather3A_199 = tpu.vector_load_idx %arg4[%iota3A, %broadcast_in_dim3A_198] : memref<16x128xi32, #tpu.memory_space<vmem>>[vector<16xi32>, vector<16xi32>], vector<16xi32>,
      %broadcast_in_dim3A_200 = arith.constant 18 : i32
      %broadcast_in_dim3A_201 = vector.broadcast %broadcast_in_dim3A_200 : i32 to vector<16xi32>
      %gather3A_202 = tpu.vector_load_idx %arg4[%iota3A, %broadcast_in_dim3A_201] : memref<16x128xi32, #tpu.memory_space<vmem>>[vector<16xi32>, vector<16xi32>], vector<16xi32>,
      %broadcast_in_dim3A_203 = arith.constant 19 : i32
      %broadcast_in_dim3A_204 = vector.broadcast %broadcast_in_dim3A_203 : i32 to vector<16xi32>
      %gather3A_205 = tpu.vector_load_idx %arg4[%iota3A, %broadcast_in_dim3A_204] : memref<16x128xi32, #tpu.memory_space<vmem>>[vector<16xi32>, vector<16xi32>], vector<16xi32>,
      %broadcast_in_dim3A_206 = arith.constant 20 : i32
      %broadcast_in_dim3A_207 = vector.broadcast %broadcast_in_dim3A_206 : i32 to vector<16xi32>
      %gather3A_208 = tpu.vector_load_idx %arg4[%iota3A, %broadcast_in_dim3A_207] : memref<16x128xi32, #tpu.memory_space<vmem>>[vector<16xi32>, vector<16xi32>], vector<16xi32>,
      %broadcast_in_dim3A_209 = arith.constant 21 : i32
      %broadcast_in_dim3A_210 = vector.broadcast %broadcast_in_dim3A_209 : i32 to vector<16xi32>
      %gather3A_211 = tpu.vector_load_idx %arg4[%iota3A, %broadcast_in_dim3A_210] : memref<16x128xi32, #tpu.memory_space<vmem>>[vector<16xi32>, vector<16xi32>], vector<16xi32>,
      %broadcast_in_dim3A_212 = arith.constant 22 : i32
      %broadcast_in_dim3A_213 = vector.broadcast %broadcast_in_dim3A_212 : i32 to vector<16xi32>
      %gather3A_214 = tpu.vector_load_idx %arg4[%iota3A, %broadcast_in_dim3A_213] : memref<16x128xi32, #tpu.memory_space<vmem>>[vector<16xi32>, vector<16xi32>], vector<16xi32>,
      %broadcast_in_dim3A_215 = arith.constant 23 : i32
      %broadcast_in_dim3A_216 = vector.broadcast %broadcast_in_dim3A_215 : i32 to vector<16xi32>
      %gather3A_217 = tpu.vector_load_idx %arg4[%iota3A, %broadcast_in_dim3A_216] : memref<16x128xi32, #tpu.memory_space<vmem>>[vector<16xi32>, vector<16xi32>], vector<16xi32>,
      %max3A_218 = arith.maxsi %gather3A_196, %gather3A_199 : vector<16xi32>
      %min3A_219 = arith.minsi %gather3A_196, %gather3A_199 : vector<16xi32>
      %max3A_220 = arith.maxsi %gather3A_202, %gather3A_205 : vector<16xi32>
      %min3A_221 = arith.minsi %gather3A_202, %gather3A_205 : vector<16xi32>
      %max3A_222 = arith.maxsi %gather3A_208, %gather3A_211 : vector<16xi32>
      %min3A_223 = arith.minsi %gather3A_208, %gather3A_211 : vector<16xi32>
      %max3A_224 = arith.maxsi %gather3A_214, %gather3A_217 : vector<16xi32>
      %min3A_225 = arith.minsi %gather3A_214, %gather3A_217 : vector<16xi32>
      %max3A_226 = arith.maxsi %max3A_218, %max3A_220 : vector<16xi32>
      %min3A_227 = arith.minsi %max3A_218, %max3A_220 : vector<16xi32>
      %max3A_228 = arith.maxsi %min3A_219, %min3A_221 : vector<16xi32>
      %min3A_229 = arith.minsi %min3A_219, %min3A_221 : vector<16xi32>
      %max3A_230 = arith.maxsi %max3A_222, %max3A_224 : vector<16xi32>
      %min3A_231 = arith.minsi %max3A_222, %max3A_224 : vector<16xi32>
      %max3A_232 = arith.maxsi %min3A_223, %min3A_225 : vector<16xi32>
      %min3A_233 = arith.minsi %min3A_223, %min3A_225 : vector<16xi32>
      %max3A_234 = arith.maxsi %max3A_228, %min3A_227 : vector<16xi32>
      %min3A_235 = arith.minsi %max3A_228, %min3A_227 : vector<16xi32>
      %max3A_236 = arith.maxsi %max3A_232, %min3A_231 : vector<16xi32>
      %min3A_237 = arith.minsi %max3A_232, %min3A_231 : vector<16xi32>
      %max3A_238 = arith.maxsi %max3A_226, %max3A_230 : vector<16xi32>
      %min3A_239 = arith.minsi %max3A_226, %max3A_230 : vector<16xi32>
      %max3A_240 = arith.maxsi %max3A_234, %max3A_236 : vector<16xi32>
      %min3A_241 = arith.minsi %max3A_234, %max3A_236 : vector<16xi32>
      %max3A_242 = arith.maxsi %min3A_235, %min3A_237 : vector<16xi32>
      %min3A_243 = arith.minsi %min3A_235, %min3A_237 : vector<16xi32>
      %max3A_244 = arith.maxsi %min3A_229, %min3A_233 : vector<16xi32>
      %min3A_245 = arith.minsi %min3A_229, %min3A_233 : vector<16xi32>
      %max3A_246 = arith.maxsi %max3A_242, %min3A_239 : vector<16xi32>
      %min3A_247 = arith.minsi %max3A_242, %min3A_239 : vector<16xi32>
      %max3A_248 = arith.maxsi %max3A_244, %min3A_241 : vector<16xi32>
      %min3A_249 = arith.minsi %max3A_244, %min3A_241 : vector<16xi32>
      %max3A_250 = arith.maxsi %max3A_240, %max3A_246 : vector<16xi32>
      %min3A_251 = arith.minsi %max3A_240, %max3A_246 : vector<16xi32>
      %max3A_252 = arith.maxsi %max3A_248, %min3A_247 : vector<16xi32>
      %min3A_253 = arith.minsi %max3A_248, %min3A_247 : vector<16xi32>
      %max3A_254 = arith.maxsi %min3A_249, %min3A_243 : vector<16xi32>
      %min3A_255 = arith.minsi %min3A_249, %min3A_243 : vector<16xi32>
      %max3A_256 = arith.maxsi %max3A_186, %min3A_245 : vector<16xi32>
      %max3A_257 = arith.maxsi %min3A_187, %min3A_255 : vector<16xi32>
      %max3A_258 = arith.maxsi %max3A_188, %max3A_254 : vector<16xi32>
      %max3A_259 = arith.maxsi %min3A_189, %min3A_253 : vector<16xi32>
      %max3A_260 = arith.maxsi %max3A_190, %max3A_252 : vector<16xi32>
      %max3A_261 = arith.maxsi %min3A_191, %min3A_251 : vector<16xi32>
      %max3A_262 = arith.maxsi %max3A_192, %max3A_250 : vector<16xi32>
      %max3A_263 = arith.maxsi %min3A_193, %max3A_238 : vector<16xi32>
      %max3A_264 = arith.maxsi %max3A_256, %max3A_260 : vector<16xi32>
      %min3A_265 = arith.minsi %max3A_256, %max3A_260 : vector<16xi32>
      %max3A_266 = arith.maxsi %max3A_257, %max3A_261 : vector<16xi32>
      %min3A_267 = arith.minsi %max3A_257, %max3A_261 : vector<16xi32>
      %max3A_268 = arith.maxsi %max3A_258, %max3A_262 : vector<16xi32>
      %min3A_269 = arith.minsi %max3A_258, %max3A_262 : vector<16xi32>
      %max3A_270 = arith.maxsi %max3A_259, %max3A_263 : vector<16xi32>
      %min3A_271 = arith.minsi %max3A_259, %max3A_263 : vector<16xi32>
      %max3A_272 = arith.maxsi %max3A_264, %max3A_268 : vector<16xi32>
      %min3A_273 = arith.minsi %max3A_264, %max3A_268 : vector<16xi32>
      %max3A_274 = arith.maxsi %max3A_266, %max3A_270 : vector<16xi32>
      %min3A_275 = arith.minsi %max3A_266, %max3A_270 : vector<16xi32>
      %max3A_276 = arith.maxsi %min3A_265, %min3A_269 : vector<16xi32>
      %min3A_277 = arith.minsi %min3A_265, %min3A_269 : vector<16xi32>
      %max3A_278 = arith.maxsi %min3A_267, %min3A_271 : vector<16xi32>
      %min3A_279 = arith.minsi %min3A_267, %min3A_271 : vector<16xi32>
      %max3A_280 = arith.maxsi %max3A_272, %max3A_274 : vector<16xi32>
      %min3A_281 = arith.minsi %max3A_272, %max3A_274 : vector<16xi32>
      %max3A_282 = arith.maxsi %min3A_273, %min3A_275 : vector<16xi32>
      %min3A_283 = arith.minsi %min3A_273, %min3A_275 : vector<16xi32>
      %max3A_284 = arith.maxsi %max3A_276, %max3A_278 : vector<16xi32>
      %min3A_285 = arith.minsi %max3A_276, %max3A_278 : vector<16xi32>
      %max3A_286 = arith.maxsi %min3A_277, %min3A_279 : vector<16xi32>
      %min3A_287 = arith.minsi %min3A_277, %min3A_279 : vector<16xi32>
      %broadcast_in_dim3A_288 = arith.constant 24 : i32
      %broadcast_in_dim3A_289 = vector.broadcast %broadcast_in_dim3A_288 : i32 to vector<16xi32>
      %gather3A_290 = tpu.vector_load_idx %arg4[%iota3A, %broadcast_in_dim3A_289] : memref<16x128xi32, #tpu.memory_space<vmem>>[vector<16xi32>, vector<16xi32>], vector<16xi32>,
      %broadcast_in_dim3A_291 = arith.constant 25 : i32
      %broadcast_in_dim3A_292 = vector.broadcast %broadcast_in_dim3A_291 : i32 to vector<16xi32>
      %gather3A_293 = tpu.vector_load_idx %arg4[%iota3A, %broadcast_in_dim3A_292] : memref<16x128xi32, #tpu.memory_space<vmem>>[vector<16xi32>, vector<16xi32>], vector<16xi32>,
      %broadcast_in_dim3A_294 = arith.constant 26 : i32
      %broadcast_in_dim3A_295 = vector.broadcast %broadcast_in_dim3A_294 : i32 to vector<16xi32>
      %gather3A_296 = tpu.vector_load_idx %arg4[%iota3A, %broadcast_in_dim3A_295] : memref<16x128xi32, #tpu.memory_space<vmem>>[vector<16xi32>, vector<16xi32>], vector<16xi32>,
      %broadcast_in_dim3A_297 = arith.constant 27 : i32
      %broadcast_in_dim3A_298 = vector.broadcast %broadcast_in_dim3A_297 : i32 to vector<16xi32>
      %gather3A_299 = tpu.vector_load_idx %arg4[%iota3A, %broadcast_in_dim3A_298] : memref<16x128xi32, #tpu.memory_space<vmem>>[vector<16xi32>, vector<16xi32>], vector<16xi32>,
      %broadcast_in_dim3A_300 = arith.constant 28 : i32
      %broadcast_in_dim3A_301 = vector.broadcast %broadcast_in_dim3A_300 : i32 to vector<16xi32>
      %gather3A_302 = tpu.vector_load_idx %arg4[%iota3A, %broadcast_in_dim3A_301] : memref<16x128xi32, #tpu.memory_space<vmem>>[vector<16xi32>, vector<16xi32>], vector<16xi32>,
      %broadcast_in_dim3A_303 = arith.constant 29 : i32
      %broadcast_in_dim3A_304 = vector.broadcast %broadcast_in_dim3A_303 : i32 to vector<16xi32>
      %gather3A_305 = tpu.vector_load_idx %arg4[%iota3A, %broadcast_in_dim3A_304] : memref<16x128xi32, #tpu.memory_space<vmem>>[vector<16xi32>, vector<16xi32>], vector<16xi32>,
      %broadcast_in_dim3A_306 = arith.constant 30 : i32
      %broadcast_in_dim3A_307 = vector.broadcast %broadcast_in_dim3A_306 : i32 to vector<16xi32>
      %gather3A_308 = tpu.vector_load_idx %arg4[%iota3A, %broadcast_in_dim3A_307] : memref<16x128xi32, #tpu.memory_space<vmem>>[vector<16xi32>, vector<16xi32>], vector<16xi32>,
      %broadcast_in_dim3A_309 = arith.constant 31 : i32
      %broadcast_in_dim3A_310 = vector.broadcast %broadcast_in_dim3A_309 : i32 to vector<16xi32>
      %gather3A_311 = tpu.vector_load_idx %arg4[%iota3A, %broadcast_in_dim3A_310] : memref<16x128xi32, #tpu.memory_space<vmem>>[vector<16xi32>, vector<16xi32>], vector<16xi32>,
      %max3A_312 = arith.maxsi %gather3A_290, %gather3A_293 : vector<16xi32>
      %min3A_313 = arith.minsi %gather3A_290, %gather3A_293 : vector<16xi32>
      %max3A_314 = arith.maxsi %gather3A_296, %gather3A_299 : vector<16xi32>
      %min3A_315 = arith.minsi %gather3A_296, %gather3A_299 : vector<16xi32>
      %max3A_316 = arith.maxsi %gather3A_302, %gather3A_305 : vector<16xi32>
      %min3A_317 = arith.minsi %gather3A_302, %gather3A_305 : vector<16xi32>
      %max3A_318 = arith.maxsi %gather3A_308, %gather3A_311 : vector<16xi32>
      %min3A_319 = arith.minsi %gather3A_308, %gather3A_311 : vector<16xi32>
      %max3A_320 = arith.maxsi %max3A_312, %max3A_314 : vector<16xi32>
      %min3A_321 = arith.minsi %max3A_312, %max3A_314 : vector<16xi32>
      %max3A_322 = arith.maxsi %min3A_313, %min3A_315 : vector<16xi32>
      %min3A_323 = arith.minsi %min3A_313, %min3A_315 : vector<16xi32>
      %max3A_324 = arith.maxsi %max3A_316, %max3A_318 : vector<16xi32>
      %min3A_325 = arith.minsi %max3A_316, %max3A_318 : vector<16xi32>
      %max3A_326 = arith.maxsi %min3A_317, %min3A_319 : vector<16xi32>
      %min3A_327 = arith.minsi %min3A_317, %min3A_319 : vector<16xi32>
      %max3A_328 = arith.maxsi %max3A_322, %min3A_321 : vector<16xi32>
      %min3A_329 = arith.minsi %max3A_322, %min3A_321 : vector<16xi32>
      %max3A_330 = arith.maxsi %max3A_326, %min3A_325 : vector<16xi32>
      %min3A_331 = arith.minsi %max3A_326, %min3A_325 : vector<16xi32>
      %max3A_332 = arith.maxsi %max3A_320, %max3A_324 : vector<16xi32>
      %min3A_333 = arith.minsi %max3A_320, %max3A_324 : vector<16xi32>
      %max3A_334 = arith.maxsi %max3A_328, %max3A_330 : vector<16xi32>
      %min3A_335 = arith.minsi %max3A_328, %max3A_330 : vector<16xi32>
      %max3A_336 = arith.maxsi %min3A_329, %min3A_331 : vector<16xi32>
      %min3A_337 = arith.minsi %min3A_329, %min3A_331 : vector<16xi32>
      %max3A_338 = arith.maxsi %min3A_323, %min3A_327 : vector<16xi32>
      %min3A_339 = arith.minsi %min3A_323, %min3A_327 : vector<16xi32>
      %max3A_340 = arith.maxsi %max3A_336, %min3A_333 : vector<16xi32>
      %min3A_341 = arith.minsi %max3A_336, %min3A_333 : vector<16xi32>
      %max3A_342 = arith.maxsi %max3A_338, %min3A_335 : vector<16xi32>
      %min3A_343 = arith.minsi %max3A_338, %min3A_335 : vector<16xi32>
      %max3A_344 = arith.maxsi %max3A_334, %max3A_340 : vector<16xi32>
      %min3A_345 = arith.minsi %max3A_334, %max3A_340 : vector<16xi32>
      %max3A_346 = arith.maxsi %max3A_342, %min3A_341 : vector<16xi32>
      %min3A_347 = arith.minsi %max3A_342, %min3A_341 : vector<16xi32>
      %max3A_348 = arith.maxsi %min3A_343, %min3A_337 : vector<16xi32>
      %min3A_349 = arith.minsi %min3A_343, %min3A_337 : vector<16xi32>
      %max3A_350 = arith.maxsi %max3A_280, %min3A_339 : vector<16xi32>
      %max3A_351 = arith.maxsi %min3A_281, %min3A_349 : vector<16xi32>
      %max3A_352 = arith.maxsi %max3A_282, %max3A_348 : vector<16xi32>
      %max3A_353 = arith.maxsi %min3A_283, %min3A_347 : vector<16xi32>
      %max3A_354 = arith.maxsi %max3A_284, %max3A_346 : vector<16xi32>
      %max3A_355 = arith.maxsi %min3A_285, %min3A_345 : vector<16xi32>
      %max3A_356 = arith.maxsi %max3A_286, %max3A_344 : vector<16xi32>
      %max3A_357 = arith.maxsi %min3A_287, %max3A_332 : vector<16xi32>
      %max3A_358 = arith.maxsi %max3A_350, %max3A_354 : vector<16xi32>
      %min3A_359 = arith.minsi %max3A_350, %max3A_354 : vector<16xi32>
      %max3A_360 = arith.maxsi %max3A_351, %max3A_355 : vector<16xi32>
      %min3A_361 = arith.minsi %max3A_351, %max3A_355 : vector<16xi32>
      %max3A_362 = arith.maxsi %max3A_352, %max3A_356 : vector<16xi32>
      %min3A_363 = arith.minsi %max3A_352, %max3A_356 : vector<16xi32>
      %max3A_364 = arith.maxsi %max3A_353, %max3A_357 : vector<16xi32>
      %min3A_365 = arith.minsi %max3A_353, %max3A_357 : vector<16xi32>
      %max3A_366 = arith.maxsi %max3A_358, %max3A_362 : vector<16xi32>
      %min3A_367 = arith.minsi %max3A_358, %max3A_362 : vector<16xi32>
      %max3A_368 = arith.maxsi %max3A_360, %max3A_364 : vector<16xi32>
      %min3A_369 = arith.minsi %max3A_360, %max3A_364 : vector<16xi32>
      %max3A_370 = arith.maxsi %min3A_359, %min3A_363 : vector<16xi32>
      %min3A_371 = arith.minsi %min3A_359, %min3A_363 : vector<16xi32>
      %max3A_372 = arith.maxsi %min3A_361, %min3A_365 : vector<16xi32>
      %min3A_373 = arith.minsi %min3A_361, %min3A_365 : vector<16xi32>
      %max3A_374 = arith.maxsi %max3A_366, %max3A_368 : vector<16xi32>
      %min3A_375 = arith.minsi %max3A_366, %max3A_368 : vector<16xi32>
      %max3A_376 = arith.maxsi %min3A_367, %min3A_369 : vector<16xi32>
      %min3A_377 = arith.minsi %min3A_367, %min3A_369 : vector<16xi32>
      %max3A_378 = arith.maxsi %max3A_370, %max3A_372 : vector<16xi32>
      %min3A_379 = arith.minsi %max3A_370, %max3A_372 : vector<16xi32>
      %max3A_380 = arith.maxsi %min3A_371, %min3A_373 : vector<16xi32>
      %min3A_381 = arith.minsi %min3A_371, %min3A_373 : vector<16xi32>
      %broadcast_in_dim3A_382 = arith.constant 32 : i32
      %broadcast_in_dim3A_383 = vector.broadcast %broadcast_in_dim3A_382 : i32 to vector<16xi32>
      %gather3A_384 = tpu.vector_load_idx %arg4[%iota3A, %broadcast_in_dim3A_383] : memref<16x128xi32, #tpu.memory_space<vmem>>[vector<16xi32>, vector<16xi32>], vector<16xi32>,
      %broadcast_in_dim3A_385 = arith.constant 33 : i32
      %broadcast_in_dim3A_386 = vector.broadcast %broadcast_in_dim3A_385 : i32 to vector<16xi32>
      %gather3A_387 = tpu.vector_load_idx %arg4[%iota3A, %broadcast_in_dim3A_386] : memref<16x128xi32, #tpu.memory_space<vmem>>[vector<16xi32>, vector<16xi32>], vector<16xi32>,
      %broadcast_in_dim3A_388 = arith.constant 34 : i32
      %broadcast_in_dim3A_389 = vector.broadcast %broadcast_in_dim3A_388 : i32 to vector<16xi32>
      %gather3A_390 = tpu.vector_load_idx %arg4[%iota3A, %broadcast_in_dim3A_389] : memref<16x128xi32, #tpu.memory_space<vmem>>[vector<16xi32>, vector<16xi32>], vector<16xi32>,
      %broadcast_in_dim3A_391 = arith.constant 35 : i32
      %broadcast_in_dim3A_392 = vector.broadcast %broadcast_in_dim3A_391 : i32 to vector<16xi32>
      %gather3A_393 = tpu.vector_load_idx %arg4[%iota3A, %broadcast_in_dim3A_392] : memref<16x128xi32, #tpu.memory_space<vmem>>[vector<16xi32>, vector<16xi32>], vector<16xi32>,
      %broadcast_in_dim3A_394 = arith.constant 36 : i32
      %broadcast_in_dim3A_395 = vector.broadcast %broadcast_in_dim3A_394 : i32 to vector<16xi32>
      %gather3A_396 = tpu.vector_load_idx %arg4[%iota3A, %broadcast_in_dim3A_395] : memref<16x128xi32, #tpu.memory_space<vmem>>[vector<16xi32>, vector<16xi32>], vector<16xi32>,
      %broadcast_in_dim3A_397 = arith.constant 37 : i32
      %broadcast_in_dim3A_398 = vector.broadcast %broadcast_in_dim3A_397 : i32 to vector<16xi32>
      %gather3A_399 = tpu.vector_load_idx %arg4[%iota3A, %broadcast_in_dim3A_398] : memref<16x128xi32, #tpu.memory_space<vmem>>[vector<16xi32>, vector<16xi32>], vector<16xi32>,
      %broadcast_in_dim3A_400 = arith.constant 38 : i32
      %broadcast_in_dim3A_401 = vector.broadcast %broadcast_in_dim3A_400 : i32 to vector<16xi32>
      %gather3A_402 = tpu.vector_load_idx %arg4[%iota3A, %broadcast_in_dim3A_401] : memref<16x128xi32, #tpu.memory_space<vmem>>[vector<16xi32>, vector<16xi32>], vector<16xi32>,
      %broadcast_in_dim3A_403 = arith.constant 39 : i32
      %broadcast_in_dim3A_404 = vector.broadcast %broadcast_in_dim3A_403 : i32 to vector<16xi32>
      %gather3A_405 = tpu.vector_load_idx %arg4[%iota3A, %broadcast_in_dim3A_404] : memref<16x128xi32, #tpu.memory_space<vmem>>[vector<16xi32>, vector<16xi32>], vector<16xi32>,
      %max3A_406 = arith.maxsi %gather3A_384, %gather3A_387 : vector<16xi32>
      %min3A_407 = arith.minsi %gather3A_384, %gather3A_387 : vector<16xi32>
      %max3A_408 = arith.maxsi %gather3A_390, %gather3A_393 : vector<16xi32>
      %min3A_409 = arith.minsi %gather3A_390, %gather3A_393 : vector<16xi32>
      %max3A_410 = arith.maxsi %gather3A_396, %gather3A_399 : vector<16xi32>
      %min3A_411 = arith.minsi %gather3A_396, %gather3A_399 : vector<16xi32>
      %max3A_412 = arith.maxsi %gather3A_402, %gather3A_405 : vector<16xi32>
      %min3A_413 = arith.minsi %gather3A_402, %gather3A_405 : vector<16xi32>
      %max3A_414 = arith.maxsi %max3A_406, %max3A_408 : vector<16xi32>
      %min3A_415 = arith.minsi %max3A_406, %max3A_408 : vector<16xi32>
      %max3A_416 = arith.maxsi %min3A_407, %min3A_409 : vector<16xi32>
      %min3A_417 = arith.minsi %min3A_407, %min3A_409 : vector<16xi32>
      %max3A_418 = arith.maxsi %max3A_410, %max3A_412 : vector<16xi32>
      %min3A_419 = arith.minsi %max3A_410, %max3A_412 : vector<16xi32>
      %max3A_420 = arith.maxsi %min3A_411, %min3A_413 : vector<16xi32>
      %min3A_421 = arith.minsi %min3A_411, %min3A_413 : vector<16xi32>
      %max3A_422 = arith.maxsi %max3A_416, %min3A_415 : vector<16xi32>
      %min3A_423 = arith.minsi %max3A_416, %min3A_415 : vector<16xi32>
      %max3A_424 = arith.maxsi %max3A_420, %min3A_419 : vector<16xi32>
      %min3A_425 = arith.minsi %max3A_420, %min3A_419 : vector<16xi32>
      %max3A_426 = arith.maxsi %max3A_414, %max3A_418 : vector<16xi32>
      %min3A_427 = arith.minsi %max3A_414, %max3A_418 : vector<16xi32>
      %max3A_428 = arith.maxsi %max3A_422, %max3A_424 : vector<16xi32>
      %min3A_429 = arith.minsi %max3A_422, %max3A_424 : vector<16xi32>
      %max3A_430 = arith.maxsi %min3A_423, %min3A_425 : vector<16xi32>
      %min3A_431 = arith.minsi %min3A_423, %min3A_425 : vector<16xi32>
      %max3A_432 = arith.maxsi %min3A_417, %min3A_421 : vector<16xi32>
      %min3A_433 = arith.minsi %min3A_417, %min3A_421 : vector<16xi32>
      %max3A_434 = arith.maxsi %max3A_430, %min3A_427 : vector<16xi32>
      %min3A_435 = arith.minsi %max3A_430, %min3A_427 : vector<16xi32>
      %max3A_436 = arith.maxsi %max3A_432, %min3A_429 : vector<16xi32>
      %min3A_437 = arith.minsi %max3A_432, %min3A_429 : vector<16xi32>
      %max3A_438 = arith.maxsi %max3A_428, %max3A_434 : vector<16xi32>
      %min3A_439 = arith.minsi %max3A_428, %max3A_434 : vector<16xi32>
      %max3A_440 = arith.maxsi %max3A_436, %min3A_435 : vector<16xi32>
      %min3A_441 = arith.minsi %max3A_436, %min3A_435 : vector<16xi32>
      %max3A_442 = arith.maxsi %min3A_437, %min3A_431 : vector<16xi32>
      %min3A_443 = arith.minsi %min3A_437, %min3A_431 : vector<16xi32>
      %max3A_444 = arith.maxsi %max3A_374, %min3A_433 : vector<16xi32>
      %max3A_445 = arith.maxsi %min3A_375, %min3A_443 : vector<16xi32>
      %max3A_446 = arith.maxsi %max3A_376, %max3A_442 : vector<16xi32>
      %max3A_447 = arith.maxsi %min3A_377, %min3A_441 : vector<16xi32>
      %max3A_448 = arith.maxsi %max3A_378, %max3A_440 : vector<16xi32>
      %max3A_449 = arith.maxsi %min3A_379, %min3A_439 : vector<16xi32>
      %max3A_450 = arith.maxsi %max3A_380, %max3A_438 : vector<16xi32>
      %max3A_451 = arith.maxsi %min3A_381, %max3A_426 : vector<16xi32>
      %max3A_452 = arith.maxsi %max3A_444, %max3A_448 : vector<16xi32>
      %min3A_453 = arith.minsi %max3A_444, %max3A_448 : vector<16xi32>
      %max3A_454 = arith.maxsi %max3A_445, %max3A_449 : vector<16xi32>
      %min3A_455 = arith.minsi %max3A_445, %max3A_449 : vector<16xi32>
      %max3A_456 = arith.maxsi %max3A_446, %max3A_450 : vector<16xi32>
      %min3A_457 = arith.minsi %max3A_446, %max3A_450 : vector<16xi32>
      %max3A_458 = arith.maxsi %max3A_447, %max3A_451 : vector<16xi32>
      %min3A_459 = arith.minsi %max3A_447, %max3A_451 : vector<16xi32>
      %max3A_460 = arith.maxsi %max3A_452, %max3A_456 : vector<16xi32>
      %min3A_461 = arith.minsi %max3A_452, %max3A_456 : vector<16xi32>
      %max3A_462 = arith.maxsi %max3A_454, %max3A_458 : vector<16xi32>
      %min3A_463 = arith.minsi %max3A_454, %max3A_458 : vector<16xi32>
      %max3A_464 = arith.maxsi %min3A_453, %min3A_457 : vector<16xi32>
      %min3A_465 = arith.minsi %min3A_453, %min3A_457 : vector<16xi32>
      %max3A_466 = arith.maxsi %min3A_455, %min3A_459 : vector<16xi32>
      %min3A_467 = arith.minsi %min3A_455, %min3A_459 : vector<16xi32>
      %max3A_468 = arith.maxsi %max3A_460, %max3A_462 : vector<16xi32>
      %min3A_469 = arith.minsi %max3A_460, %max3A_462 : vector<16xi32>
      %max3A_470 = arith.maxsi %min3A_461, %min3A_463 : vector<16xi32>
      %min3A_471 = arith.minsi %min3A_461, %min3A_463 : vector<16xi32>
      %max3A_472 = arith.maxsi %max3A_464, %max3A_466 : vector<16xi32>
      %min3A_473 = arith.minsi %max3A_464, %max3A_466 : vector<16xi32>
      %max3A_474 = arith.maxsi %min3A_465, %min3A_467 : vector<16xi32>
      %min3A_475 = arith.minsi %min3A_465, %min3A_467 : vector<16xi32>
      %broadcast_in_dim3A_476 = arith.constant 40 : i32
      %broadcast_in_dim3A_477 = vector.broadcast %broadcast_in_dim3A_476 : i32 to vector<16xi32>
      %gather3A_478 = tpu.vector_load_idx %arg4[%iota3A, %broadcast_in_dim3A_477] : memref<16x128xi32, #tpu.memory_space<vmem>>[vector<16xi32>, vector<16xi32>], vector<16xi32>,
      %broadcast_in_dim3A_479 = arith.constant 41 : i32
      %broadcast_in_dim3A_480 = vector.broadcast %broadcast_in_dim3A_479 : i32 to vector<16xi32>
      %gather3A_481 = tpu.vector_load_idx %arg4[%iota3A, %broadcast_in_dim3A_480] : memref<16x128xi32, #tpu.memory_space<vmem>>[vector<16xi32>, vector<16xi32>], vector<16xi32>,
      %broadcast_in_dim3A_482 = arith.constant 42 : i32
      %broadcast_in_dim3A_483 = vector.broadcast %broadcast_in_dim3A_482 : i32 to vector<16xi32>
      %gather3A_484 = tpu.vector_load_idx %arg4[%iota3A, %broadcast_in_dim3A_483] : memref<16x128xi32, #tpu.memory_space<vmem>>[vector<16xi32>, vector<16xi32>], vector<16xi32>,
      %broadcast_in_dim3A_485 = arith.constant 43 : i32
      %broadcast_in_dim3A_486 = vector.broadcast %broadcast_in_dim3A_485 : i32 to vector<16xi32>
      %gather3A_487 = tpu.vector_load_idx %arg4[%iota3A, %broadcast_in_dim3A_486] : memref<16x128xi32, #tpu.memory_space<vmem>>[vector<16xi32>, vector<16xi32>], vector<16xi32>,
      %broadcast_in_dim3A_488 = arith.constant 44 : i32
      %broadcast_in_dim3A_489 = vector.broadcast %broadcast_in_dim3A_488 : i32 to vector<16xi32>
      %gather3A_490 = tpu.vector_load_idx %arg4[%iota3A, %broadcast_in_dim3A_489] : memref<16x128xi32, #tpu.memory_space<vmem>>[vector<16xi32>, vector<16xi32>], vector<16xi32>,
      %broadcast_in_dim3A_491 = arith.constant 45 : i32
      %broadcast_in_dim3A_492 = vector.broadcast %broadcast_in_dim3A_491 : i32 to vector<16xi32>
      %gather3A_493 = tpu.vector_load_idx %arg4[%iota3A, %broadcast_in_dim3A_492] : memref<16x128xi32, #tpu.memory_space<vmem>>[vector<16xi32>, vector<16xi32>], vector<16xi32>,
      %broadcast_in_dim3A_494 = arith.constant 46 : i32
      %broadcast_in_dim3A_495 = vector.broadcast %broadcast_in_dim3A_494 : i32 to vector<16xi32>
      %gather3A_496 = tpu.vector_load_idx %arg4[%iota3A, %broadcast_in_dim3A_495] : memref<16x128xi32, #tpu.memory_space<vmem>>[vector<16xi32>, vector<16xi32>], vector<16xi32>,
      %broadcast_in_dim3A_497 = arith.constant 47 : i32
      %broadcast_in_dim3A_498 = vector.broadcast %broadcast_in_dim3A_497 : i32 to vector<16xi32>
      %gather3A_499 = tpu.vector_load_idx %arg4[%iota3A, %broadcast_in_dim3A_498] : memref<16x128xi32, #tpu.memory_space<vmem>>[vector<16xi32>, vector<16xi32>], vector<16xi32>,
      %max3A_500 = arith.maxsi %gather3A_478, %gather3A_481 : vector<16xi32>
      %min3A_501 = arith.minsi %gather3A_478, %gather3A_481 : vector<16xi32>
      %max3A_502 = arith.maxsi %gather3A_484, %gather3A_487 : vector<16xi32>
      %min3A_503 = arith.minsi %gather3A_484, %gather3A_487 : vector<16xi32>
      %max3A_504 = arith.maxsi %gather3A_490, %gather3A_493 : vector<16xi32>
      %min3A_505 = arith.minsi %gather3A_490, %gather3A_493 : vector<16xi32>
      %max3A_506 = arith.maxsi %gather3A_496, %gather3A_499 : vector<16xi32>
      %min3A_507 = arith.minsi %gather3A_496, %gather3A_499 : vector<16xi32>
      %max3A_508 = arith.maxsi %max3A_500, %max3A_502 : vector<16xi32>
      %min3A_509 = arith.minsi %max3A_500, %max3A_502 : vector<16xi32>
      %max3A_510 = arith.maxsi %min3A_501, %min3A_503 : vector<16xi32>
      %min3A_511 = arith.minsi %min3A_501, %min3A_503 : vector<16xi32>
      %max3A_512 = arith.maxsi %max3A_504, %max3A_506 : vector<16xi32>
      %min3A_513 = arith.minsi %max3A_504, %max3A_506 : vector<16xi32>
      %max3A_514 = arith.maxsi %min3A_505, %min3A_507 : vector<16xi32>
      %min3A_515 = arith.minsi %min3A_505, %min3A_507 : vector<16xi32>
      %max3A_516 = arith.maxsi %max3A_510, %min3A_509 : vector<16xi32>
      %min3A_517 = arith.minsi %max3A_510, %min3A_509 : vector<16xi32>
      %max3A_518 = arith.maxsi %max3A_514, %min3A_513 : vector<16xi32>
      %min3A_519 = arith.minsi %max3A_514, %min3A_513 : vector<16xi32>
      %max3A_520 = arith.maxsi %max3A_508, %max3A_512 : vector<16xi32>
      %min3A_521 = arith.minsi %max3A_508, %max3A_512 : vector<16xi32>
      %max3A_522 = arith.maxsi %max3A_516, %max3A_518 : vector<16xi32>
      %min3A_523 = arith.minsi %max3A_516, %max3A_518 : vector<16xi32>
      %max3A_524 = arith.maxsi %min3A_517, %min3A_519 : vector<16xi32>
      %min3A_525 = arith.minsi %min3A_517, %min3A_519 : vector<16xi32>
      %max3A_526 = arith.maxsi %min3A_511, %min3A_515 : vector<16xi32>
      %min3A_527 = arith.minsi %min3A_511, %min3A_515 : vector<16xi32>
      %max3A_528 = arith.maxsi %max3A_524, %min3A_521 : vector<16xi32>
      %min3A_529 = arith.minsi %max3A_524, %min3A_521 : vector<16xi32>
      %max3A_530 = arith.maxsi %max3A_526, %min3A_523 : vector<16xi32>
      %min3A_531 = arith.minsi %max3A_526, %min3A_523 : vector<16xi32>
      %max3A_532 = arith.maxsi %max3A_522, %max3A_528 : vector<16xi32>
      %min3A_533 = arith.minsi %max3A_522, %max3A_528 : vector<16xi32>
      %max3A_534 = arith.maxsi %max3A_530, %min3A_529 : vector<16xi32>
      %min3A_535 = arith.minsi %max3A_530, %min3A_529 : vector<16xi32>
      %max3A_536 = arith.maxsi %min3A_531, %min3A_525 : vector<16xi32>
      %min3A_537 = arith.minsi %min3A_531, %min3A_525 : vector<16xi32>
      %max3A_538 = arith.maxsi %max3A_468, %min3A_527 : vector<16xi32>
      %max3A_539 = arith.maxsi %min3A_469, %min3A_537 : vector<16xi32>
      %max3A_540 = arith.maxsi %max3A_470, %max3A_536 : vector<16xi32>
      %max3A_541 = arith.maxsi %min3A_471, %min3A_535 : vector<16xi32>
      %max3A_542 = arith.maxsi %max3A_472, %max3A_534 : vector<16xi32>
      %max3A_543 = arith.maxsi %min3A_473, %min3A_533 : vector<16xi32>
      %max3A_544 = arith.maxsi %max3A_474, %max3A_532 : vector<16xi32>
      %max3A_545 = arith.maxsi %min3A_475, %max3A_520 : vector<16xi32>
      %max3A_546 = arith.maxsi %max3A_538, %max3A_542 : vector<16xi32>
      %min3A_547 = arith.minsi %max3A_538, %max3A_542 : vector<16xi32>
      %max3A_548 = arith.maxsi %max3A_539, %max3A_543 : vector<16xi32>
      %min3A_549 = arith.minsi %max3A_539, %max3A_543 : vector<16xi32>
      %max3A_550 = arith.maxsi %max3A_540, %max3A_544 : vector<16xi32>
      %min3A_551 = arith.minsi %max3A_540, %max3A_544 : vector<16xi32>
      %max3A_552 = arith.maxsi %max3A_541, %max3A_545 : vector<16xi32>
      %min3A_553 = arith.minsi %max3A_541, %max3A_545 : vector<16xi32>
      %max3A_554 = arith.maxsi %max3A_546, %max3A_550 : vector<16xi32>
      %min3A_555 = arith.minsi %max3A_546, %max3A_550 : vector<16xi32>
      %max3A_556 = arith.maxsi %max3A_548, %max3A_552 : vector<16xi32>
      %min3A_557 = arith.minsi %max3A_548, %max3A_552 : vector<16xi32>
      %max3A_558 = arith.maxsi %min3A_547, %min3A_551 : vector<16xi32>
      %min3A_559 = arith.minsi %min3A_547, %min3A_551 : vector<16xi32>
      %max3A_560 = arith.maxsi %min3A_549, %min3A_553 : vector<16xi32>
      %min3A_561 = arith.minsi %min3A_549, %min3A_553 : vector<16xi32>
      %max3A_562 = arith.maxsi %max3A_554, %max3A_556 : vector<16xi32>
      %min3A_563 = arith.minsi %max3A_554, %max3A_556 : vector<16xi32>
      %max3A_564 = arith.maxsi %min3A_555, %min3A_557 : vector<16xi32>
      %min3A_565 = arith.minsi %min3A_555, %min3A_557 : vector<16xi32>
      %max3A_566 = arith.maxsi %max3A_558, %max3A_560 : vector<16xi32>
      %min3A_567 = arith.minsi %max3A_558, %max3A_560 : vector<16xi32>
      %max3A_568 = arith.maxsi %min3A_559, %min3A_561 : vector<16xi32>
      %min3A_569 = arith.minsi %min3A_559, %min3A_561 : vector<16xi32>
      %broadcast_in_dim3A_570 = arith.constant 48 : i32
      %broadcast_in_dim3A_571 = vector.broadcast %broadcast_in_dim3A_570 : i32 to vector<16xi32>
      %gather3A_572 = tpu.vector_load_idx %arg4[%iota3A, %broadcast_in_dim3A_571] : memref<16x128xi32, #tpu.memory_space<vmem>>[vector<16xi32>, vector<16xi32>], vector<16xi32>,
      %broadcast_in_dim3A_573 = arith.constant 49 : i32
      %broadcast_in_dim3A_574 = vector.broadcast %broadcast_in_dim3A_573 : i32 to vector<16xi32>
      %gather3A_575 = tpu.vector_load_idx %arg4[%iota3A, %broadcast_in_dim3A_574] : memref<16x128xi32, #tpu.memory_space<vmem>>[vector<16xi32>, vector<16xi32>], vector<16xi32>,
      %broadcast_in_dim3A_576 = arith.constant 50 : i32
      %broadcast_in_dim3A_577 = vector.broadcast %broadcast_in_dim3A_576 : i32 to vector<16xi32>
      %gather3A_578 = tpu.vector_load_idx %arg4[%iota3A, %broadcast_in_dim3A_577] : memref<16x128xi32, #tpu.memory_space<vmem>>[vector<16xi32>, vector<16xi32>], vector<16xi32>,
      %broadcast_in_dim3A_579 = arith.constant 51 : i32
      %broadcast_in_dim3A_580 = vector.broadcast %broadcast_in_dim3A_579 : i32 to vector<16xi32>
      %gather3A_581 = tpu.vector_load_idx %arg4[%iota3A, %broadcast_in_dim3A_580] : memref<16x128xi32, #tpu.memory_space<vmem>>[vector<16xi32>, vector<16xi32>], vector<16xi32>,
      %broadcast_in_dim3A_582 = arith.constant 52 : i32
      %broadcast_in_dim3A_583 = vector.broadcast %broadcast_in_dim3A_582 : i32 to vector<16xi32>
      %gather3A_584 = tpu.vector_load_idx %arg4[%iota3A, %broadcast_in_dim3A_583] : memref<16x128xi32, #tpu.memory_space<vmem>>[vector<16xi32>, vector<16xi32>], vector<16xi32>,
      %broadcast_in_dim3A_585 = arith.constant 53 : i32
      %broadcast_in_dim3A_586 = vector.broadcast %broadcast_in_dim3A_585 : i32 to vector<16xi32>
      %gather3A_587 = tpu.vector_load_idx %arg4[%iota3A, %broadcast_in_dim3A_586] : memref<16x128xi32, #tpu.memory_space<vmem>>[vector<16xi32>, vector<16xi32>], vector<16xi32>,
      %broadcast_in_dim3A_588 = arith.constant 54 : i32
      %broadcast_in_dim3A_589 = vector.broadcast %broadcast_in_dim3A_588 : i32 to vector<16xi32>
      %gather3A_590 = tpu.vector_load_idx %arg4[%iota3A, %broadcast_in_dim3A_589] : memref<16x128xi32, #tpu.memory_space<vmem>>[vector<16xi32>, vector<16xi32>], vector<16xi32>,
      %broadcast_in_dim3A_591 = arith.constant 55 : i32
      %broadcast_in_dim3A_592 = vector.broadcast %broadcast_in_dim3A_591 : i32 to vector<16xi32>
      %gather3A_593 = tpu.vector_load_idx %arg4[%iota3A, %broadcast_in_dim3A_592] : memref<16x128xi32, #tpu.memory_space<vmem>>[vector<16xi32>, vector<16xi32>], vector<16xi32>,
      %max3A_594 = arith.maxsi %gather3A_572, %gather3A_575 : vector<16xi32>
      %min3A_595 = arith.minsi %gather3A_572, %gather3A_575 : vector<16xi32>
      %max3A_596 = arith.maxsi %gather3A_578, %gather3A_581 : vector<16xi32>
      %min3A_597 = arith.minsi %gather3A_578, %gather3A_581 : vector<16xi32>
      %max3A_598 = arith.maxsi %gather3A_584, %gather3A_587 : vector<16xi32>
      %min3A_599 = arith.minsi %gather3A_584, %gather3A_587 : vector<16xi32>
      %max3A_600 = arith.maxsi %gather3A_590, %gather3A_593 : vector<16xi32>
      %min3A_601 = arith.minsi %gather3A_590, %gather3A_593 : vector<16xi32>
      %max3A_602 = arith.maxsi %max3A_594, %max3A_596 : vector<16xi32>
      %min3A_603 = arith.minsi %max3A_594, %max3A_596 : vector<16xi32>
      %max3A_604 = arith.maxsi %min3A_595, %min3A_597 : vector<16xi32>
      %min3A_605 = arith.minsi %min3A_595, %min3A_597 : vector<16xi32>
      %max3A_606 = arith.maxsi %max3A_598, %max3A_600 : vector<16xi32>
      %min3A_607 = arith.minsi %max3A_598, %max3A_600 : vector<16xi32>
      %max3A_608 = arith.maxsi %min3A_599, %min3A_601 : vector<16xi32>
      %min3A_609 = arith.minsi %min3A_599, %min3A_601 : vector<16xi32>
      %max3A_610 = arith.maxsi %max3A_604, %min3A_603 : vector<16xi32>
      %min3A_611 = arith.minsi %max3A_604, %min3A_603 : vector<16xi32>
      %max3A_612 = arith.maxsi %max3A_608, %min3A_607 : vector<16xi32>
      %min3A_613 = arith.minsi %max3A_608, %min3A_607 : vector<16xi32>
      %max3A_614 = arith.maxsi %max3A_602, %max3A_606 : vector<16xi32>
      %min3A_615 = arith.minsi %max3A_602, %max3A_606 : vector<16xi32>
      %max3A_616 = arith.maxsi %max3A_610, %max3A_612 : vector<16xi32>
      %min3A_617 = arith.minsi %max3A_610, %max3A_612 : vector<16xi32>
      %max3A_618 = arith.maxsi %min3A_611, %min3A_613 : vector<16xi32>
      %min3A_619 = arith.minsi %min3A_611, %min3A_613 : vector<16xi32>
      %max3A_620 = arith.maxsi %min3A_605, %min3A_609 : vector<16xi32>
      %min3A_621 = arith.minsi %min3A_605, %min3A_609 : vector<16xi32>
      %max3A_622 = arith.maxsi %max3A_618, %min3A_615 : vector<16xi32>
      %min3A_623 = arith.minsi %max3A_618, %min3A_615 : vector<16xi32>
      %max3A_624 = arith.maxsi %max3A_620, %min3A_617 : vector<16xi32>
      %min3A_625 = arith.minsi %max3A_620, %min3A_617 : vector<16xi32>
      %max3A_626 = arith.maxsi %max3A_616, %max3A_622 : vector<16xi32>
      %min3A_627 = arith.minsi %max3A_616, %max3A_622 : vector<16xi32>
      %max3A_628 = arith.maxsi %max3A_624, %min3A_623 : vector<16xi32>
      %min3A_629 = arith.minsi %max3A_624, %min3A_623 : vector<16xi32>
      %max3A_630 = arith.maxsi %min3A_625, %min3A_619 : vector<16xi32>
      %min3A_631 = arith.minsi %min3A_625, %min3A_619 : vector<16xi32>
      %max3A_632 = arith.maxsi %max3A_562, %min3A_621 : vector<16xi32>
      %max3A_633 = arith.maxsi %min3A_563, %min3A_631 : vector<16xi32>
      %max3A_634 = arith.maxsi %max3A_564, %max3A_630 : vector<16xi32>
      %max3A_635 = arith.maxsi %min3A_565, %min3A_629 : vector<16xi32>
      %max3A_636 = arith.maxsi %max3A_566, %max3A_628 : vector<16xi32>
      %max3A_637 = arith.maxsi %min3A_567, %min3A_627 : vector<16xi32>
      %max3A_638 = arith.maxsi %max3A_568, %max3A_626 : vector<16xi32>
      %max3A_639 = arith.maxsi %min3A_569, %max3A_614 : vector<16xi32>
      %max3A_640 = arith.maxsi %max3A_632, %max3A_636 : vector<16xi32>
      %min3A_641 = arith.minsi %max3A_632, %max3A_636 : vector<16xi32>
      %max3A_642 = arith.maxsi %max3A_633, %max3A_637 : vector<16xi32>
      %min3A_643 = arith.minsi %max3A_633, %max3A_637 : vector<16xi32>
      %max3A_644 = arith.maxsi %max3A_634, %max3A_638 : vector<16xi32>
      %min3A_645 = arith.minsi %max3A_634, %max3A_638 : vector<16xi32>
      %max3A_646 = arith.maxsi %max3A_635, %max3A_639 : vector<16xi32>
      %min3A_647 = arith.minsi %max3A_635, %max3A_639 : vector<16xi32>
      %max3A_648 = arith.maxsi %max3A_640, %max3A_644 : vector<16xi32>
      %min3A_649 = arith.minsi %max3A_640, %max3A_644 : vector<16xi32>
      %max3A_650 = arith.maxsi %max3A_642, %max3A_646 : vector<16xi32>
      %min3A_651 = arith.minsi %max3A_642, %max3A_646 : vector<16xi32>
      %max3A_652 = arith.maxsi %min3A_641, %min3A_645 : vector<16xi32>
      %min3A_653 = arith.minsi %min3A_641, %min3A_645 : vector<16xi32>
      %max3A_654 = arith.maxsi %min3A_643, %min3A_647 : vector<16xi32>
      %min3A_655 = arith.minsi %min3A_643, %min3A_647 : vector<16xi32>
      %max3A_656 = arith.maxsi %max3A_648, %max3A_650 : vector<16xi32>
      %min3A_657 = arith.minsi %max3A_648, %max3A_650 : vector<16xi32>
      %max3A_658 = arith.maxsi %min3A_649, %min3A_651 : vector<16xi32>
      %min3A_659 = arith.minsi %min3A_649, %min3A_651 : vector<16xi32>
      %max3A_660 = arith.maxsi %max3A_652, %max3A_654 : vector<16xi32>
      %min3A_661 = arith.minsi %max3A_652, %max3A_654 : vector<16xi32>
      %max3A_662 = arith.maxsi %min3A_653, %min3A_655 : vector<16xi32>
      %min3A_663 = arith.minsi %min3A_653, %min3A_655 : vector<16xi32>
      %broadcast_in_dim3A_664 = arith.constant 56 : i32
      %broadcast_in_dim3A_665 = vector.broadcast %broadcast_in_dim3A_664 : i32 to vector<16xi32>
      %gather3A_666 = tpu.vector_load_idx %arg4[%iota3A, %broadcast_in_dim3A_665] : memref<16x128xi32, #tpu.memory_space<vmem>>[vector<16xi32>, vector<16xi32>], vector<16xi32>,
      %broadcast_in_dim3A_667 = arith.constant 57 : i32
      %broadcast_in_dim3A_668 = vector.broadcast %broadcast_in_dim3A_667 : i32 to vector<16xi32>
      %gather3A_669 = tpu.vector_load_idx %arg4[%iota3A, %broadcast_in_dim3A_668] : memref<16x128xi32, #tpu.memory_space<vmem>>[vector<16xi32>, vector<16xi32>], vector<16xi32>,
      %broadcast_in_dim3A_670 = arith.constant 58 : i32
      %broadcast_in_dim3A_671 = vector.broadcast %broadcast_in_dim3A_670 : i32 to vector<16xi32>
      %gather3A_672 = tpu.vector_load_idx %arg4[%iota3A, %broadcast_in_dim3A_671] : memref<16x128xi32, #tpu.memory_space<vmem>>[vector<16xi32>, vector<16xi32>], vector<16xi32>,
      %broadcast_in_dim3A_673 = arith.constant 59 : i32
      %broadcast_in_dim3A_674 = vector.broadcast %broadcast_in_dim3A_673 : i32 to vector<16xi32>
      %gather3A_675 = tpu.vector_load_idx %arg4[%iota3A, %broadcast_in_dim3A_674] : memref<16x128xi32, #tpu.memory_space<vmem>>[vector<16xi32>, vector<16xi32>], vector<16xi32>,
      %broadcast_in_dim3A_676 = arith.constant 60 : i32
      %broadcast_in_dim3A_677 = vector.broadcast %broadcast_in_dim3A_676 : i32 to vector<16xi32>
      %gather3A_678 = tpu.vector_load_idx %arg4[%iota3A, %broadcast_in_dim3A_677] : memref<16x128xi32, #tpu.memory_space<vmem>>[vector<16xi32>, vector<16xi32>], vector<16xi32>,
      %broadcast_in_dim3A_679 = arith.constant 61 : i32
      %broadcast_in_dim3A_680 = vector.broadcast %broadcast_in_dim3A_679 : i32 to vector<16xi32>
      %gather3A_681 = tpu.vector_load_idx %arg4[%iota3A, %broadcast_in_dim3A_680] : memref<16x128xi32, #tpu.memory_space<vmem>>[vector<16xi32>, vector<16xi32>], vector<16xi32>,
      %broadcast_in_dim3A_682 = arith.constant 62 : i32
      %broadcast_in_dim3A_683 = vector.broadcast %broadcast_in_dim3A_682 : i32 to vector<16xi32>
      %gather3A_684 = tpu.vector_load_idx %arg4[%iota3A, %broadcast_in_dim3A_683] : memref<16x128xi32, #tpu.memory_space<vmem>>[vector<16xi32>, vector<16xi32>], vector<16xi32>,
      %broadcast_in_dim3A_685 = arith.constant 63 : i32
      %broadcast_in_dim3A_686 = vector.broadcast %broadcast_in_dim3A_685 : i32 to vector<16xi32>
      %gather3A_687 = tpu.vector_load_idx %arg4[%iota3A, %broadcast_in_dim3A_686] : memref<16x128xi32, #tpu.memory_space<vmem>>[vector<16xi32>, vector<16xi32>], vector<16xi32>,
      %max3A_688 = arith.maxsi %gather3A_666, %gather3A_669 : vector<16xi32>
      %min3A_689 = arith.minsi %gather3A_666, %gather3A_669 : vector<16xi32>
      %max3A_690 = arith.maxsi %gather3A_672, %gather3A_675 : vector<16xi32>
      %min3A_691 = arith.minsi %gather3A_672, %gather3A_675 : vector<16xi32>
      %max3A_692 = arith.maxsi %gather3A_678, %gather3A_681 : vector<16xi32>
      %min3A_693 = arith.minsi %gather3A_678, %gather3A_681 : vector<16xi32>
      %max3A_694 = arith.maxsi %gather3A_684, %gather3A_687 : vector<16xi32>
      %min3A_695 = arith.minsi %gather3A_684, %gather3A_687 : vector<16xi32>
      %max3A_696 = arith.maxsi %max3A_688, %max3A_690 : vector<16xi32>
      %min3A_697 = arith.minsi %max3A_688, %max3A_690 : vector<16xi32>
      %max3A_698 = arith.maxsi %min3A_689, %min3A_691 : vector<16xi32>
      %min3A_699 = arith.minsi %min3A_689, %min3A_691 : vector<16xi32>
      %max3A_700 = arith.maxsi %max3A_692, %max3A_694 : vector<16xi32>
      %min3A_701 = arith.minsi %max3A_692, %max3A_694 : vector<16xi32>
      %max3A_702 = arith.maxsi %min3A_693, %min3A_695 : vector<16xi32>
      %min3A_703 = arith.minsi %min3A_693, %min3A_695 : vector<16xi32>
      %max3A_704 = arith.maxsi %max3A_698, %min3A_697 : vector<16xi32>
      %min3A_705 = arith.minsi %max3A_698, %min3A_697 : vector<16xi32>
      %max3A_706 = arith.maxsi %max3A_702, %min3A_701 : vector<16xi32>
      %min3A_707 = arith.minsi %max3A_702, %min3A_701 : vector<16xi32>
      %max3A_708 = arith.maxsi %max3A_696, %max3A_700 : vector<16xi32>
      %min3A_709 = arith.minsi %max3A_696, %max3A_700 : vector<16xi32>
      %max3A_710 = arith.maxsi %max3A_704, %max3A_706 : vector<16xi32>
      %min3A_711 = arith.minsi %max3A_704, %max3A_706 : vector<16xi32>
      %max3A_712 = arith.maxsi %min3A_705, %min3A_707 : vector<16xi32>
      %min3A_713 = arith.minsi %min3A_705, %min3A_707 : vector<16xi32>
      %max3A_714 = arith.maxsi %min3A_699, %min3A_703 : vector<16xi32>
      %min3A_715 = arith.minsi %min3A_699, %min3A_703 : vector<16xi32>
      %max3A_716 = arith.maxsi %max3A_712, %min3A_709 : vector<16xi32>
      %min3A_717 = arith.minsi %max3A_712, %min3A_709 : vector<16xi32>
      %max3A_718 = arith.maxsi %max3A_714, %min3A_711 : vector<16xi32>
      %min3A_719 = arith.minsi %max3A_714, %min3A_711 : vector<16xi32>
      %max3A_720 = arith.maxsi %max3A_710, %max3A_716 : vector<16xi32>
      %min3A_721 = arith.minsi %max3A_710, %max3A_716 : vector<16xi32>
      %max3A_722 = arith.maxsi %max3A_718, %min3A_717 : vector<16xi32>
      %min3A_723 = arith.minsi %max3A_718, %min3A_717 : vector<16xi32>
      %max3A_724 = arith.maxsi %min3A_719, %min3A_713 : vector<16xi32>
      %min3A_725 = arith.minsi %min3A_719, %min3A_713 : vector<16xi32>
      %max3A_726 = arith.maxsi %max3A_656, %min3A_715 : vector<16xi32>
      %max3A_727 = arith.maxsi %min3A_657, %min3A_725 : vector<16xi32>
      %max3A_728 = arith.maxsi %max3A_658, %max3A_724 : vector<16xi32>
      %max3A_729 = arith.maxsi %min3A_659, %min3A_723 : vector<16xi32>
      %max3A_730 = arith.maxsi %max3A_660, %max3A_722 : vector<16xi32>
      %max3A_731 = arith.maxsi %min3A_661, %min3A_721 : vector<16xi32>
      %max3A_732 = arith.maxsi %max3A_662, %max3A_720 : vector<16xi32>
      %max3A_733 = arith.maxsi %min3A_663, %max3A_708 : vector<16xi32>
      %max3A_734 = arith.maxsi %max3A_726, %max3A_730 : vector<16xi32>
      %min3A_735 = arith.minsi %max3A_726, %max3A_730 : vector<16xi32>
      %max3A_736 = arith.maxsi %max3A_727, %max3A_731 : vector<16xi32>
      %min3A_737 = arith.minsi %max3A_727, %max3A_731 : vector<16xi32>
      %max3A_738 = arith.maxsi %max3A_728, %max3A_732 : vector<16xi32>
      %min3A_739 = arith.minsi %max3A_728, %max3A_732 : vector<16xi32>
      %max3A_740 = arith.maxsi %max3A_729, %max3A_733 : vector<16xi32>
      %min3A_741 = arith.minsi %max3A_729, %max3A_733 : vector<16xi32>
      %max3A_742 = arith.maxsi %max3A_734, %max3A_738 : vector<16xi32>
      %min3A_743 = arith.minsi %max3A_734, %max3A_738 : vector<16xi32>
      %max3A_744 = arith.maxsi %max3A_736, %max3A_740 : vector<16xi32>
      %min3A_745 = arith.minsi %max3A_736, %max3A_740 : vector<16xi32>
      %max3A_746 = arith.maxsi %min3A_735, %min3A_739 : vector<16xi32>
      %min3A_747 = arith.minsi %min3A_735, %min3A_739 : vector<16xi32>
      %max3A_748 = arith.maxsi %min3A_737, %min3A_741 : vector<16xi32>
      %min3A_749 = arith.minsi %min3A_737, %min3A_741 : vector<16xi32>
      %max3A_750 = arith.maxsi %max3A_742, %max3A_744 : vector<16xi32>
      %min3A_751 = arith.minsi %max3A_742, %max3A_744 : vector<16xi32>
      %max3A_752 = arith.maxsi %min3A_743, %min3A_745 : vector<16xi32>
      %min3A_753 = arith.minsi %min3A_743, %min3A_745 : vector<16xi32>
      %max3A_754 = arith.maxsi %max3A_746, %max3A_748 : vector<16xi32>
      %min3A_755 = arith.minsi %max3A_746, %max3A_748 : vector<16xi32>
      %max3A_756 = arith.maxsi %min3A_747, %min3A_749 : vector<16xi32>
      %min3A_757 = arith.minsi %min3A_747, %min3A_749 : vector<16xi32>
      %mul3A_758 = arith.constant 16 : i32
      %mul3A_759 = arith.muli %add3A_34, %mul3A_758 : i32
      %add3A_760 = vector.broadcast %mul3A_759 : i32 to vector<16xi32>
      %add3A_761 = arith.addi %add3A_760, %iota3A : vector<16xi32>
      %broadcast_in_dim3A_762 = arith.constant 0 : i32
      %broadcast_in_dim3A_763 = vector.broadcast %broadcast_in_dim3A_762 : i32 to vector<16xi32>
      tpu.vector_store_idx %arg6[%add3A_761, %broadcast_in_dim3A_763], %max3A_750 : memref<512x128xi32, #tpu.memory_space<vmem>>[vector<16xi32>, vector<16xi32>], vector<16xi32>,
      %broadcast_in_dim3A_764 = arith.constant 1 : i32
      %broadcast_in_dim3A_765 = vector.broadcast %broadcast_in_dim3A_764 : i32 to vector<16xi32>
      tpu.vector_store_idx %arg6[%add3A_761, %broadcast_in_dim3A_765], %min3A_751 : memref<512x128xi32, #tpu.memory_space<vmem>>[vector<16xi32>, vector<16xi32>], vector<16xi32>,
      %broadcast_in_dim3A_766 = arith.constant 2 : i32
      %broadcast_in_dim3A_767 = vector.broadcast %broadcast_in_dim3A_766 : i32 to vector<16xi32>
      tpu.vector_store_idx %arg6[%add3A_761, %broadcast_in_dim3A_767], %max3A_752 : memref<512x128xi32, #tpu.memory_space<vmem>>[vector<16xi32>, vector<16xi32>], vector<16xi32>,
      %broadcast_in_dim3A_768 = arith.constant 3 : i32
      %broadcast_in_dim3A_769 = vector.broadcast %broadcast_in_dim3A_768 : i32 to vector<16xi32>
      tpu.vector_store_idx %arg6[%add3A_761, %broadcast_in_dim3A_769], %min3A_753 : memref<512x128xi32, #tpu.memory_space<vmem>>[vector<16xi32>, vector<16xi32>], vector<16xi32>,
      %broadcast_in_dim3A_770 = arith.constant 4 : i32
      %broadcast_in_dim3A_771 = vector.broadcast %broadcast_in_dim3A_770 : i32 to vector<16xi32>
      tpu.vector_store_idx %arg6[%add3A_761, %broadcast_in_dim3A_771], %max3A_754 : memref<512x128xi32, #tpu.memory_space<vmem>>[vector<16xi32>, vector<16xi32>], vector<16xi32>,
      %broadcast_in_dim3A_772 = arith.constant 5 : i32
      %broadcast_in_dim3A_773 = vector.broadcast %broadcast_in_dim3A_772 : i32 to vector<16xi32>
      tpu.vector_store_idx %arg6[%add3A_761, %broadcast_in_dim3A_773], %min3A_755 : memref<512x128xi32, #tpu.memory_space<vmem>>[vector<16xi32>, vector<16xi32>], vector<16xi32>,
      %broadcast_in_dim3A_774 = arith.constant 6 : i32
      %broadcast_in_dim3A_775 = vector.broadcast %broadcast_in_dim3A_774 : i32 to vector<16xi32>
      tpu.vector_store_idx %arg6[%add3A_761, %broadcast_in_dim3A_775], %max3A_756 : memref<512x128xi32, #tpu.memory_space<vmem>>[vector<16xi32>, vector<16xi32>], vector<16xi32>,
      %broadcast_in_dim3A_776 = arith.constant 7 : i32
      %broadcast_in_dim3A_777 = vector.broadcast %broadcast_in_dim3A_776 : i32 to vector<16xi32>
      tpu.vector_store_idx %arg6[%add3A_761, %broadcast_in_dim3A_777], %min3A_757 : memref<512x128xi32, #tpu.memory_space<vmem>>[vector<16xi32>, vector<16xi32>], vector<16xi32>,
      %add3A_778 = arith.constant 2 : i32
      %add3A_779 = arith.addi %add3A_34, %add3A_778 : i32
      %min3A_780 = arith.constant 31 : i32
      %min3A_781 = arith.minsi %add3A_779, %min3A_780 : i32
      %mul3A_782 = arith.constant 16 : i32
      %mul3A_783 = arith.muli %min3A_781, %mul3A_782 : i32
      %add3A_784 = arith.addi %mul3A_2, %mul3A_783 : i32
      %dma_start3A_785 = arith.constant 0 : i32
      %dma_start3A_786 = tpu.memref_slice %arg2[%add3A_784, %dma_start3A_785] : memref<16384x128xi32, #tpu.memory_space<hbm>> -> memref<16x128xi32, #tpu.memory_space<hbm>>
      %dma_start3A_787 = arith.constant 0 : i32
      %dma_start3A_788 = tpu.memref_slice %arg2[%add3A_784, %dma_start3A_787] : memref<16384x128xi32, #tpu.memory_space<hbm>> -> memref<16x128xi32, #tpu.memory_space<hbm>>
      tpu.enqueue_dma source(%dma_start3A_788 : memref<16x128xi32, #tpu.memory_space<hbm>>) target(%arg4 : memref<16x128xi32, #tpu.memory_space<vmem>>) target_semaphore(%arg7 : memref<!tpu.dma_semaphore, #tpu.memory_space<semaphore_mem>>)
      %add3A_789 = arith.constant 1 : i32
      %add3A_790 = arith.addi %mul3A_32, %add3A_789 : i32
      %mul3A_791 = arith.constant 16 : i32
      %mul3A_792 = arith.muli %add3A_790, %mul3A_791 : i32
      %add3A_793 = arith.addi %mul3A_2, %mul3A_792 : i32
      %dma_wait3A_794 = arith.constant 0 : i32
      %dma_wait3A_795 = tpu.memref_slice %arg2[%add3A_793, %dma_wait3A_794] : memref<16384x128xi32, #tpu.memory_space<hbm>> -> memref<16x128xi32, #tpu.memory_space<hbm>>
      %dma_wait3A_796 = arith.constant 0 : i32
      %dma_wait3A_797 = tpu.memref_slice %arg2[%add3A_793, %dma_wait3A_796] : memref<16384x128xi32, #tpu.memory_space<hbm>> -> memref<16x128xi32, #tpu.memory_space<hbm>>
      tpu.wait_dma2 semaphore(%arg8 : memref<!tpu.dma_semaphore, #tpu.memory_space<semaphore_mem>>) src(%dma_wait3A_797 : memref<16x128xi32, #tpu.memory_space<hbm>>) dst(%arg5 : memref<16x128xi32, #tpu.memory_space<vmem>>)
      %broadcast_in_dim3A_798 = arith.constant 0 : i32
      %broadcast_in_dim3A_799 = vector.broadcast %broadcast_in_dim3A_798 : i32 to vector<16xi32>
      %gather3A_800 = tpu.vector_load_idx %arg5[%iota3A, %broadcast_in_dim3A_799] : memref<16x128xi32, #tpu.memory_space<vmem>>[vector<16xi32>, vector<16xi32>], vector<16xi32>,
      %broadcast_in_dim3A_801 = arith.constant 1 : i32
      %broadcast_in_dim3A_802 = vector.broadcast %broadcast_in_dim3A_801 : i32 to vector<16xi32>
      %gather3A_803 = tpu.vector_load_idx %arg5[%iota3A, %broadcast_in_dim3A_802] : memref<16x128xi32, #tpu.memory_space<vmem>>[vector<16xi32>, vector<16xi32>], vector<16xi32>,
      %broadcast_in_dim3A_804 = arith.constant 2 : i32
      %broadcast_in_dim3A_805 = vector.broadcast %broadcast_in_dim3A_804 : i32 to vector<16xi32>
      %gather3A_806 = tpu.vector_load_idx %arg5[%iota3A, %broadcast_in_dim3A_805] : memref<16x128xi32, #tpu.memory_space<vmem>>[vector<16xi32>, vector<16xi32>], vector<16xi32>,
      %broadcast_in_dim3A_807 = arith.constant 3 : i32
      %broadcast_in_dim3A_808 = vector.broadcast %broadcast_in_dim3A_807 : i32 to vector<16xi32>
      %gather3A_809 = tpu.vector_load_idx %arg5[%iota3A, %broadcast_in_dim3A_808] : memref<16x128xi32, #tpu.memory_space<vmem>>[vector<16xi32>, vector<16xi32>], vector<16xi32>,
      %broadcast_in_dim3A_810 = arith.constant 4 : i32
      %broadcast_in_dim3A_811 = vector.broadcast %broadcast_in_dim3A_810 : i32 to vector<16xi32>
      %gather3A_812 = tpu.vector_load_idx %arg5[%iota3A, %broadcast_in_dim3A_811] : memref<16x128xi32, #tpu.memory_space<vmem>>[vector<16xi32>, vector<16xi32>], vector<16xi32>,
      %broadcast_in_dim3A_813 = arith.constant 5 : i32
      %broadcast_in_dim3A_814 = vector.broadcast %broadcast_in_dim3A_813 : i32 to vector<16xi32>
      %gather3A_815 = tpu.vector_load_idx %arg5[%iota3A, %broadcast_in_dim3A_814] : memref<16x128xi32, #tpu.memory_space<vmem>>[vector<16xi32>, vector<16xi32>], vector<16xi32>,
      %broadcast_in_dim3A_816 = arith.constant 6 : i32
      %broadcast_in_dim3A_817 = vector.broadcast %broadcast_in_dim3A_816 : i32 to vector<16xi32>
      %gather3A_818 = tpu.vector_load_idx %arg5[%iota3A, %broadcast_in_dim3A_817] : memref<16x128xi32, #tpu.memory_space<vmem>>[vector<16xi32>, vector<16xi32>], vector<16xi32>,
      %broadcast_in_dim3A_819 = arith.constant 7 : i32
      %broadcast_in_dim3A_820 = vector.broadcast %broadcast_in_dim3A_819 : i32 to vector<16xi32>
      %gather3A_821 = tpu.vector_load_idx %arg5[%iota3A, %broadcast_in_dim3A_820] : memref<16x128xi32, #tpu.memory_space<vmem>>[vector<16xi32>, vector<16xi32>], vector<16xi32>,
      %max3A_822 = arith.maxsi %gather3A_800, %gather3A_803 : vector<16xi32>
      %min3A_823 = arith.minsi %gather3A_800, %gather3A_803 : vector<16xi32>
      %max3A_824 = arith.maxsi %gather3A_806, %gather3A_809 : vector<16xi32>
      %min3A_825 = arith.minsi %gather3A_806, %gather3A_809 : vector<16xi32>
      %max3A_826 = arith.maxsi %gather3A_812, %gather3A_815 : vector<16xi32>
      %min3A_827 = arith.minsi %gather3A_812, %gather3A_815 : vector<16xi32>
      %max3A_828 = arith.maxsi %gather3A_818, %gather3A_821 : vector<16xi32>
      %min3A_829 = arith.minsi %gather3A_818, %gather3A_821 : vector<16xi32>
      %max3A_830 = arith.maxsi %max3A_822, %max3A_824 : vector<16xi32>
      %min3A_831 = arith.minsi %max3A_822, %max3A_824 : vector<16xi32>
      %max3A_832 = arith.maxsi %min3A_823, %min3A_825 : vector<16xi32>
      %min3A_833 = arith.minsi %min3A_823, %min3A_825 : vector<16xi32>
      %max3A_834 = arith.maxsi %max3A_826, %max3A_828 : vector<16xi32>
      %min3A_835 = arith.minsi %max3A_826, %max3A_828 : vector<16xi32>
      %max3A_836 = arith.maxsi %min3A_827, %min3A_829 : vector<16xi32>
      %min3A_837 = arith.minsi %min3A_827, %min3A_829 : vector<16xi32>
      %max3A_838 = arith.maxsi %max3A_832, %min3A_831 : vector<16xi32>
      %min3A_839 = arith.minsi %max3A_832, %min3A_831 : vector<16xi32>
      %max3A_840 = arith.maxsi %max3A_836, %min3A_835 : vector<16xi32>
      %min3A_841 = arith.minsi %max3A_836, %min3A_835 : vector<16xi32>
      %max3A_842 = arith.maxsi %max3A_830, %max3A_834 : vector<16xi32>
      %min3A_843 = arith.minsi %max3A_830, %max3A_834 : vector<16xi32>
      %max3A_844 = arith.maxsi %max3A_838, %max3A_840 : vector<16xi32>
      %min3A_845 = arith.minsi %max3A_838, %max3A_840 : vector<16xi32>
      %max3A_846 = arith.maxsi %min3A_839, %min3A_841 : vector<16xi32>
      %min3A_847 = arith.minsi %min3A_839, %min3A_841 : vector<16xi32>
      %max3A_848 = arith.maxsi %min3A_833, %min3A_837 : vector<16xi32>
      %min3A_849 = arith.minsi %min3A_833, %min3A_837 : vector<16xi32>
      %max3A_850 = arith.maxsi %max3A_846, %min3A_843 : vector<16xi32>
      %min3A_851 = arith.minsi %max3A_846, %min3A_843 : vector<16xi32>
      %max3A_852 = arith.maxsi %max3A_848, %min3A_845 : vector<16xi32>
      %min3A_853 = arith.minsi %max3A_848, %min3A_845 : vector<16xi32>
      %max3A_854 = arith.maxsi %max3A_844, %max3A_850 : vector<16xi32>
      %min3A_855 = arith.minsi %max3A_844, %max3A_850 : vector<16xi32>
      %max3A_856 = arith.maxsi %max3A_852, %min3A_851 : vector<16xi32>
      %min3A_857 = arith.minsi %max3A_852, %min3A_851 : vector<16xi32>
      %max3A_858 = arith.maxsi %min3A_853, %min3A_847 : vector<16xi32>
      %min3A_859 = arith.minsi %min3A_853, %min3A_847 : vector<16xi32>
      %broadcast_in_dim3A_860 = arith.constant 8 : i32
      %broadcast_in_dim3A_861 = vector.broadcast %broadcast_in_dim3A_860 : i32 to vector<16xi32>
      %gather3A_862 = tpu.vector_load_idx %arg5[%iota3A, %broadcast_in_dim3A_861] : memref<16x128xi32, #tpu.memory_space<vmem>>[vector<16xi32>, vector<16xi32>], vector<16xi32>,
      %broadcast_in_dim3A_863 = arith.constant 9 : i32
      %broadcast_in_dim3A_864 = vector.broadcast %broadcast_in_dim3A_863 : i32 to vector<16xi32>
      %gather3A_865 = tpu.vector_load_idx %arg5[%iota3A, %broadcast_in_dim3A_864] : memref<16x128xi32, #tpu.memory_space<vmem>>[vector<16xi32>, vector<16xi32>], vector<16xi32>,
      %broadcast_in_dim3A_866 = arith.constant 10 : i32
      %broadcast_in_dim3A_867 = vector.broadcast %broadcast_in_dim3A_866 : i32 to vector<16xi32>
      %gather3A_868 = tpu.vector_load_idx %arg5[%iota3A, %broadcast_in_dim3A_867] : memref<16x128xi32, #tpu.memory_space<vmem>>[vector<16xi32>, vector<16xi32>], vector<16xi32>,
      %broadcast_in_dim3A_869 = arith.constant 11 : i32
      %broadcast_in_dim3A_870 = vector.broadcast %broadcast_in_dim3A_869 : i32 to vector<16xi32>
      %gather3A_871 = tpu.vector_load_idx %arg5[%iota3A, %broadcast_in_dim3A_870] : memref<16x128xi32, #tpu.memory_space<vmem>>[vector<16xi32>, vector<16xi32>], vector<16xi32>,
      %broadcast_in_dim3A_872 = arith.constant 12 : i32
      %broadcast_in_dim3A_873 = vector.broadcast %broadcast_in_dim3A_872 : i32 to vector<16xi32>
      %gather3A_874 = tpu.vector_load_idx %arg5[%iota3A, %broadcast_in_dim3A_873] : memref<16x128xi32, #tpu.memory_space<vmem>>[vector<16xi32>, vector<16xi32>], vector<16xi32>,
      %broadcast_in_dim3A_875 = arith.constant 13 : i32
      %broadcast_in_dim3A_876 = vector.broadcast %broadcast_in_dim3A_875 : i32 to vector<16xi32>
      %gather3A_877 = tpu.vector_load_idx %arg5[%iota3A, %broadcast_in_dim3A_876] : memref<16x128xi32, #tpu.memory_space<vmem>>[vector<16xi32>, vector<16xi32>], vector<16xi32>,
      %broadcast_in_dim3A_878 = arith.constant 14 : i32
      %broadcast_in_dim3A_879 = vector.broadcast %broadcast_in_dim3A_878 : i32 to vector<16xi32>
      %gather3A_880 = tpu.vector_load_idx %arg5[%iota3A, %broadcast_in_dim3A_879] : memref<16x128xi32, #tpu.memory_space<vmem>>[vector<16xi32>, vector<16xi32>], vector<16xi32>,
      %broadcast_in_dim3A_881 = arith.constant 15 : i32
      %broadcast_in_dim3A_882 = vector.broadcast %broadcast_in_dim3A_881 : i32 to vector<16xi32>
      %gather3A_883 = tpu.vector_load_idx %arg5[%iota3A, %broadcast_in_dim3A_882] : memref<16x128xi32, #tpu.memory_space<vmem>>[vector<16xi32>, vector<16xi32>], vector<16xi32>,
      %max3A_884 = arith.maxsi %gather3A_862, %gather3A_865 : vector<16xi32>
      %min3A_885 = arith.minsi %gather3A_862, %gather3A_865 : vector<16xi32>
      %max3A_886 = arith.maxsi %gather3A_868, %gather3A_871 : vector<16xi32>
      %min3A_887 = arith.minsi %gather3A_868, %gather3A_871 : vector<16xi32>
      %max3A_888 = arith.maxsi %gather3A_874, %gather3A_877 : vector<16xi32>
      %min3A_889 = arith.minsi %gather3A_874, %gather3A_877 : vector<16xi32>
      %max3A_890 = arith.maxsi %gather3A_880, %gather3A_883 : vector<16xi32>
      %min3A_891 = arith.minsi %gather3A_880, %gather3A_883 : vector<16xi32>
      %max3A_892 = arith.maxsi %max3A_884, %max3A_886 : vector<16xi32>
      %min3A_893 = arith.minsi %max3A_884, %max3A_886 : vector<16xi32>
      %max3A_894 = arith.maxsi %min3A_885, %min3A_887 : vector<16xi32>
      %min3A_895 = arith.minsi %min3A_885, %min3A_887 : vector<16xi32>
      %max3A_896 = arith.maxsi %max3A_888, %max3A_890 : vector<16xi32>
      %min3A_897 = arith.minsi %max3A_888, %max3A_890 : vector<16xi32>
      %max3A_898 = arith.maxsi %min3A_889, %min3A_891 : vector<16xi32>
      %min3A_899 = arith.minsi %min3A_889, %min3A_891 : vector<16xi32>
      %max3A_900 = arith.maxsi %max3A_894, %min3A_893 : vector<16xi32>
      %min3A_901 = arith.minsi %max3A_894, %min3A_893 : vector<16xi32>
      %max3A_902 = arith.maxsi %max3A_898, %min3A_897 : vector<16xi32>
      %min3A_903 = arith.minsi %max3A_898, %min3A_897 : vector<16xi32>
      %max3A_904 = arith.maxsi %max3A_892, %max3A_896 : vector<16xi32>
      %min3A_905 = arith.minsi %max3A_892, %max3A_896 : vector<16xi32>
      %max3A_906 = arith.maxsi %max3A_900, %max3A_902 : vector<16xi32>
      %min3A_907 = arith.minsi %max3A_900, %max3A_902 : vector<16xi32>
      %max3A_908 = arith.maxsi %min3A_901, %min3A_903 : vector<16xi32>
      %min3A_909 = arith.minsi %min3A_901, %min3A_903 : vector<16xi32>
      %max3A_910 = arith.maxsi %min3A_895, %min3A_899 : vector<16xi32>
      %min3A_911 = arith.minsi %min3A_895, %min3A_899 : vector<16xi32>
      %max3A_912 = arith.maxsi %max3A_908, %min3A_905 : vector<16xi32>
      %min3A_913 = arith.minsi %max3A_908, %min3A_905 : vector<16xi32>
      %max3A_914 = arith.maxsi %max3A_910, %min3A_907 : vector<16xi32>
      %min3A_915 = arith.minsi %max3A_910, %min3A_907 : vector<16xi32>
      %max3A_916 = arith.maxsi %max3A_906, %max3A_912 : vector<16xi32>
      %min3A_917 = arith.minsi %max3A_906, %max3A_912 : vector<16xi32>
      %max3A_918 = arith.maxsi %max3A_914, %min3A_913 : vector<16xi32>
      %min3A_919 = arith.minsi %max3A_914, %min3A_913 : vector<16xi32>
      %max3A_920 = arith.maxsi %min3A_915, %min3A_909 : vector<16xi32>
      %min3A_921 = arith.minsi %min3A_915, %min3A_909 : vector<16xi32>
      %max3A_922 = arith.maxsi %max3A_842, %min3A_911 : vector<16xi32>
      %max3A_923 = arith.maxsi %max3A_854, %min3A_921 : vector<16xi32>
      %max3A_924 = arith.maxsi %min3A_855, %max3A_920 : vector<16xi32>
      %max3A_925 = arith.maxsi %max3A_856, %min3A_919 : vector<16xi32>
      %max3A_926 = arith.maxsi %min3A_857, %max3A_918 : vector<16xi32>
      %max3A_927 = arith.maxsi %max3A_858, %min3A_917 : vector<16xi32>
      %max3A_928 = arith.maxsi %min3A_859, %max3A_916 : vector<16xi32>
      %max3A_929 = arith.maxsi %min3A_849, %max3A_904 : vector<16xi32>
      %max3A_930 = arith.maxsi %max3A_922, %max3A_926 : vector<16xi32>
      %min3A_931 = arith.minsi %max3A_922, %max3A_926 : vector<16xi32>
      %max3A_932 = arith.maxsi %max3A_923, %max3A_927 : vector<16xi32>
      %min3A_933 = arith.minsi %max3A_923, %max3A_927 : vector<16xi32>
      %max3A_934 = arith.maxsi %max3A_924, %max3A_928 : vector<16xi32>
      %min3A_935 = arith.minsi %max3A_924, %max3A_928 : vector<16xi32>
      %max3A_936 = arith.maxsi %max3A_925, %max3A_929 : vector<16xi32>
      %min3A_937 = arith.minsi %max3A_925, %max3A_929 : vector<16xi32>
      %max3A_938 = arith.maxsi %max3A_930, %max3A_934 : vector<16xi32>
      %min3A_939 = arith.minsi %max3A_930, %max3A_934 : vector<16xi32>
      %max3A_940 = arith.maxsi %max3A_932, %max3A_936 : vector<16xi32>
      %min3A_941 = arith.minsi %max3A_932, %max3A_936 : vector<16xi32>
      %max3A_942 = arith.maxsi %min3A_931, %min3A_935 : vector<16xi32>
      %min3A_943 = arith.minsi %min3A_931, %min3A_935 : vector<16xi32>
      %max3A_944 = arith.maxsi %min3A_933, %min3A_937 : vector<16xi32>
      %min3A_945 = arith.minsi %min3A_933, %min3A_937 : vector<16xi32>
      %max3A_946 = arith.maxsi %max3A_938, %max3A_940 : vector<16xi32>
      %min3A_947 = arith.minsi %max3A_938, %max3A_940 : vector<16xi32>
      %max3A_948 = arith.maxsi %min3A_939, %min3A_941 : vector<16xi32>
      %min3A_949 = arith.minsi %min3A_939, %min3A_941 : vector<16xi32>
      %max3A_950 = arith.maxsi %max3A_942, %max3A_944 : vector<16xi32>
      %min3A_951 = arith.minsi %max3A_942, %max3A_944 : vector<16xi32>
      %max3A_952 = arith.maxsi %min3A_943, %min3A_945 : vector<16xi32>
      %min3A_953 = arith.minsi %min3A_943, %min3A_945 : vector<16xi32>
      %broadcast_in_dim3A_954 = arith.constant 16 : i32
      %broadcast_in_dim3A_955 = vector.broadcast %broadcast_in_dim3A_954 : i32 to vector<16xi32>
      %gather3A_956 = tpu.vector_load_idx %arg5[%iota3A, %broadcast_in_dim3A_955] : memref<16x128xi32, #tpu.memory_space<vmem>>[vector<16xi32>, vector<16xi32>], vector<16xi32>,
      %broadcast_in_dim3A_957 = arith.constant 17 : i32
      %broadcast_in_dim3A_958 = vector.broadcast %broadcast_in_dim3A_957 : i32 to vector<16xi32>
      %gather3A_959 = tpu.vector_load_idx %arg5[%iota3A, %broadcast_in_dim3A_958] : memref<16x128xi32, #tpu.memory_space<vmem>>[vector<16xi32>, vector<16xi32>], vector<16xi32>,
      %broadcast_in_dim3A_960 = arith.constant 18 : i32
      %broadcast_in_dim3A_961 = vector.broadcast %broadcast_in_dim3A_960 : i32 to vector<16xi32>
      %gather3A_962 = tpu.vector_load_idx %arg5[%iota3A, %broadcast_in_dim3A_961] : memref<16x128xi32, #tpu.memory_space<vmem>>[vector<16xi32>, vector<16xi32>], vector<16xi32>,
      %broadcast_in_dim3A_963 = arith.constant 19 : i32
      %broadcast_in_dim3A_964 = vector.broadcast %broadcast_in_dim3A_963 : i32 to vector<16xi32>
      %gather3A_965 = tpu.vector_load_idx %arg5[%iota3A, %broadcast_in_dim3A_964] : memref<16x128xi32, #tpu.memory_space<vmem>>[vector<16xi32>, vector<16xi32>], vector<16xi32>,
      %broadcast_in_dim3A_966 = arith.constant 20 : i32
      %broadcast_in_dim3A_967 = vector.broadcast %broadcast_in_dim3A_966 : i32 to vector<16xi32>
      %gather3A_968 = tpu.vector_load_idx %arg5[%iota3A, %broadcast_in_dim3A_967] : memref<16x128xi32, #tpu.memory_space<vmem>>[vector<16xi32>, vector<16xi32>], vector<16xi32>,
      %broadcast_in_dim3A_969 = arith.constant 21 : i32
      %broadcast_in_dim3A_970 = vector.broadcast %broadcast_in_dim3A_969 : i32 to vector<16xi32>
      %gather3A_971 = tpu.vector_load_idx %arg5[%iota3A, %broadcast_in_dim3A_970] : memref<16x128xi32, #tpu.memory_space<vmem>>[vector<16xi32>, vector<16xi32>], vector<16xi32>,
      %broadcast_in_dim3A_972 = arith.constant 22 : i32
      %broadcast_in_dim3A_973 = vector.broadcast %broadcast_in_dim3A_972 : i32 to vector<16xi32>
      %gather3A_974 = tpu.vector_load_idx %arg5[%iota3A, %broadcast_in_dim3A_973] : memref<16x128xi32, #tpu.memory_space<vmem>>[vector<16xi32>, vector<16xi32>], vector<16xi32>,
      %broadcast_in_dim3A_975 = arith.constant 23 : i32
      %broadcast_in_dim3A_976 = vector.broadcast %broadcast_in_dim3A_975 : i32 to vector<16xi32>
      %gather3A_977 = tpu.vector_load_idx %arg5[%iota3A, %broadcast_in_dim3A_976] : memref<16x128xi32, #tpu.memory_space<vmem>>[vector<16xi32>, vector<16xi32>], vector<16xi32>,
      %max3A_978 = arith.maxsi %gather3A_956, %gather3A_959 : vector<16xi32>
      %min3A_979 = arith.minsi %gather3A_956, %gather3A_959 : vector<16xi32>
      %max3A_980 = arith.maxsi %gather3A_962, %gather3A_965 : vector<16xi32>
      %min3A_981 = arith.minsi %gather3A_962, %gather3A_965 : vector<16xi32>
      %max3A_982 = arith.maxsi %gather3A_968, %gather3A_971 : vector<16xi32>
      %min3A_983 = arith.minsi %gather3A_968, %gather3A_971 : vector<16xi32>
      %max3A_984 = arith.maxsi %gather3A_974, %gather3A_977 : vector<16xi32>
      %min3A_985 = arith.minsi %gather3A_974, %gather3A_977 : vector<16xi32>
      %max3A_986 = arith.maxsi %max3A_978, %max3A_980 : vector<16xi32>
      %min3A_987 = arith.minsi %max3A_978, %max3A_980 : vector<16xi32>
      %max3A_988 = arith.maxsi %min3A_979, %min3A_981 : vector<16xi32>
      %min3A_989 = arith.minsi %min3A_979, %min3A_981 : vector<16xi32>
      %max3A_990 = arith.maxsi %max3A_982, %max3A_984 : vector<16xi32>
      %min3A_991 = arith.minsi %max3A_982, %max3A_984 : vector<16xi32>
      %max3A_992 = arith.maxsi %min3A_983, %min3A_985 : vector<16xi32>
      %min3A_993 = arith.minsi %min3A_983, %min3A_985 : vector<16xi32>
      %max3A_994 = arith.maxsi %max3A_988, %min3A_987 : vector<16xi32>
      %min3A_995 = arith.minsi %max3A_988, %min3A_987 : vector<16xi32>
      %max3A_996 = arith.maxsi %max3A_992, %min3A_991 : vector<16xi32>
      %min3A_997 = arith.minsi %max3A_992, %min3A_991 : vector<16xi32>
      %max3A_998 = arith.maxsi %max3A_986, %max3A_990 : vector<16xi32>
      %min3A_999 = arith.minsi %max3A_986, %max3A_990 : vector<16xi32>
      %max3A_1000 = arith.maxsi %max3A_994, %max3A_996 : vector<16xi32>
      %min3A_1001 = arith.minsi %max3A_994, %max3A_996 : vector<16xi32>
      %max3A_1002 = arith.maxsi %min3A_995, %min3A_997 : vector<16xi32>
      %min3A_1003 = arith.minsi %min3A_995, %min3A_997 : vector<16xi32>
      %max3A_1004 = arith.maxsi %min3A_989, %min3A_993 : vector<16xi32>
      %min3A_1005 = arith.minsi %min3A_989, %min3A_993 : vector<16xi32>
      %max3A_1006 = arith.maxsi %max3A_1002, %min3A_999 : vector<16xi32>
      %min3A_1007 = arith.minsi %max3A_1002, %min3A_999 : vector<16xi32>
      %max3A_1008 = arith.maxsi %max3A_1004, %min3A_1001 : vector<16xi32>
      %min3A_1009 = arith.minsi %max3A_1004, %min3A_1001 : vector<16xi32>
      %max3A_1010 = arith.maxsi %max3A_1000, %max3A_1006 : vector<16xi32>
      %min3A_1011 = arith.minsi %max3A_1000, %max3A_1006 : vector<16xi32>
      %max3A_1012 = arith.maxsi %max3A_1008, %min3A_1007 : vector<16xi32>
      %min3A_1013 = arith.minsi %max3A_1008, %min3A_1007 : vector<16xi32>
      %max3A_1014 = arith.maxsi %min3A_1009, %min3A_1003 : vector<16xi32>
      %min3A_1015 = arith.minsi %min3A_1009, %min3A_1003 : vector<16xi32>
      %max3A_1016 = arith.maxsi %max3A_946, %min3A_1005 : vector<16xi32>
      %max3A_1017 = arith.maxsi %min3A_947, %min3A_1015 : vector<16xi32>
      %max3A_1018 = arith.maxsi %max3A_948, %max3A_1014 : vector<16xi32>
      %max3A_1019 = arith.maxsi %min3A_949, %min3A_1013 : vector<16xi32>
      %max3A_1020 = arith.maxsi %max3A_950, %max3A_1012 : vector<16xi32>
      %max3A_1021 = arith.maxsi %min3A_951, %min3A_1011 : vector<16xi32>
      %max3A_1022 = arith.maxsi %max3A_952, %max3A_1010 : vector<16xi32>
      %max3A_1023 = arith.maxsi %min3A_953, %max3A_998 : vector<16xi32>
      %max3A_1024 = arith.maxsi %max3A_1016, %max3A_1020 : vector<16xi32>
      %min3A_1025 = arith.minsi %max3A_1016, %max3A_1020 : vector<16xi32>
      %max3A_1026 = arith.maxsi %max3A_1017, %max3A_1021 : vector<16xi32>
      %min3A_1027 = arith.minsi %max3A_1017, %max3A_1021 : vector<16xi32>
      %max3A_1028 = arith.maxsi %max3A_1018, %max3A_1022 : vector<16xi32>
      %min3A_1029 = arith.minsi %max3A_1018, %max3A_1022 : vector<16xi32>
      %max3A_1030 = arith.maxsi %max3A_1019, %max3A_1023 : vector<16xi32>
      %min3A_1031 = arith.minsi %max3A_1019, %max3A_1023 : vector<16xi32>
      %max3A_1032 = arith.maxsi %max3A_1024, %max3A_1028 : vector<16xi32>
      %min3A_1033 = arith.minsi %max3A_1024, %max3A_1028 : vector<16xi32>
      %max3A_1034 = arith.maxsi %max3A_1026, %max3A_1030 : vector<16xi32>
      %min3A_1035 = arith.minsi %max3A_1026, %max3A_1030 : vector<16xi32>
      %max3A_1036 = arith.maxsi %min3A_1025, %min3A_1029 : vector<16xi32>
      %min3A_1037 = arith.minsi %min3A_1025, %min3A_1029 : vector<16xi32>
      %max3A_1038 = arith.maxsi %min3A_1027, %min3A_1031 : vector<16xi32>
      %min3A_1039 = arith.minsi %min3A_1027, %min3A_1031 : vector<16xi32>
      %max3A_1040 = arith.maxsi %max3A_1032, %max3A_1034 : vector<16xi32>
      %min3A_1041 = arith.minsi %max3A_1032, %max3A_1034 : vector<16xi32>
      %max3A_1042 = arith.maxsi %min3A_1033, %min3A_1035 : vector<16xi32>
      %min3A_1043 = arith.minsi %min3A_1033, %min3A_1035 : vector<16xi32>
      %max3A_1044 = arith.maxsi %max3A_1036, %max3A_1038 : vector<16xi32>
      %min3A_1045 = arith.minsi %max3A_1036, %max3A_1038 : vector<16xi32>
      %max3A_1046 = arith.maxsi %min3A_1037, %min3A_1039 : vector<16xi32>
      %min3A_1047 = arith.minsi %min3A_1037, %min3A_1039 : vector<16xi32>
      %broadcast_in_dim3A_1048 = arith.constant 24 : i32
      %broadcast_in_dim3A_1049 = vector.broadcast %broadcast_in_dim3A_1048 : i32 to vector<16xi32>
      %gather3A_1050 = tpu.vector_load_idx %arg5[%iota3A, %broadcast_in_dim3A_1049] : memref<16x128xi32, #tpu.memory_space<vmem>>[vector<16xi32>, vector<16xi32>], vector<16xi32>,
      %broadcast_in_dim3A_1051 = arith.constant 25 : i32
      %broadcast_in_dim3A_1052 = vector.broadcast %broadcast_in_dim3A_1051 : i32 to vector<16xi32>
      %gather3A_1053 = tpu.vector_load_idx %arg5[%iota3A, %broadcast_in_dim3A_1052] : memref<16x128xi32, #tpu.memory_space<vmem>>[vector<16xi32>, vector<16xi32>], vector<16xi32>,
      %broadcast_in_dim3A_1054 = arith.constant 26 : i32
      %broadcast_in_dim3A_1055 = vector.broadcast %broadcast_in_dim3A_1054 : i32 to vector<16xi32>
      %gather3A_1056 = tpu.vector_load_idx %arg5[%iota3A, %broadcast_in_dim3A_1055] : memref<16x128xi32, #tpu.memory_space<vmem>>[vector<16xi32>, vector<16xi32>], vector<16xi32>,
      %broadcast_in_dim3A_1057 = arith.constant 27 : i32
      %broadcast_in_dim3A_1058 = vector.broadcast %broadcast_in_dim3A_1057 : i32 to vector<16xi32>
      %gather3A_1059 = tpu.vector_load_idx %arg5[%iota3A, %broadcast_in_dim3A_1058] : memref<16x128xi32, #tpu.memory_space<vmem>>[vector<16xi32>, vector<16xi32>], vector<16xi32>,
      %broadcast_in_dim3A_1060 = arith.constant 28 : i32
      %broadcast_in_dim3A_1061 = vector.broadcast %broadcast_in_dim3A_1060 : i32 to vector<16xi32>
      %gather3A_1062 = tpu.vector_load_idx %arg5[%iota3A, %broadcast_in_dim3A_1061] : memref<16x128xi32, #tpu.memory_space<vmem>>[vector<16xi32>, vector<16xi32>], vector<16xi32>,
      %broadcast_in_dim3A_1063 = arith.constant 29 : i32
      %broadcast_in_dim3A_1064 = vector.broadcast %broadcast_in_dim3A_1063 : i32 to vector<16xi32>
      %gather3A_1065 = tpu.vector_load_idx %arg5[%iota3A, %broadcast_in_dim3A_1064] : memref<16x128xi32, #tpu.memory_space<vmem>>[vector<16xi32>, vector<16xi32>], vector<16xi32>,
      %broadcast_in_dim3A_1066 = arith.constant 30 : i32
      %broadcast_in_dim3A_1067 = vector.broadcast %broadcast_in_dim3A_1066 : i32 to vector<16xi32>
      %gather3A_1068 = tpu.vector_load_idx %arg5[%iota3A, %broadcast_in_dim3A_1067] : memref<16x128xi32, #tpu.memory_space<vmem>>[vector<16xi32>, vector<16xi32>], vector<16xi32>,
      %broadcast_in_dim3A_1069 = arith.constant 31 : i32
      %broadcast_in_dim3A_1070 = vector.broadcast %broadcast_in_dim3A_1069 : i32 to vector<16xi32>
      %gather3A_1071 = tpu.vector_load_idx %arg5[%iota3A, %broadcast_in_dim3A_1070] : memref<16x128xi32, #tpu.memory_space<vmem>>[vector<16xi32>, vector<16xi32>], vector<16xi32>,
      %max3A_1072 = arith.maxsi %gather3A_1050, %gather3A_1053 : vector<16xi32>
      %min3A_1073 = arith.minsi %gather3A_1050, %gather3A_1053 : vector<16xi32>
      %max3A_1074 = arith.maxsi %gather3A_1056, %gather3A_1059 : vector<16xi32>
      %min3A_1075 = arith.minsi %gather3A_1056, %gather3A_1059 : vector<16xi32>
      %max3A_1076 = arith.maxsi %gather3A_1062, %gather3A_1065 : vector<16xi32>
      %min3A_1077 = arith.minsi %gather3A_1062, %gather3A_1065 : vector<16xi32>
      %max3A_1078 = arith.maxsi %gather3A_1068, %gather3A_1071 : vector<16xi32>
      %min3A_1079 = arith.minsi %gather3A_1068, %gather3A_1071 : vector<16xi32>
      %max3A_1080 = arith.maxsi %max3A_1072, %max3A_1074 : vector<16xi32>
      %min3A_1081 = arith.minsi %max3A_1072, %max3A_1074 : vector<16xi32>
      %max3A_1082 = arith.maxsi %min3A_1073, %min3A_1075 : vector<16xi32>
      %min3A_1083 = arith.minsi %min3A_1073, %min3A_1075 : vector<16xi32>
      %max3A_1084 = arith.maxsi %max3A_1076, %max3A_1078 : vector<16xi32>
      %min3A_1085 = arith.minsi %max3A_1076, %max3A_1078 : vector<16xi32>
      %max3A_1086 = arith.maxsi %min3A_1077, %min3A_1079 : vector<16xi32>
      %min3A_1087 = arith.minsi %min3A_1077, %min3A_1079 : vector<16xi32>
      %max3A_1088 = arith.maxsi %max3A_1082, %min3A_1081 : vector<16xi32>
      %min3A_1089 = arith.minsi %max3A_1082, %min3A_1081 : vector<16xi32>
      %max3A_1090 = arith.maxsi %max3A_1086, %min3A_1085 : vector<16xi32>
      %min3A_1091 = arith.minsi %max3A_1086, %min3A_1085 : vector<16xi32>
      %max3A_1092 = arith.maxsi %max3A_1080, %max3A_1084 : vector<16xi32>
      %min3A_1093 = arith.minsi %max3A_1080, %max3A_1084 : vector<16xi32>
      %max3A_1094 = arith.maxsi %max3A_1088, %max3A_1090 : vector<16xi32>
      %min3A_1095 = arith.minsi %max3A_1088, %max3A_1090 : vector<16xi32>
      %max3A_1096 = arith.maxsi %min3A_1089, %min3A_1091 : vector<16xi32>
      %min3A_1097 = arith.minsi %min3A_1089, %min3A_1091 : vector<16xi32>
      %max3A_1098 = arith.maxsi %min3A_1083, %min3A_1087 : vector<16xi32>
      %min3A_1099 = arith.minsi %min3A_1083, %min3A_1087 : vector<16xi32>
      %max3A_1100 = arith.maxsi %max3A_1096, %min3A_1093 : vector<16xi32>
      %min3A_1101 = arith.minsi %max3A_1096, %min3A_1093 : vector<16xi32>
      %max3A_1102 = arith.maxsi %max3A_1098, %min3A_1095 : vector<16xi32>
      %min3A_1103 = arith.minsi %max3A_1098, %min3A_1095 : vector<16xi32>
      %max3A_1104 = arith.maxsi %max3A_1094, %max3A_1100 : vector<16xi32>
      %min3A_1105 = arith.minsi %max3A_1094, %max3A_1100 : vector<16xi32>
      %max3A_1106 = arith.maxsi %max3A_1102, %min3A_1101 : vector<16xi32>
      %min3A_1107 = arith.minsi %max3A_1102, %min3A_1101 : vector<16xi32>
      %max3A_1108 = arith.maxsi %min3A_1103, %min3A_1097 : vector<16xi32>
      %min3A_1109 = arith.minsi %min3A_1103, %min3A_1097 : vector<16xi32>
      %max3A_1110 = arith.maxsi %max3A_1040, %min3A_1099 : vector<16xi32>
      %max3A_1111 = arith.maxsi %min3A_1041, %min3A_1109 : vector<16xi32>
      %max3A_1112 = arith.maxsi %max3A_1042, %max3A_1108 : vector<16xi32>
      %max3A_1113 = arith.maxsi %min3A_1043, %min3A_1107 : vector<16xi32>
      %max3A_1114 = arith.maxsi %max3A_1044, %max3A_1106 : vector<16xi32>
      %max3A_1115 = arith.maxsi %min3A_1045, %min3A_1105 : vector<16xi32>
      %max3A_1116 = arith.maxsi %max3A_1046, %max3A_1104 : vector<16xi32>
      %max3A_1117 = arith.maxsi %min3A_1047, %max3A_1092 : vector<16xi32>
      %max3A_1118 = arith.maxsi %max3A_1110, %max3A_1114 : vector<16xi32>
      %min3A_1119 = arith.minsi %max3A_1110, %max3A_1114 : vector<16xi32>
      %max3A_1120 = arith.maxsi %max3A_1111, %max3A_1115 : vector<16xi32>
      %min3A_1121 = arith.minsi %max3A_1111, %max3A_1115 : vector<16xi32>
      %max3A_1122 = arith.maxsi %max3A_1112, %max3A_1116 : vector<16xi32>
      %min3A_1123 = arith.minsi %max3A_1112, %max3A_1116 : vector<16xi32>
      %max3A_1124 = arith.maxsi %max3A_1113, %max3A_1117 : vector<16xi32>
      %min3A_1125 = arith.minsi %max3A_1113, %max3A_1117 : vector<16xi32>
      %max3A_1126 = arith.maxsi %max3A_1118, %max3A_1122 : vector<16xi32>
      %min3A_1127 = arith.minsi %max3A_1118, %max3A_1122 : vector<16xi32>
      %max3A_1128 = arith.maxsi %max3A_1120, %max3A_1124 : vector<16xi32>
      %min3A_1129 = arith.minsi %max3A_1120, %max3A_1124 : vector<16xi32>
      %max3A_1130 = arith.maxsi %min3A_1119, %min3A_1123 : vector<16xi32>
      %min3A_1131 = arith.minsi %min3A_1119, %min3A_1123 : vector<16xi32>
      %max3A_1132 = arith.maxsi %min3A_1121, %min3A_1125 : vector<16xi32>
      %min3A_1133 = arith.minsi %min3A_1121, %min3A_1125 : vector<16xi32>
      %max3A_1134 = arith.maxsi %max3A_1126, %max3A_1128 : vector<16xi32>
      %min3A_1135 = arith.minsi %max3A_1126, %max3A_1128 : vector<16xi32>
      %max3A_1136 = arith.maxsi %min3A_1127, %min3A_1129 : vector<16xi32>
      %min3A_1137 = arith.minsi %min3A_1127, %min3A_1129 : vector<16xi32>
      %max3A_1138 = arith.maxsi %max3A_1130, %max3A_1132 : vector<16xi32>
      %min3A_1139 = arith.minsi %max3A_1130, %max3A_1132 : vector<16xi32>
      %max3A_1140 = arith.maxsi %min3A_1131, %min3A_1133 : vector<16xi32>
      %min3A_1141 = arith.minsi %min3A_1131, %min3A_1133 : vector<16xi32>
      %broadcast_in_dim3A_1142 = arith.constant 32 : i32
      %broadcast_in_dim3A_1143 = vector.broadcast %broadcast_in_dim3A_1142 : i32 to vector<16xi32>
      %gather3A_1144 = tpu.vector_load_idx %arg5[%iota3A, %broadcast_in_dim3A_1143] : memref<16x128xi32, #tpu.memory_space<vmem>>[vector<16xi32>, vector<16xi32>], vector<16xi32>,
      %broadcast_in_dim3A_1145 = arith.constant 33 : i32
      %broadcast_in_dim3A_1146 = vector.broadcast %broadcast_in_dim3A_1145 : i32 to vector<16xi32>
      %gather3A_1147 = tpu.vector_load_idx %arg5[%iota3A, %broadcast_in_dim3A_1146] : memref<16x128xi32, #tpu.memory_space<vmem>>[vector<16xi32>, vector<16xi32>], vector<16xi32>,
      %broadcast_in_dim3A_1148 = arith.constant 34 : i32
      %broadcast_in_dim3A_1149 = vector.broadcast %broadcast_in_dim3A_1148 : i32 to vector<16xi32>
      %gather3A_1150 = tpu.vector_load_idx %arg5[%iota3A, %broadcast_in_dim3A_1149] : memref<16x128xi32, #tpu.memory_space<vmem>>[vector<16xi32>, vector<16xi32>], vector<16xi32>,
      %broadcast_in_dim3A_1151 = arith.constant 35 : i32
      %broadcast_in_dim3A_1152 = vector.broadcast %broadcast_in_dim3A_1151 : i32 to vector<16xi32>
      %gather3A_1153 = tpu.vector_load_idx %arg5[%iota3A, %broadcast_in_dim3A_1152] : memref<16x128xi32, #tpu.memory_space<vmem>>[vector<16xi32>, vector<16xi32>], vector<16xi32>,
      %broadcast_in_dim3A_1154 = arith.constant 36 : i32
      %broadcast_in_dim3A_1155 = vector.broadcast %broadcast_in_dim3A_1154 : i32 to vector<16xi32>
      %gather3A_1156 = tpu.vector_load_idx %arg5[%iota3A, %broadcast_in_dim3A_1155] : memref<16x128xi32, #tpu.memory_space<vmem>>[vector<16xi32>, vector<16xi32>], vector<16xi32>,
      %broadcast_in_dim3A_1157 = arith.constant 37 : i32
      %broadcast_in_dim3A_1158 = vector.broadcast %broadcast_in_dim3A_1157 : i32 to vector<16xi32>
      %gather3A_1159 = tpu.vector_load_idx %arg5[%iota3A, %broadcast_in_dim3A_1158] : memref<16x128xi32, #tpu.memory_space<vmem>>[vector<16xi32>, vector<16xi32>], vector<16xi32>,
      %broadcast_in_dim3A_1160 = arith.constant 38 : i32
      %broadcast_in_dim3A_1161 = vector.broadcast %broadcast_in_dim3A_1160 : i32 to vector<16xi32>
      %gather3A_1162 = tpu.vector_load_idx %arg5[%iota3A, %broadcast_in_dim3A_1161] : memref<16x128xi32, #tpu.memory_space<vmem>>[vector<16xi32>, vector<16xi32>], vector<16xi32>,
      %broadcast_in_dim3A_1163 = arith.constant 39 : i32
      %broadcast_in_dim3A_1164 = vector.broadcast %broadcast_in_dim3A_1163 : i32 to vector<16xi32>
      %gather3A_1165 = tpu.vector_load_idx %arg5[%iota3A, %broadcast_in_dim3A_1164] : memref<16x128xi32, #tpu.memory_space<vmem>>[vector<16xi32>, vector<16xi32>], vector<16xi32>,
      %max3A_1166 = arith.maxsi %gather3A_1144, %gather3A_1147 : vector<16xi32>
      %min3A_1167 = arith.minsi %gather3A_1144, %gather3A_1147 : vector<16xi32>
      %max3A_1168 = arith.maxsi %gather3A_1150, %gather3A_1153 : vector<16xi32>
      %min3A_1169 = arith.minsi %gather3A_1150, %gather3A_1153 : vector<16xi32>
      %max3A_1170 = arith.maxsi %gather3A_1156, %gather3A_1159 : vector<16xi32>
      %min3A_1171 = arith.minsi %gather3A_1156, %gather3A_1159 : vector<16xi32>
      %max3A_1172 = arith.maxsi %gather3A_1162, %gather3A_1165 : vector<16xi32>
      %min3A_1173 = arith.minsi %gather3A_1162, %gather3A_1165 : vector<16xi32>
      %max3A_1174 = arith.maxsi %max3A_1166, %max3A_1168 : vector<16xi32>
      %min3A_1175 = arith.minsi %max3A_1166, %max3A_1168 : vector<16xi32>
      %max3A_1176 = arith.maxsi %min3A_1167, %min3A_1169 : vector<16xi32>
      %min3A_1177 = arith.minsi %min3A_1167, %min3A_1169 : vector<16xi32>
      %max3A_1178 = arith.maxsi %max3A_1170, %max3A_1172 : vector<16xi32>
      %min3A_1179 = arith.minsi %max3A_1170, %max3A_1172 : vector<16xi32>
      %max3A_1180 = arith.maxsi %min3A_1171, %min3A_1173 : vector<16xi32>
      %min3A_1181 = arith.minsi %min3A_1171, %min3A_1173 : vector<16xi32>
      %max3A_1182 = arith.maxsi %max3A_1176, %min3A_1175 : vector<16xi32>
      %min3A_1183 = arith.minsi %max3A_1176, %min3A_1175 : vector<16xi32>
      %max3A_1184 = arith.maxsi %max3A_1180, %min3A_1179 : vector<16xi32>
      %min3A_1185 = arith.minsi %max3A_1180, %min3A_1179 : vector<16xi32>
      %max3A_1186 = arith.maxsi %max3A_1174, %max3A_1178 : vector<16xi32>
      %min3A_1187 = arith.minsi %max3A_1174, %max3A_1178 : vector<16xi32>
      %max3A_1188 = arith.maxsi %max3A_1182, %max3A_1184 : vector<16xi32>
      %min3A_1189 = arith.minsi %max3A_1182, %max3A_1184 : vector<16xi32>
      %max3A_1190 = arith.maxsi %min3A_1183, %min3A_1185 : vector<16xi32>
      %min3A_1191 = arith.minsi %min3A_1183, %min3A_1185 : vector<16xi32>
      %max3A_1192 = arith.maxsi %min3A_1177, %min3A_1181 : vector<16xi32>
      %min3A_1193 = arith.minsi %min3A_1177, %min3A_1181 : vector<16xi32>
      %max3A_1194 = arith.maxsi %max3A_1190, %min3A_1187 : vector<16xi32>
      %min3A_1195 = arith.minsi %max3A_1190, %min3A_1187 : vector<16xi32>
      %max3A_1196 = arith.maxsi %max3A_1192, %min3A_1189 : vector<16xi32>
      %min3A_1197 = arith.minsi %max3A_1192, %min3A_1189 : vector<16xi32>
      %max3A_1198 = arith.maxsi %max3A_1188, %max3A_1194 : vector<16xi32>
      %min3A_1199 = arith.minsi %max3A_1188, %max3A_1194 : vector<16xi32>
      %max3A_1200 = arith.maxsi %max3A_1196, %min3A_1195 : vector<16xi32>
      %min3A_1201 = arith.minsi %max3A_1196, %min3A_1195 : vector<16xi32>
      %max3A_1202 = arith.maxsi %min3A_1197, %min3A_1191 : vector<16xi32>
      %min3A_1203 = arith.minsi %min3A_1197, %min3A_1191 : vector<16xi32>
      %max3A_1204 = arith.maxsi %max3A_1134, %min3A_1193 : vector<16xi32>
      %max3A_1205 = arith.maxsi %min3A_1135, %min3A_1203 : vector<16xi32>
      %max3A_1206 = arith.maxsi %max3A_1136, %max3A_1202 : vector<16xi32>
      %max3A_1207 = arith.maxsi %min3A_1137, %min3A_1201 : vector<16xi32>
      %max3A_1208 = arith.maxsi %max3A_1138, %max3A_1200 : vector<16xi32>
      %max3A_1209 = arith.maxsi %min3A_1139, %min3A_1199 : vector<16xi32>
      %max3A_1210 = arith.maxsi %max3A_1140, %max3A_1198 : vector<16xi32>
      %max3A_1211 = arith.maxsi %min3A_1141, %max3A_1186 : vector<16xi32>
      %max3A_1212 = arith.maxsi %max3A_1204, %max3A_1208 : vector<16xi32>
      %min3A_1213 = arith.minsi %max3A_1204, %max3A_1208 : vector<16xi32>
      %max3A_1214 = arith.maxsi %max3A_1205, %max3A_1209 : vector<16xi32>
      %min3A_1215 = arith.minsi %max3A_1205, %max3A_1209 : vector<16xi32>
      %max3A_1216 = arith.maxsi %max3A_1206, %max3A_1210 : vector<16xi32>
      %min3A_1217 = arith.minsi %max3A_1206, %max3A_1210 : vector<16xi32>
      %max3A_1218 = arith.maxsi %max3A_1207, %max3A_1211 : vector<16xi32>
      %min3A_1219 = arith.minsi %max3A_1207, %max3A_1211 : vector<16xi32>
      %max3A_1220 = arith.maxsi %max3A_1212, %max3A_1216 : vector<16xi32>
      %min3A_1221 = arith.minsi %max3A_1212, %max3A_1216 : vector<16xi32>
      %max3A_1222 = arith.maxsi %max3A_1214, %max3A_1218 : vector<16xi32>
      %min3A_1223 = arith.minsi %max3A_1214, %max3A_1218 : vector<16xi32>
      %max3A_1224 = arith.maxsi %min3A_1213, %min3A_1217 : vector<16xi32>
      %min3A_1225 = arith.minsi %min3A_1213, %min3A_1217 : vector<16xi32>
      %max3A_1226 = arith.maxsi %min3A_1215, %min3A_1219 : vector<16xi32>
      %min3A_1227 = arith.minsi %min3A_1215, %min3A_1219 : vector<16xi32>
      %max3A_1228 = arith.maxsi %max3A_1220, %max3A_1222 : vector<16xi32>
      %min3A_1229 = arith.minsi %max3A_1220, %max3A_1222 : vector<16xi32>
      %max3A_1230 = arith.maxsi %min3A_1221, %min3A_1223 : vector<16xi32>
      %min3A_1231 = arith.minsi %min3A_1221, %min3A_1223 : vector<16xi32>
      %max3A_1232 = arith.maxsi %max3A_1224, %max3A_1226 : vector<16xi32>
      %min3A_1233 = arith.minsi %max3A_1224, %max3A_1226 : vector<16xi32>
      %max3A_1234 = arith.maxsi %min3A_1225, %min3A_1227 : vector<16xi32>
      %min3A_1235 = arith.minsi %min3A_1225, %min3A_1227 : vector<16xi32>
      %broadcast_in_dim3A_1236 = arith.constant 40 : i32
      %broadcast_in_dim3A_1237 = vector.broadcast %broadcast_in_dim3A_1236 : i32 to vector<16xi32>
      %gather3A_1238 = tpu.vector_load_idx %arg5[%iota3A, %broadcast_in_dim3A_1237] : memref<16x128xi32, #tpu.memory_space<vmem>>[vector<16xi32>, vector<16xi32>], vector<16xi32>,
      %broadcast_in_dim3A_1239 = arith.constant 41 : i32
      %broadcast_in_dim3A_1240 = vector.broadcast %broadcast_in_dim3A_1239 : i32 to vector<16xi32>
      %gather3A_1241 = tpu.vector_load_idx %arg5[%iota3A, %broadcast_in_dim3A_1240] : memref<16x128xi32, #tpu.memory_space<vmem>>[vector<16xi32>, vector<16xi32>], vector<16xi32>,
      %broadcast_in_dim3A_1242 = arith.constant 42 : i32
      %broadcast_in_dim3A_1243 = vector.broadcast %broadcast_in_dim3A_1242 : i32 to vector<16xi32>
      %gather3A_1244 = tpu.vector_load_idx %arg5[%iota3A, %broadcast_in_dim3A_1243] : memref<16x128xi32, #tpu.memory_space<vmem>>[vector<16xi32>, vector<16xi32>], vector<16xi32>,
      %broadcast_in_dim3A_1245 = arith.constant 43 : i32
      %broadcast_in_dim3A_1246 = vector.broadcast %broadcast_in_dim3A_1245 : i32 to vector<16xi32>
      %gather3A_1247 = tpu.vector_load_idx %arg5[%iota3A, %broadcast_in_dim3A_1246] : memref<16x128xi32, #tpu.memory_space<vmem>>[vector<16xi32>, vector<16xi32>], vector<16xi32>,
      %broadcast_in_dim3A_1248 = arith.constant 44 : i32
      %broadcast_in_dim3A_1249 = vector.broadcast %broadcast_in_dim3A_1248 : i32 to vector<16xi32>
      %gather3A_1250 = tpu.vector_load_idx %arg5[%iota3A, %broadcast_in_dim3A_1249] : memref<16x128xi32, #tpu.memory_space<vmem>>[vector<16xi32>, vector<16xi32>], vector<16xi32>,
      %broadcast_in_dim3A_1251 = arith.constant 45 : i32
      %broadcast_in_dim3A_1252 = vector.broadcast %broadcast_in_dim3A_1251 : i32 to vector<16xi32>
      %gather3A_1253 = tpu.vector_load_idx %arg5[%iota3A, %broadcast_in_dim3A_1252] : memref<16x128xi32, #tpu.memory_space<vmem>>[vector<16xi32>, vector<16xi32>], vector<16xi32>,
      %broadcast_in_dim3A_1254 = arith.constant 46 : i32
      %broadcast_in_dim3A_1255 = vector.broadcast %broadcast_in_dim3A_1254 : i32 to vector<16xi32>
      %gather3A_1256 = tpu.vector_load_idx %arg5[%iota3A, %broadcast_in_dim3A_1255] : memref<16x128xi32, #tpu.memory_space<vmem>>[vector<16xi32>, vector<16xi32>], vector<16xi32>,
      %broadcast_in_dim3A_1257 = arith.constant 47 : i32
      %broadcast_in_dim3A_1258 = vector.broadcast %broadcast_in_dim3A_1257 : i32 to vector<16xi32>
      %gather3A_1259 = tpu.vector_load_idx %arg5[%iota3A, %broadcast_in_dim3A_1258] : memref<16x128xi32, #tpu.memory_space<vmem>>[vector<16xi32>, vector<16xi32>], vector<16xi32>,
      %max3A_1260 = arith.maxsi %gather3A_1238, %gather3A_1241 : vector<16xi32>
      %min3A_1261 = arith.minsi %gather3A_1238, %gather3A_1241 : vector<16xi32>
      %max3A_1262 = arith.maxsi %gather3A_1244, %gather3A_1247 : vector<16xi32>
      %min3A_1263 = arith.minsi %gather3A_1244, %gather3A_1247 : vector<16xi32>
      %max3A_1264 = arith.maxsi %gather3A_1250, %gather3A_1253 : vector<16xi32>
      %min3A_1265 = arith.minsi %gather3A_1250, %gather3A_1253 : vector<16xi32>
      %max3A_1266 = arith.maxsi %gather3A_1256, %gather3A_1259 : vector<16xi32>
      %min3A_1267 = arith.minsi %gather3A_1256, %gather3A_1259 : vector<16xi32>
      %max3A_1268 = arith.maxsi %max3A_1260, %max3A_1262 : vector<16xi32>
      %min3A_1269 = arith.minsi %max3A_1260, %max3A_1262 : vector<16xi32>
      %max3A_1270 = arith.maxsi %min3A_1261, %min3A_1263 : vector<16xi32>
      %min3A_1271 = arith.minsi %min3A_1261, %min3A_1263 : vector<16xi32>
      %max3A_1272 = arith.maxsi %max3A_1264, %max3A_1266 : vector<16xi32>
      %min3A_1273 = arith.minsi %max3A_1264, %max3A_1266 : vector<16xi32>
      %max3A_1274 = arith.maxsi %min3A_1265, %min3A_1267 : vector<16xi32>
      %min3A_1275 = arith.minsi %min3A_1265, %min3A_1267 : vector<16xi32>
      %max3A_1276 = arith.maxsi %max3A_1270, %min3A_1269 : vector<16xi32>
      %min3A_1277 = arith.minsi %max3A_1270, %min3A_1269 : vector<16xi32>
      %max3A_1278 = arith.maxsi %max3A_1274, %min3A_1273 : vector<16xi32>
      %min3A_1279 = arith.minsi %max3A_1274, %min3A_1273 : vector<16xi32>
      %max3A_1280 = arith.maxsi %max3A_1268, %max3A_1272 : vector<16xi32>
      %min3A_1281 = arith.minsi %max3A_1268, %max3A_1272 : vector<16xi32>
      %max3A_1282 = arith.maxsi %max3A_1276, %max3A_1278 : vector<16xi32>
      %min3A_1283 = arith.minsi %max3A_1276, %max3A_1278 : vector<16xi32>
      %max3A_1284 = arith.maxsi %min3A_1277, %min3A_1279 : vector<16xi32>
      %min3A_1285 = arith.minsi %min3A_1277, %min3A_1279 : vector<16xi32>
      %max3A_1286 = arith.maxsi %min3A_1271, %min3A_1275 : vector<16xi32>
      %min3A_1287 = arith.minsi %min3A_1271, %min3A_1275 : vector<16xi32>
      %max3A_1288 = arith.maxsi %max3A_1284, %min3A_1281 : vector<16xi32>
      %min3A_1289 = arith.minsi %max3A_1284, %min3A_1281 : vector<16xi32>
      %max3A_1290 = arith.maxsi %max3A_1286, %min3A_1283 : vector<16xi32>
      %min3A_1291 = arith.minsi %max3A_1286, %min3A_1283 : vector<16xi32>
      %max3A_1292 = arith.maxsi %max3A_1282, %max3A_1288 : vector<16xi32>
      %min3A_1293 = arith.minsi %max3A_1282, %max3A_1288 : vector<16xi32>
      %max3A_1294 = arith.maxsi %max3A_1290, %min3A_1289 : vector<16xi32>
      %min3A_1295 = arith.minsi %max3A_1290, %min3A_1289 : vector<16xi32>
      %max3A_1296 = arith.maxsi %min3A_1291, %min3A_1285 : vector<16xi32>
      %min3A_1297 = arith.minsi %min3A_1291, %min3A_1285 : vector<16xi32>
      %max3A_1298 = arith.maxsi %max3A_1228, %min3A_1287 : vector<16xi32>
      %max3A_1299 = arith.maxsi %min3A_1229, %min3A_1297 : vector<16xi32>
      %max3A_1300 = arith.maxsi %max3A_1230, %max3A_1296 : vector<16xi32>
      %max3A_1301 = arith.maxsi %min3A_1231, %min3A_1295 : vector<16xi32>
      %max3A_1302 = arith.maxsi %max3A_1232, %max3A_1294 : vector<16xi32>
      %max3A_1303 = arith.maxsi %min3A_1233, %min3A_1293 : vector<16xi32>
      %max3A_1304 = arith.maxsi %max3A_1234, %max3A_1292 : vector<16xi32>
      %max3A_1305 = arith.maxsi %min3A_1235, %max3A_1280 : vector<16xi32>
      %max3A_1306 = arith.maxsi %max3A_1298, %max3A_1302 : vector<16xi32>
      %min3A_1307 = arith.minsi %max3A_1298, %max3A_1302 : vector<16xi32>
      %max3A_1308 = arith.maxsi %max3A_1299, %max3A_1303 : vector<16xi32>
      %min3A_1309 = arith.minsi %max3A_1299, %max3A_1303 : vector<16xi32>
      %max3A_1310 = arith.maxsi %max3A_1300, %max3A_1304 : vector<16xi32>
      %min3A_1311 = arith.minsi %max3A_1300, %max3A_1304 : vector<16xi32>
      %max3A_1312 = arith.maxsi %max3A_1301, %max3A_1305 : vector<16xi32>
      %min3A_1313 = arith.minsi %max3A_1301, %max3A_1305 : vector<16xi32>
      %max3A_1314 = arith.maxsi %max3A_1306, %max3A_1310 : vector<16xi32>
      %min3A_1315 = arith.minsi %max3A_1306, %max3A_1310 : vector<16xi32>
      %max3A_1316 = arith.maxsi %max3A_1308, %max3A_1312 : vector<16xi32>
      %min3A_1317 = arith.minsi %max3A_1308, %max3A_1312 : vector<16xi32>
      %max3A_1318 = arith.maxsi %min3A_1307, %min3A_1311 : vector<16xi32>
      %min3A_1319 = arith.minsi %min3A_1307, %min3A_1311 : vector<16xi32>
      %max3A_1320 = arith.maxsi %min3A_1309, %min3A_1313 : vector<16xi32>
      %min3A_1321 = arith.minsi %min3A_1309, %min3A_1313 : vector<16xi32>
      %max3A_1322 = arith.maxsi %max3A_1314, %max3A_1316 : vector<16xi32>
      %min3A_1323 = arith.minsi %max3A_1314, %max3A_1316 : vector<16xi32>
      %max3A_1324 = arith.maxsi %min3A_1315, %min3A_1317 : vector<16xi32>
      %min3A_1325 = arith.minsi %min3A_1315, %min3A_1317 : vector<16xi32>
      %max3A_1326 = arith.maxsi %max3A_1318, %max3A_1320 : vector<16xi32>
      %min3A_1327 = arith.minsi %max3A_1318, %max3A_1320 : vector<16xi32>
      %max3A_1328 = arith.maxsi %min3A_1319, %min3A_1321 : vector<16xi32>
      %min3A_1329 = arith.minsi %min3A_1319, %min3A_1321 : vector<16xi32>
      %broadcast_in_dim3A_1330 = arith.constant 48 : i32
      %broadcast_in_dim3A_1331 = vector.broadcast %broadcast_in_dim3A_1330 : i32 to vector<16xi32>
      %gather3A_1332 = tpu.vector_load_idx %arg5[%iota3A, %broadcast_in_dim3A_1331] : memref<16x128xi32, #tpu.memory_space<vmem>>[vector<16xi32>, vector<16xi32>], vector<16xi32>,
      %broadcast_in_dim3A_1333 = arith.constant 49 : i32
      %broadcast_in_dim3A_1334 = vector.broadcast %broadcast_in_dim3A_1333 : i32 to vector<16xi32>
      %gather3A_1335 = tpu.vector_load_idx %arg5[%iota3A, %broadcast_in_dim3A_1334] : memref<16x128xi32, #tpu.memory_space<vmem>>[vector<16xi32>, vector<16xi32>], vector<16xi32>,
      %broadcast_in_dim3A_1336 = arith.constant 50 : i32
      %broadcast_in_dim3A_1337 = vector.broadcast %broadcast_in_dim3A_1336 : i32 to vector<16xi32>
      %gather3A_1338 = tpu.vector_load_idx %arg5[%iota3A, %broadcast_in_dim3A_1337] : memref<16x128xi32, #tpu.memory_space<vmem>>[vector<16xi32>, vector<16xi32>], vector<16xi32>,
      %broadcast_in_dim3A_1339 = arith.constant 51 : i32
      %broadcast_in_dim3A_1340 = vector.broadcast %broadcast_in_dim3A_1339 : i32 to vector<16xi32>
      %gather3A_1341 = tpu.vector_load_idx %arg5[%iota3A, %broadcast_in_dim3A_1340] : memref<16x128xi32, #tpu.memory_space<vmem>>[vector<16xi32>, vector<16xi32>], vector<16xi32>,
      %broadcast_in_dim3A_1342 = arith.constant 52 : i32
      %broadcast_in_dim3A_1343 = vector.broadcast %broadcast_in_dim3A_1342 : i32 to vector<16xi32>
      %gather3A_1344 = tpu.vector_load_idx %arg5[%iota3A, %broadcast_in_dim3A_1343] : memref<16x128xi32, #tpu.memory_space<vmem>>[vector<16xi32>, vector<16xi32>], vector<16xi32>,
      %broadcast_in_dim3A_1345 = arith.constant 53 : i32
      %broadcast_in_dim3A_1346 = vector.broadcast %broadcast_in_dim3A_1345 : i32 to vector<16xi32>
      %gather3A_1347 = tpu.vector_load_idx %arg5[%iota3A, %broadcast_in_dim3A_1346] : memref<16x128xi32, #tpu.memory_space<vmem>>[vector<16xi32>, vector<16xi32>], vector<16xi32>,
      %broadcast_in_dim3A_1348 = arith.constant 54 : i32
      %broadcast_in_dim3A_1349 = vector.broadcast %broadcast_in_dim3A_1348 : i32 to vector<16xi32>
      %gather3A_1350 = tpu.vector_load_idx %arg5[%iota3A, %broadcast_in_dim3A_1349] : memref<16x128xi32, #tpu.memory_space<vmem>>[vector<16xi32>, vector<16xi32>], vector<16xi32>,
      %broadcast_in_dim3A_1351 = arith.constant 55 : i32
      %broadcast_in_dim3A_1352 = vector.broadcast %broadcast_in_dim3A_1351 : i32 to vector<16xi32>
      %gather3A_1353 = tpu.vector_load_idx %arg5[%iota3A, %broadcast_in_dim3A_1352] : memref<16x128xi32, #tpu.memory_space<vmem>>[vector<16xi32>, vector<16xi32>], vector<16xi32>,
      %max3A_1354 = arith.maxsi %gather3A_1332, %gather3A_1335 : vector<16xi32>
      %min3A_1355 = arith.minsi %gather3A_1332, %gather3A_1335 : vector<16xi32>
      %max3A_1356 = arith.maxsi %gather3A_1338, %gather3A_1341 : vector<16xi32>
      %min3A_1357 = arith.minsi %gather3A_1338, %gather3A_1341 : vector<16xi32>
      %max3A_1358 = arith.maxsi %gather3A_1344, %gather3A_1347 : vector<16xi32>
      %min3A_1359 = arith.minsi %gather3A_1344, %gather3A_1347 : vector<16xi32>
      %max3A_1360 = arith.maxsi %gather3A_1350, %gather3A_1353 : vector<16xi32>
      %min3A_1361 = arith.minsi %gather3A_1350, %gather3A_1353 : vector<16xi32>
      %max3A_1362 = arith.maxsi %max3A_1354, %max3A_1356 : vector<16xi32>
      %min3A_1363 = arith.minsi %max3A_1354, %max3A_1356 : vector<16xi32>
      %max3A_1364 = arith.maxsi %min3A_1355, %min3A_1357 : vector<16xi32>
      %min3A_1365 = arith.minsi %min3A_1355, %min3A_1357 : vector<16xi32>
      %max3A_1366 = arith.maxsi %max3A_1358, %max3A_1360 : vector<16xi32>
      %min3A_1367 = arith.minsi %max3A_1358, %max3A_1360 : vector<16xi32>
      %max3A_1368 = arith.maxsi %min3A_1359, %min3A_1361 : vector<16xi32>
      %min3A_1369 = arith.minsi %min3A_1359, %min3A_1361 : vector<16xi32>
      %max3A_1370 = arith.maxsi %max3A_1364, %min3A_1363 : vector<16xi32>
      %min3A_1371 = arith.minsi %max3A_1364, %min3A_1363 : vector<16xi32>
      %max3A_1372 = arith.maxsi %max3A_1368, %min3A_1367 : vector<16xi32>
      %min3A_1373 = arith.minsi %max3A_1368, %min3A_1367 : vector<16xi32>
      %max3A_1374 = arith.maxsi %max3A_1362, %max3A_1366 : vector<16xi32>
      %min3A_1375 = arith.minsi %max3A_1362, %max3A_1366 : vector<16xi32>
      %max3A_1376 = arith.maxsi %max3A_1370, %max3A_1372 : vector<16xi32>
      %min3A_1377 = arith.minsi %max3A_1370, %max3A_1372 : vector<16xi32>
      %max3A_1378 = arith.maxsi %min3A_1371, %min3A_1373 : vector<16xi32>
      %min3A_1379 = arith.minsi %min3A_1371, %min3A_1373 : vector<16xi32>
      %max3A_1380 = arith.maxsi %min3A_1365, %min3A_1369 : vector<16xi32>
      %min3A_1381 = arith.minsi %min3A_1365, %min3A_1369 : vector<16xi32>
      %max3A_1382 = arith.maxsi %max3A_1378, %min3A_1375 : vector<16xi32>
      %min3A_1383 = arith.minsi %max3A_1378, %min3A_1375 : vector<16xi32>
      %max3A_1384 = arith.maxsi %max3A_1380, %min3A_1377 : vector<16xi32>
      %min3A_1385 = arith.minsi %max3A_1380, %min3A_1377 : vector<16xi32>
      %max3A_1386 = arith.maxsi %max3A_1376, %max3A_1382 : vector<16xi32>
      %min3A_1387 = arith.minsi %max3A_1376, %max3A_1382 : vector<16xi32>
      %max3A_1388 = arith.maxsi %max3A_1384, %min3A_1383 : vector<16xi32>
      %min3A_1389 = arith.minsi %max3A_1384, %min3A_1383 : vector<16xi32>
      %max3A_1390 = arith.maxsi %min3A_1385, %min3A_1379 : vector<16xi32>
      %min3A_1391 = arith.minsi %min3A_1385, %min3A_1379 : vector<16xi32>
      %max3A_1392 = arith.maxsi %max3A_1322, %min3A_1381 : vector<16xi32>
      %max3A_1393 = arith.maxsi %min3A_1323, %min3A_1391 : vector<16xi32>
      %max3A_1394 = arith.maxsi %max3A_1324, %max3A_1390 : vector<16xi32>
      %max3A_1395 = arith.maxsi %min3A_1325, %min3A_1389 : vector<16xi32>
      %max3A_1396 = arith.maxsi %max3A_1326, %max3A_1388 : vector<16xi32>
      %max3A_1397 = arith.maxsi %min3A_1327, %min3A_1387 : vector<16xi32>
      %max3A_1398 = arith.maxsi %max3A_1328, %max3A_1386 : vector<16xi32>
      %max3A_1399 = arith.maxsi %min3A_1329, %max3A_1374 : vector<16xi32>
      %max3A_1400 = arith.maxsi %max3A_1392, %max3A_1396 : vector<16xi32>
      %min3A_1401 = arith.minsi %max3A_1392, %max3A_1396 : vector<16xi32>
      %max3A_1402 = arith.maxsi %max3A_1393, %max3A_1397 : vector<16xi32>
      %min3A_1403 = arith.minsi %max3A_1393, %max3A_1397 : vector<16xi32>
      %max3A_1404 = arith.maxsi %max3A_1394, %max3A_1398 : vector<16xi32>
      %min3A_1405 = arith.minsi %max3A_1394, %max3A_1398 : vector<16xi32>
      %max3A_1406 = arith.maxsi %max3A_1395, %max3A_1399 : vector<16xi32>
      %min3A_1407 = arith.minsi %max3A_1395, %max3A_1399 : vector<16xi32>
      %max3A_1408 = arith.maxsi %max3A_1400, %max3A_1404 : vector<16xi32>
      %min3A_1409 = arith.minsi %max3A_1400, %max3A_1404 : vector<16xi32>
      %max3A_1410 = arith.maxsi %max3A_1402, %max3A_1406 : vector<16xi32>
      %min3A_1411 = arith.minsi %max3A_1402, %max3A_1406 : vector<16xi32>
      %max3A_1412 = arith.maxsi %min3A_1401, %min3A_1405 : vector<16xi32>
      %min3A_1413 = arith.minsi %min3A_1401, %min3A_1405 : vector<16xi32>
      %max3A_1414 = arith.maxsi %min3A_1403, %min3A_1407 : vector<16xi32>
      %min3A_1415 = arith.minsi %min3A_1403, %min3A_1407 : vector<16xi32>
      %max3A_1416 = arith.maxsi %max3A_1408, %max3A_1410 : vector<16xi32>
      %min3A_1417 = arith.minsi %max3A_1408, %max3A_1410 : vector<16xi32>
      %max3A_1418 = arith.maxsi %min3A_1409, %min3A_1411 : vector<16xi32>
      %min3A_1419 = arith.minsi %min3A_1409, %min3A_1411 : vector<16xi32>
      %max3A_1420 = arith.maxsi %max3A_1412, %max3A_1414 : vector<16xi32>
      %min3A_1421 = arith.minsi %max3A_1412, %max3A_1414 : vector<16xi32>
      %max3A_1422 = arith.maxsi %min3A_1413, %min3A_1415 : vector<16xi32>
      %min3A_1423 = arith.minsi %min3A_1413, %min3A_1415 : vector<16xi32>
      %broadcast_in_dim3A_1424 = arith.constant 56 : i32
      %broadcast_in_dim3A_1425 = vector.broadcast %broadcast_in_dim3A_1424 : i32 to vector<16xi32>
      %gather3A_1426 = tpu.vector_load_idx %arg5[%iota3A, %broadcast_in_dim3A_1425] : memref<16x128xi32, #tpu.memory_space<vmem>>[vector<16xi32>, vector<16xi32>], vector<16xi32>,
      %broadcast_in_dim3A_1427 = arith.constant 57 : i32
      %broadcast_in_dim3A_1428 = vector.broadcast %broadcast_in_dim3A_1427 : i32 to vector<16xi32>
      %gather3A_1429 = tpu.vector_load_idx %arg5[%iota3A, %broadcast_in_dim3A_1428] : memref<16x128xi32, #tpu.memory_space<vmem>>[vector<16xi32>, vector<16xi32>], vector<16xi32>,
      %broadcast_in_dim3A_1430 = arith.constant 58 : i32
      %broadcast_in_dim3A_1431 = vector.broadcast %broadcast_in_dim3A_1430 : i32 to vector<16xi32>
      %gather3A_1432 = tpu.vector_load_idx %arg5[%iota3A, %broadcast_in_dim3A_1431] : memref<16x128xi32, #tpu.memory_space<vmem>>[vector<16xi32>, vector<16xi32>], vector<16xi32>,
      %broadcast_in_dim3A_1433 = arith.constant 59 : i32
      %broadcast_in_dim3A_1434 = vector.broadcast %broadcast_in_dim3A_1433 : i32 to vector<16xi32>
      %gather3A_1435 = tpu.vector_load_idx %arg5[%iota3A, %broadcast_in_dim3A_1434] : memref<16x128xi32, #tpu.memory_space<vmem>>[vector<16xi32>, vector<16xi32>], vector<16xi32>,
      %broadcast_in_dim3A_1436 = arith.constant 60 : i32
      %broadcast_in_dim3A_1437 = vector.broadcast %broadcast_in_dim3A_1436 : i32 to vector<16xi32>
      %gather3A_1438 = tpu.vector_load_idx %arg5[%iota3A, %broadcast_in_dim3A_1437] : memref<16x128xi32, #tpu.memory_space<vmem>>[vector<16xi32>, vector<16xi32>], vector<16xi32>,
      %broadcast_in_dim3A_1439 = arith.constant 61 : i32
      %broadcast_in_dim3A_1440 = vector.broadcast %broadcast_in_dim3A_1439 : i32 to vector<16xi32>
      %gather3A_1441 = tpu.vector_load_idx %arg5[%iota3A, %broadcast_in_dim3A_1440] : memref<16x128xi32, #tpu.memory_space<vmem>>[vector<16xi32>, vector<16xi32>], vector<16xi32>,
      %broadcast_in_dim3A_1442 = arith.constant 62 : i32
      %broadcast_in_dim3A_1443 = vector.broadcast %broadcast_in_dim3A_1442 : i32 to vector<16xi32>
      %gather3A_1444 = tpu.vector_load_idx %arg5[%iota3A, %broadcast_in_dim3A_1443] : memref<16x128xi32, #tpu.memory_space<vmem>>[vector<16xi32>, vector<16xi32>], vector<16xi32>,
      %broadcast_in_dim3A_1445 = arith.constant 63 : i32
      %broadcast_in_dim3A_1446 = vector.broadcast %broadcast_in_dim3A_1445 : i32 to vector<16xi32>
      %gather3A_1447 = tpu.vector_load_idx %arg5[%iota3A, %broadcast_in_dim3A_1446] : memref<16x128xi32, #tpu.memory_space<vmem>>[vector<16xi32>, vector<16xi32>], vector<16xi32>,
      %max3A_1448 = arith.maxsi %gather3A_1426, %gather3A_1429 : vector<16xi32>
      %min3A_1449 = arith.minsi %gather3A_1426, %gather3A_1429 : vector<16xi32>
      %max3A_1450 = arith.maxsi %gather3A_1432, %gather3A_1435 : vector<16xi32>
      %min3A_1451 = arith.minsi %gather3A_1432, %gather3A_1435 : vector<16xi32>
      %max3A_1452 = arith.maxsi %gather3A_1438, %gather3A_1441 : vector<16xi32>
      %min3A_1453 = arith.minsi %gather3A_1438, %gather3A_1441 : vector<16xi32>
      %max3A_1454 = arith.maxsi %gather3A_1444, %gather3A_1447 : vector<16xi32>
      %min3A_1455 = arith.minsi %gather3A_1444, %gather3A_1447 : vector<16xi32>
      %max3A_1456 = arith.maxsi %max3A_1448, %max3A_1450 : vector<16xi32>
      %min3A_1457 = arith.minsi %max3A_1448, %max3A_1450 : vector<16xi32>
      %max3A_1458 = arith.maxsi %min3A_1449, %min3A_1451 : vector<16xi32>
      %min3A_1459 = arith.minsi %min3A_1449, %min3A_1451 : vector<16xi32>
      %max3A_1460 = arith.maxsi %max3A_1452, %max3A_1454 : vector<16xi32>
      %min3A_1461 = arith.minsi %max3A_1452, %max3A_1454 : vector<16xi32>
      %max3A_1462 = arith.maxsi %min3A_1453, %min3A_1455 : vector<16xi32>
      %min3A_1463 = arith.minsi %min3A_1453, %min3A_1455 : vector<16xi32>
      %max3A_1464 = arith.maxsi %max3A_1458, %min3A_1457 : vector<16xi32>
      %min3A_1465 = arith.minsi %max3A_1458, %min3A_1457 : vector<16xi32>
      %max3A_1466 = arith.maxsi %max3A_1462, %min3A_1461 : vector<16xi32>
      %min3A_1467 = arith.minsi %max3A_1462, %min3A_1461 : vector<16xi32>
      %max3A_1468 = arith.maxsi %max3A_1456, %max3A_1460 : vector<16xi32>
      %min3A_1469 = arith.minsi %max3A_1456, %max3A_1460 : vector<16xi32>
      %max3A_1470 = arith.maxsi %max3A_1464, %max3A_1466 : vector<16xi32>
      %min3A_1471 = arith.minsi %max3A_1464, %max3A_1466 : vector<16xi32>
      %max3A_1472 = arith.maxsi %min3A_1465, %min3A_1467 : vector<16xi32>
      %min3A_1473 = arith.minsi %min3A_1465, %min3A_1467 : vector<16xi32>
      %max3A_1474 = arith.maxsi %min3A_1459, %min3A_1463 : vector<16xi32>
      %min3A_1475 = arith.minsi %min3A_1459, %min3A_1463 : vector<16xi32>
      %max3A_1476 = arith.maxsi %max3A_1472, %min3A_1469 : vector<16xi32>
      %min3A_1477 = arith.minsi %max3A_1472, %min3A_1469 : vector<16xi32>
      %max3A_1478 = arith.maxsi %max3A_1474, %min3A_1471 : vector<16xi32>
      %min3A_1479 = arith.minsi %max3A_1474, %min3A_1471 : vector<16xi32>
      %max3A_1480 = arith.maxsi %max3A_1470, %max3A_1476 : vector<16xi32>
      %min3A_1481 = arith.minsi %max3A_1470, %max3A_1476 : vector<16xi32>
      %max3A_1482 = arith.maxsi %max3A_1478, %min3A_1477 : vector<16xi32>
      %min3A_1483 = arith.minsi %max3A_1478, %min3A_1477 : vector<16xi32>
      %max3A_1484 = arith.maxsi %min3A_1479, %min3A_1473 : vector<16xi32>
      %min3A_1485 = arith.minsi %min3A_1479, %min3A_1473 : vector<16xi32>
      %max3A_1486 = arith.maxsi %max3A_1416, %min3A_1475 : vector<16xi32>
      %max3A_1487 = arith.maxsi %min3A_1417, %min3A_1485 : vector<16xi32>
      %max3A_1488 = arith.maxsi %max3A_1418, %max3A_1484 : vector<16xi32>
      %max3A_1489 = arith.maxsi %min3A_1419, %min3A_1483 : vector<16xi32>
      %max3A_1490 = arith.maxsi %max3A_1420, %max3A_1482 : vector<16xi32>
      %max3A_1491 = arith.maxsi %min3A_1421, %min3A_1481 : vector<16xi32>
      %max3A_1492 = arith.maxsi %max3A_1422, %max3A_1480 : vector<16xi32>
      %max3A_1493 = arith.maxsi %min3A_1423, %max3A_1468 : vector<16xi32>
      %max3A_1494 = arith.maxsi %max3A_1486, %max3A_1490 : vector<16xi32>
      %min3A_1495 = arith.minsi %max3A_1486, %max3A_1490 : vector<16xi32>
      %max3A_1496 = arith.maxsi %max3A_1487, %max3A_1491 : vector<16xi32>
      %min3A_1497 = arith.minsi %max3A_1487, %max3A_1491 : vector<16xi32>
      %max3A_1498 = arith.maxsi %max3A_1488, %max3A_1492 : vector<16xi32>
      %min3A_1499 = arith.minsi %max3A_1488, %max3A_1492 : vector<16xi32>
      %max3A_1500 = arith.maxsi %max3A_1489, %max3A_1493 : vector<16xi32>
      %min3A_1501 = arith.minsi %max3A_1489, %max3A_1493 : vector<16xi32>
      %max3A_1502 = arith.maxsi %max3A_1494, %max3A_1498 : vector<16xi32>
      %min3A_1503 = arith.minsi %max3A_1494, %max3A_1498 : vector<16xi32>
      %max3A_1504 = arith.maxsi %max3A_1496, %max3A_1500 : vector<16xi32>
      %min3A_1505 = arith.minsi %max3A_1496, %max3A_1500 : vector<16xi32>
      %max3A_1506 = arith.maxsi %min3A_1495, %min3A_1499 : vector<16xi32>
      %min3A_1507 = arith.minsi %min3A_1495, %min3A_1499 : vector<16xi32>
      %max3A_1508 = arith.maxsi %min3A_1497, %min3A_1501 : vector<16xi32>
      %min3A_1509 = arith.minsi %min3A_1497, %min3A_1501 : vector<16xi32>
      %max3A_1510 = arith.maxsi %max3A_1502, %max3A_1504 : vector<16xi32>
      %min3A_1511 = arith.minsi %max3A_1502, %max3A_1504 : vector<16xi32>
      %max3A_1512 = arith.maxsi %min3A_1503, %min3A_1505 : vector<16xi32>
      %min3A_1513 = arith.minsi %min3A_1503, %min3A_1505 : vector<16xi32>
      %max3A_1514 = arith.maxsi %max3A_1506, %max3A_1508 : vector<16xi32>
      %min3A_1515 = arith.minsi %max3A_1506, %max3A_1508 : vector<16xi32>
      %max3A_1516 = arith.maxsi %min3A_1507, %min3A_1509 : vector<16xi32>
      %min3A_1517 = arith.minsi %min3A_1507, %min3A_1509 : vector<16xi32>
      %mul3A_1518 = arith.constant 16 : i32
      %mul3A_1519 = arith.muli %add3A_790, %mul3A_1518 : i32
      %add3A_1520 = vector.broadcast %mul3A_1519 : i32 to vector<16xi32>
      %add3A_1521 = arith.addi %add3A_1520, %iota3A : vector<16xi32>
      %broadcast_in_dim3A_1522 = arith.constant 0 : i32
      %broadcast_in_dim3A_1523 = vector.broadcast %broadcast_in_dim3A_1522 : i32 to vector<16xi32>
      tpu.vector_store_idx %arg6[%add3A_1521, %broadcast_in_dim3A_1523], %max3A_1510 : memref<512x128xi32, #tpu.memory_space<vmem>>[vector<16xi32>, vector<16xi32>], vector<16xi32>,
      %broadcast_in_dim3A_1524 = arith.constant 1 : i32
      %broadcast_in_dim3A_1525 = vector.broadcast %broadcast_in_dim3A_1524 : i32 to vector<16xi32>
      tpu.vector_store_idx %arg6[%add3A_1521, %broadcast_in_dim3A_1525], %min3A_1511 : memref<512x128xi32, #tpu.memory_space<vmem>>[vector<16xi32>, vector<16xi32>], vector<16xi32>,
      %broadcast_in_dim3A_1526 = arith.constant 2 : i32
      %broadcast_in_dim3A_1527 = vector.broadcast %broadcast_in_dim3A_1526 : i32 to vector<16xi32>
      tpu.vector_store_idx %arg6[%add3A_1521, %broadcast_in_dim3A_1527], %max3A_1512 : memref<512x128xi32, #tpu.memory_space<vmem>>[vector<16xi32>, vector<16xi32>], vector<16xi32>,
      %broadcast_in_dim3A_1528 = arith.constant 3 : i32
      %broadcast_in_dim3A_1529 = vector.broadcast %broadcast_in_dim3A_1528 : i32 to vector<16xi32>
      tpu.vector_store_idx %arg6[%add3A_1521, %broadcast_in_dim3A_1529], %min3A_1513 : memref<512x128xi32, #tpu.memory_space<vmem>>[vector<16xi32>, vector<16xi32>], vector<16xi32>,
      %broadcast_in_dim3A_1530 = arith.constant 4 : i32
      %broadcast_in_dim3A_1531 = vector.broadcast %broadcast_in_dim3A_1530 : i32 to vector<16xi32>
      tpu.vector_store_idx %arg6[%add3A_1521, %broadcast_in_dim3A_1531], %max3A_1514 : memref<512x128xi32, #tpu.memory_space<vmem>>[vector<16xi32>, vector<16xi32>], vector<16xi32>,
      %broadcast_in_dim3A_1532 = arith.constant 5 : i32
      %broadcast_in_dim3A_1533 = vector.broadcast %broadcast_in_dim3A_1532 : i32 to vector<16xi32>
      tpu.vector_store_idx %arg6[%add3A_1521, %broadcast_in_dim3A_1533], %min3A_1515 : memref<512x128xi32, #tpu.memory_space<vmem>>[vector<16xi32>, vector<16xi32>], vector<16xi32>,
      %broadcast_in_dim3A_1534 = arith.constant 6 : i32
      %broadcast_in_dim3A_1535 = vector.broadcast %broadcast_in_dim3A_1534 : i32 to vector<16xi32>
      tpu.vector_store_idx %arg6[%add3A_1521, %broadcast_in_dim3A_1535], %max3A_1516 : memref<512x128xi32, #tpu.memory_space<vmem>>[vector<16xi32>, vector<16xi32>], vector<16xi32>,
      %broadcast_in_dim3A_1536 = arith.constant 7 : i32
      %broadcast_in_dim3A_1537 = vector.broadcast %broadcast_in_dim3A_1536 : i32 to vector<16xi32>
      tpu.vector_store_idx %arg6[%add3A_1521, %broadcast_in_dim3A_1537], %min3A_1517 : memref<512x128xi32, #tpu.memory_space<vmem>>[vector<16xi32>, vector<16xi32>], vector<16xi32>,
      %add3A_1538 = arith.constant 2 : i32
      %add3A_1539 = arith.addi %add3A_790, %add3A_1538 : i32
      %min3A_1540 = arith.constant 31 : i32
      %min3A_1541 = arith.minsi %add3A_1539, %min3A_1540 : i32
      %mul3A_1542 = arith.constant 16 : i32
      %mul3A_1543 = arith.muli %min3A_1541, %mul3A_1542 : i32
      %add3A_1544 = arith.addi %mul3A_2, %mul3A_1543 : i32
      %dma_start3A_1545 = arith.constant 0 : i32
      %dma_start3A_1546 = tpu.memref_slice %arg2[%add3A_1544, %dma_start3A_1545] : memref<16384x128xi32, #tpu.memory_space<hbm>> -> memref<16x128xi32, #tpu.memory_space<hbm>>
      %dma_start3A_1547 = arith.constant 0 : i32
      %dma_start3A_1548 = tpu.memref_slice %arg2[%add3A_1544, %dma_start3A_1547] : memref<16384x128xi32, #tpu.memory_space<hbm>> -> memref<16x128xi32, #tpu.memory_space<hbm>>
      tpu.enqueue_dma source(%dma_start3A_1548 : memref<16x128xi32, #tpu.memory_space<hbm>>) target(%arg5 : memref<16x128xi32, #tpu.memory_space<vmem>>) target_semaphore(%arg8 : memref<!tpu.dma_semaphore, #tpu.memory_space<semaphore_mem>>)
    }
    %scan3A_18 = arith.constant 16 : i32
    %add3A_19 = arith.constant 0 : i32
    %add3A_20 = arith.addi %mul3A_2, %add3A_19 : i32
    %dma_wait3A = arith.constant 0 : i32
    %dma_wait3A_21 = tpu.memref_slice %arg2[%add3A_20, %dma_wait3A] : memref<16384x128xi32, #tpu.memory_space<hbm>> -> memref<16x128xi32, #tpu.memory_space<hbm>>
    %dma_wait3A_22 = arith.constant 0 : i32
    %dma_wait3A_23 = tpu.memref_slice %arg2[%add3A_20, %dma_wait3A_22] : memref<16384x128xi32, #tpu.memory_space<hbm>> -> memref<16x128xi32, #tpu.memory_space<hbm>>
    tpu.wait_dma2 semaphore(%arg7 : memref<!tpu.dma_semaphore, #tpu.memory_space<semaphore_mem>>) src(%dma_wait3A_23 : memref<16x128xi32, #tpu.memory_space<hbm>>) dst(%arg4 : memref<16x128xi32, #tpu.memory_space<vmem>>)
    %add3A_24 = arith.constant 16 : i32
    %add3A_25 = arith.addi %mul3A_2, %add3A_24 : i32
    %dma_wait3A_26 = arith.constant 0 : i32
    %dma_wait3A_27 = tpu.memref_slice %arg2[%add3A_25, %dma_wait3A_26] : memref<16384x128xi32, #tpu.memory_space<hbm>> -> memref<16x128xi32, #tpu.memory_space<hbm>>
    %dma_wait3A_28 = arith.constant 0 : i32
    %dma_wait3A_29 = tpu.memref_slice %arg2[%add3A_25, %dma_wait3A_28] : memref<16384x128xi32, #tpu.memory_space<hbm>> -> memref<16x128xi32, #tpu.memory_space<hbm>>
    tpu.wait_dma2 semaphore(%arg8 : memref<!tpu.dma_semaphore, #tpu.memory_space<semaphore_mem>>) src(%dma_wait3A_29 : memref<16x128xi32, #tpu.memory_space<hbm>>) dst(%arg5 : memref<16x128xi32, #tpu.memory_space<vmem>>)
    "tpu.region"() ({
      %run_scoped3A = tpu.sem_alloc : memref<!tpu.dma_semaphore, #tpu.memory_space<semaphore_mem>>
      %dma_start3A_30 = arith.constant 0 : i32
      %dma_start3A_31 = tpu.memref_slice %arg3[%mul3A_2, %dma_start3A_30] : memref<16384x128xi32, #tpu.memory_space<hbm>> -> memref<512x128xi32, #tpu.memory_space<hbm>>
      %dma_start3A_32 = arith.constant 0 : i32
      %dma_start3A_33 = tpu.memref_slice %arg3[%mul3A_2, %dma_start3A_32] : memref<16384x128xi32, #tpu.memory_space<hbm>> -> memref<512x128xi32, #tpu.memory_space<hbm>>
      tpu.enqueue_dma source(%arg6 : memref<512x128xi32, #tpu.memory_space<vmem>>) target(%dma_start3A_33 : memref<512x128xi32, #tpu.memory_space<hbm>>) target_semaphore(%run_scoped3A : memref<!tpu.dma_semaphore, #tpu.memory_space<semaphore_mem>>)
      %dma_wait3A_34 = arith.constant 0 : i32
      %dma_wait3A_35 = tpu.memref_slice %arg3[%mul3A_2, %dma_wait3A_34] : memref<16384x128xi32, #tpu.memory_space<hbm>> -> memref<512x128xi32, #tpu.memory_space<hbm>>
      %dma_wait3A_36 = arith.constant 0 : i32
      %dma_wait3A_37 = tpu.memref_slice %arg3[%mul3A_2, %dma_wait3A_36] : memref<16384x128xi32, #tpu.memory_space<hbm>> -> memref<512x128xi32, #tpu.memory_space<hbm>>
      tpu.wait_dma2 semaphore(%run_scoped3A : memref<!tpu.dma_semaphore, #tpu.memory_space<semaphore_mem>>) src(%arg6 : memref<512x128xi32, #tpu.memory_space<vmem>>) dst(%dma_wait3A_37 : memref<512x128xi32, #tpu.memory_space<hbm>>)
      tpu.yield
    }) : () -> ()
    return
  }
}

module attributes {stable_mosaic.version = 14 : i64} {
  func.func @_tc_keys_body(%arg0: i32, %arg1: memref<512x4096xf32, #tpu.memory_space<vmem>>, %arg2: memref<64x4096xf32, #tpu.memory_space<vmem>>, %arg3: memref<512x128xi32, #tpu.memory_space<vmem>>) attributes {dimension_semantics = [#tpu.dimension_semantics<arbitrary>], iteration_bounds = array<i64: 32>, scalar_prefetch = 0 : i64, scratch_operands = 0 : i64, tpu.core_type = #tpu.core_type<tc>, window_params = [{transform_indices = @transform_0, window_bounds = array<i64: 512, 4096>}, {pipeline_mode = #tpu.pipeline_mode<synchronous>, transform_indices = @transform_1, window_bounds = array<i64: 64, 4096>}, {transform_indices = @transform_2, window_bounds = array<i64: 512, 128>}]} {
    %get3A = arith.constant 0 : index
    %get3A_0 = arith.constant 0 : index
    %get3A_1 = vector.load %arg1[%get3A, %get3A_0] : memref<512x4096xf32, #tpu.memory_space<vmem>>, vector<512x4096xf32>
    %get3A_2 = arith.constant 0 : index
    %get3A_3 = arith.constant 0 : index
    %get3A_4 = vector.load %arg2[%get3A_2, %get3A_3] : memref<64x4096xf32, #tpu.memory_space<vmem>>, vector<64x4096xf32>
    %dot_general3A = arith.constant dense<0.000000e+00> : vector<512x64xf32>
    %dot_general3A_5 = tpu.matmul %get3A_1, %get3A_4, %dot_general3A {dimension_numbers = #tpu.dot_dimension_numbers<[1], [1], [0], [0], [0, 0, 1, 0], [], []>, transpose_lhs_hint = false} : vector<512x4096xf32>, vector<64x4096xf32>, vector<512x64xf32> -> vector<512x64xf32>
    %mul3A = arith.constant 5.242880e+05 : f32
    %mul3A_6 = vector.broadcast %mul3A : f32 to vector<512x64xf32>
    %mul3A_7 = arith.mulf %dot_general3A_5, %mul3A_6 : vector<512x64xf32>
    %jit3A = arith.constant -3.355400e+07 : f32
    %jit3A_8 = arith.constant 3.355400e+07 : f32
    %max3A = vector.broadcast %jit3A : f32 to vector<512x64xf32>
    %max3A_9 = arith.maximumf %max3A, %mul3A_7 : vector<512x64xf32>
    %min3A = vector.broadcast %jit3A_8 : f32 to vector<512x64xf32>
    %min3A_10 = arith.minimumf %min3A, %max3A_9 : vector<512x64xf32>
    %convert_element_type3A = arith.fptosi %min3A_10 : vector<512x64xf32> to vector<512x64xi32>
    %iota3A = tpu.iota {dimensions = array<i32: 1>} : vector<512x64xi32>
    %shift_left3A = arith.constant 6 : i32
    %shift_left3A_11 = vector.broadcast %shift_left3A : i32 to vector<512x64xi32>
    %shift_left3A_12 = arith.shli %convert_element_type3A, %shift_left3A_11 : vector<512x64xi32>
    %sub3A = arith.constant 63 : i32
    %sub3A_13 = vector.broadcast %sub3A : i32 to vector<512x64xi32>
    %sub3A_14 = arith.subi %sub3A_13, %iota3A : vector<512x64xi32>
    %or3A = arith.ori %shift_left3A_12, %sub3A_14 : vector<512x64xi32>
    %broadcast_in_dim3A = arith.constant 0 : i32
    %broadcast_in_dim3A_15 = vector.broadcast %broadcast_in_dim3A : i32 to vector<512x64xi32>
    %concatenate3A = tpu.concatenate %or3A, %broadcast_in_dim3A_15 in 1 : vector<512x64xi32>, vector<512x64xi32> -> vector<512x128xi32>
    %swap3A = arith.constant 0 : index
    %swap3A_16 = arith.constant 0 : index
    %swap3A_17 = vector.load %arg3[%swap3A, %swap3A_16] : memref<512x128xi32, #tpu.memory_space<vmem>>, vector<512x128xi32>
    tpu.vector_store %arg3[%swap3A, %swap3A_16], %concatenate3A {strides = array<i32>} : memref<512x128xi32, #tpu.memory_space<vmem>>, vector<512x128xi32>,
    return
  }
  func.func @transform_0(%arg0: i32) -> (i32, i32) {
    %c0_i32 = arith.constant 0 : i32
    %c0_i32_0 = arith.constant 0 : i32
    return %arg0, %c0_i32 : i32, i32
  }
  func.func @transform_1(%arg0: i32) -> (i32, i32) {
    %c0_i32 = arith.constant 0 : i32
    %c0_i32_0 = arith.constant 0 : i32
    %c0_i32_1 = arith.constant 0 : i32
    return %c0_i32, %c0_i32_0 : i32, i32
  }
  func.func @transform_2(%arg0: i32) -> (i32, i32) {
    %c0_i32 = arith.constant 0 : i32
    %c0_i32_0 = arith.constant 0 : i32
    return %arg0, %c0_i32 : i32, i32
  }
}

module attributes {stable_mosaic.version = 14 : i64} {
  func.func @_tc_finish_body(%arg0: i32, %arg1: memref<8192x128xi32, #tpu.memory_space<vmem>>, %arg2: memref<8192x8xf32, #tpu.memory_space<vmem>>, %arg3: memref<8192x8xi32, #tpu.memory_space<vmem>>) attributes {dimension_semantics = [#tpu.dimension_semantics<arbitrary>], iteration_bounds = array<i64: 2>, scalar_prefetch = 0 : i64, scratch_operands = 0 : i64, tpu.core_type = #tpu.core_type<tc>, window_params = [{transform_indices = @transform_0, window_bounds = array<i64: 8192, 128>}, {transform_indices = @transform_1, window_bounds = array<i64: 8192, 8>}, {transform_indices = @transform_2, window_bounds = array<i64: 8192, 8>}]} {
    %get3A = arith.constant 0 : index
    %get3A_0 = arith.constant 0 : index
    %get3A_1 = vector.load %arg1[%get3A, %get3A_0] : memref<8192x128xi32, #tpu.memory_space<vmem>>, vector<8192x8xi32>
    %and3A = arith.constant 63 : i32
    %and3A_2 = vector.broadcast %and3A : i32 to vector<8192x8xi32>
    %and3A_3 = arith.andi %get3A_1, %and3A_2 : vector<8192x8xi32>
    %sub3A = arith.constant 63 : i32
    %sub3A_4 = vector.broadcast %sub3A : i32 to vector<8192x8xi32>
    %sub3A_5 = arith.subi %sub3A_4, %and3A_3 : vector<8192x8xi32>
    %swap3A = arith.constant 0 : index
    %swap3A_6 = arith.constant 0 : index
    %swap3A_7 = vector.load %arg3[%swap3A, %swap3A_6] : memref<8192x8xi32, #tpu.memory_space<vmem>>, vector<8192x8xi32>
    tpu.vector_store %arg3[%swap3A, %swap3A_6], %sub3A_5 {strides = array<i32>} : memref<8192x8xi32, #tpu.memory_space<vmem>>, vector<8192x8xi32>,
    %shift_right_arithmetic3A = arith.constant 6 : i32
    %shift_right_arithmetic3A_8 = vector.broadcast %shift_right_arithmetic3A : i32 to vector<8192x8xi32>
    %shift_right_arithmetic3A_9 = arith.shrsi %get3A_1, %shift_right_arithmetic3A_8 : vector<8192x8xi32>
    %slice3A = vector.extract_strided_slice %shift_right_arithmetic3A_9 {offsets = [0, 0], sizes = [8192, 1], strides = [1, 1]} : vector<8192x8xi32> to vector<8192x1xi32>
    %sub3A_10 = vector.broadcast %slice3A : vector<8192x1xi32> to vector<8192x8xi32>
    %sub3A_11 = arith.subi %shift_right_arithmetic3A_9, %sub3A_10 : vector<8192x8xi32>
    %convert_element_type3A = arith.sitofp %sub3A_11 : vector<8192x8xi32> to vector<8192x8xf32>
    %mul3A = arith.constant 1.90734863E-6 : f32
    %mul3A_12 = vector.broadcast %mul3A : f32 to vector<8192x8xf32>
    %mul3A_13 = arith.mulf %convert_element_type3A, %mul3A_12 : vector<8192x8xf32>
    %exp3A = math.exp %mul3A_13 : vector<8192x8xf32>
    %reduce_sum3A = arith.constant dense<0.000000e+00> : vector<8192xf32>
    %reduce_sum3A_14 = vector.multi_reduction <add>, %exp3A, %reduce_sum3A [1] : vector<8192x8xf32> to vector<8192xf32>
    %broadcast_in_dim3A = vector.shape_cast %reduce_sum3A_14 : vector<8192xf32> to vector<8192x1xf32>
    %div3A = vector.broadcast %broadcast_in_dim3A : vector<8192x1xf32> to vector<8192x8xf32>
    %div3A_15 = arith.divf %exp3A, %div3A : vector<8192x8xf32>
    %swap3A_16 = arith.constant 0 : index
    %swap3A_17 = arith.constant 0 : index
    %swap3A_18 = vector.load %arg2[%swap3A_16, %swap3A_17] : memref<8192x8xf32, #tpu.memory_space<vmem>>, vector<8192x8xf32>
    tpu.vector_store %arg2[%swap3A_16, %swap3A_17], %div3A_15 {strides = array<i32>} : memref<8192x8xf32, #tpu.memory_space<vmem>>, vector<8192x8xf32>,
    return
  }
  func.func @transform_0(%arg0: i32) -> (i32, i32) {
    %c0_i32 = arith.constant 0 : i32
    %c0_i32_0 = arith.constant 0 : i32
    return %arg0, %c0_i32 : i32, i32
  }
  func.func @transform_1(%arg0: i32) -> (i32, i32) {
    %c0_i32 = arith.constant 0 : i32
    %c0_i32_0 = arith.constant 0 : i32
    return %arg0, %c0_i32 : i32, i32
  }
  func.func @transform_2(%arg0: i32) -> (i32, i32) {
    %c0_i32 = arith.constant 0 : i32
    %c0_i32_0 = arith.constant 0 : i32
    return %arg0, %c0_i32 : i32, i32
  }
}

</mosaic_0001>

<sc_bundles>
// kernel: kernel.5.cloned.1.call-start
scs
__scs_entry_jumppad:
0x0: {  	(pc) =	sbr.rel $0x88, $3  }
0x1: {  	(tag) =	ssettag $0x0;
	lr =	simm.s32 $0x1  }
0x2: {  	[smem:$0x3F9F] =	sst lr;
	_ =	strace $0xD0000000  }
0x3: {  	_ = 	snop  }
0x4: {  	_ = 	snop  }
0x5: {  	_ = 	snop  }
0x6: {  	_ = 	snop  }
0x7: {  	_ = 	snop  }
__scs_overlays_trampoline_lowered:
0x8: {  	[smem:$0x3FAE] =	sst s0  }
0x9: {  	[smem:$0x3FAF] =	sst s1  }
0xa: {  	[smem:$0x3FB0] =	sst s2  }
0xb: {  	[smem:$0x3FB1] =	sst s3  }
0xc: {  	[smem:$0x3FB2] =	sst s4  }
0xd: {  	[smem:$0x3FB3] =	sst s5  }
0xe: {  	[smem:$0x3FB4] =	sst s6  }
0xf: {  	[smem:$0x3FB5] =	sst s7  }
0x10: {  	[smem:$0x3FB6] =	sst s8  }
0x11: {  	[smem:$0x3FB7] =	sst s9;
	s0 =	simm.s32 @!p0 $0x0  }
0x12: {  	s1 =	sld [smem:$0x3F9D];
	s0 =	simm.s32 @p0 $0x1  }
0x13: {  	[smem:$0x3FB8] =	sst s0;
	s0 =	simm.s32 @!p1 $0x0  }
0x14: {  	s2 =	sld [smem:$0x3F9C];
	s0 =	simm.s32 @p1 $0x1  }
0x15: {  	[smem:$0x3FB9] =	sst s0;
	s0 =	simm.s32 @!p2 $0x0  }
0x16: {  	s3 =	sld [smem:$0x3FDB];
	s0 =	simm.s32 @p2 $0x1  }
0x17: {  	s4 =	simm.s32 $0x1BF5;
	[smem:$0x3FBB] =	sst s0  }
0x18: {  	s0 =	sld [smem:$0x3F9E];
	_ =	swait.ge [sflag:s4], $0x0  }
0x19: {  	s7 =	sld [smem:$0x3F9F]  }
0x1a: {  	s8 =	sadd.s32 $0xFFFFE003, lr  }
0x1b: {  	s9 =	sadd.s32 $0xFFFFFEF7, lr;
	s5 =	simm.s32 $0xFFFFFFFF;
	p2 =	slt.u32 s8, $0xFFFFF086  }
0x1c: {  	p1 =	slt.u32 s9, $0xF7A;
	s5 =	simm.s32 @!p2 $0x0  }
0x1d: {  	s5 =	simm.s32 @p1 $0x1;
	p0 =	seq.s32 s7, s2  }
0x1e: {  	s7 =	smul.u32 @!p0 $0xF7A, s2;
	p2 =	seq.s32 @!p0 s5, $0x0  }
0x1f: {  	s9 =	smul.u32 $0xF7A, s1;
	s8 =	simm.s32 @!p0 $0x1BF5;
	p2 =	por !p2, p0  }
0x20: {  	[sflag:s8] =	ssyncset.s32 @!p0 $0xFFFFF086;
	s6 =	sadd.s32 @!p0 s3, s7;
	s7 =	simm.s32 @!p0 $0x108  }
0x21: {  	s3 =	sadd.s32 s3, s9;
	s6 =	sadd.s32 @!p0 $0x88, s6;
	s7 =	simm.s32 @p2 $0x1082  }
0x22: {  	[simem:s7], [sflag:s8] =	dma.local @!p0 [hbm:s6], $0xF7A  }
0x23: {  	s9 =	sor.u32 $0xD0000000, s2;
	s6 =	simm.s32 $0x108;
	_ =	swait.ge @!p0 [sflag:s8], $0x0  }
0x24: {  	s3 =	sadd.s32 $0x88, s3;
	s6 =	simm.s32 @!p1 $0x1082;
	[sflag:s4] =	ssyncset.s32 $0xFFFFF086  }
0x25: {  	[simem:s6], [sflag:s4] =	dma.local [hbm:s3], $0xF7A  }
0x26: {  	[smem:$0x3F9F] =	sst s1;
	(tag) =	ssettag s2;
	_ =	strace s9  }
0x27: {  	s1 =	sld [smem:$0x3FAF]  }
0x28: {  	s2 =	sld [smem:$0x3FB0]  }
0x29: {  	s4 =	sld [smem:$0x3FB2]  }
0x2a: {  	p0 =	seq.s32 s5, $0x0;
	s5 =	sld [smem:$0x3FB3]  }
0x2b: {  	s6 =	sld [smem:$0x3FB4]  }
0x2c: {  	s7 =	sld [smem:$0x3FB5]  }
0x2d: {  	s3 =	simm.s32 $0x108;
	s8 =	sld [smem:$0x3FB6]  }
0x2e: {  	s3 =	simm.s32 @!p0 $0x1082;
	s9 =	sld [smem:$0x3FB7]  }
0x2f: {  	lr =	sadd.s32 s0, s3;
	s0 =	sld [smem:$0x3FAE]  }
0x30: {  	s3 =	sld [smem:$0x3FB1]  }
0x31: {  	[smem:$0x3FBA] =	sst s10  }
0x32: {  	s10 =	sld [smem:$0x3FB8];
	_ =	sdelay $0x3  }
0x33: {  	p0 =	seq.s32 s10, $0x1;
	s10 =	sld [smem:$0x3FBA];
	_ =	sdelay $0x3  }
0x34: {  	[smem:$0x3FBA] =	sst s10  }
0x35: {  	s10 =	sld [smem:$0x3FB9];
	_ =	sdelay $0x3  }
0x36: {  	p1 =	seq.s32 s10, $0x1;
	s10 =	sld [smem:$0x3FBA];
	_ =	sdelay $0x3  }
0x37: {  	[smem:$0x3FBA] =	sst s10  }
0x38: {  	s10 =	sld [smem:$0x3FBB]  }
0x39: {  	_ = 	snop;
	(pc) =	sbr.ind lr, $3  }
0x3a: {  	_ = 	snop  }
0x3b: {  	_ = 	snop  }
0x3c: {  	p2 =	seq.s32 s10, $0x1;
	s10 =	sld [smem:$0x3FBA]  }
0x3d: {  	_ =	shalt  }
0x3e: {  	_ =	shalt  }
0x3f: {  	_ =	shalt  }
0x40: {  	_ =	shalt  }
0x41: {  	_ =	shalt  }
0x42: {  	_ =	shalt  }
0x43: {  	_ =	shalt  }
0x44: {  	_ =	shalt  }
0x45: {  	_ =	shalt  }
0x46: {  	_ =	shalt  }
0x47: {  	_ =	shalt  }
0x48: {  	_ =	shalt  }
0x49: {  	_ =	shalt  }
0x4a: {  	_ =	shalt  }
0x4b: {  	_ =	shalt  }
0x4c: {  	_ =	shalt  }
0x4d: {  	_ =	shalt  }
0x4e: {  	_ =	shalt  }
0x4f: {  	_ =	shalt  }
0x50: {  	_ =	shalt  }
0x51: {  	_ =	shalt  }
0x52: {  	_ =	shalt  }
0x53: {  	_ =	shalt  }
0x54: {  	_ =	shalt  }
0x55: {  	_ =	shalt  }
0x56: {  	_ =	shalt  }
0x57: {  	_ =	shalt  }
0x58: {  	_ =	shalt  }
0x59: {  	_ =	shalt  }
0x5a: {  	_ =	shalt  }
0x5b: {  	_ =	shalt  }
0x5c: {  	_ =	shalt  }
0x5d: {  	_ =	shalt  }
0x5e: {  	_ =	shalt  }
0x5f: {  	_ =	shalt  }
0x60: {  	_ =	shalt  }
0x61: {  	_ =	shalt  }
0x62: {  	_ =	shalt  }
0x63: {  	_ =	shalt  }
0x64: {  	_ =	shalt  }
0x65: {  	_ =	shalt  }
0x66: {  	_ =	shalt  }
0x67: {  	_ =	shalt  }
0x68: {  	_ =	shalt  }
0x69: {  	_ =	shalt  }
0x6a: {  	_ =	shalt  }
0x6b: {  	_ =	shalt  }
0x6c: {  	_ =	shalt  }
0x6d: {  	_ =	shalt  }
0x6e: {  	_ =	shalt  }
0x6f: {  	_ =	shalt  }
0x70: {  	_ =	shalt  }
0x71: {  	_ =	shalt  }
0x72: {  	_ =	shalt  }
0x73: {  	_ =	shalt  }
0x74: {  	_ =	shalt  }
0x75: {  	_ =	shalt  }
0x76: {  	_ =	shalt  }
0x77: {  	_ =	shalt  }
0x78: {  	_ =	shalt  }
0x79: {  	_ =	shalt  }
0x7a: {  	_ =	shalt  }
0x7b: {  	_ =	shalt  }
0x7c: {  	_ =	shalt  }
0x7d: {  	_ =	shalt  }
0x7e: {  	_ =	shalt  }
0x7f: {  	_ =	shalt  }
0x80: {  	_ =	shalt  }
0x81: {  	_ =	shalt  }
0x82: {  	_ =	shalt  }
0x83: {  	_ =	shalt  }
0x84: {  	_ =	shalt  }
0x85: {  	_ =	shalt  }
0x86: {  	_ =	shalt  }
0x87: {  	_ =	shalt  }
.Lfunc_end0:
.L_simem_size_0:
called_computation_lowered:
.L_overlay_start_0:
0x88: {  	s2 =	sld [smem:$0x3FD9]  }
0x89: {  	s3 =	sld [smem:$0x3FFE];
	_ =	sdelay $0x1  }
0x8a: {  	s1 =	srdreg.scid  }
0x8b: {  	s0 =	sand.u32 $0x1, s1  }
0x8c: {  	s16 =	sshll.u32 s0, $0xA;
	s2 =	sadd.s32 s3, s2  }
0x8d: {  	s2 =	sadd.s32 s2, s16  }
0x8e: {  	[smem:$0x3FC6] =	sst s2  }
0x8f: {  	_ = 	snop  }
0x90: {  	(tm) =	ssettm $0x1  }
0x91: {  	s17 =	sld [smem:$0x3FFB];
	_ =	sdelay $0x3  }
0x92: {  	_ =	strace s17  }
0x93: {  	s2 =	sld [smem:$0x3FFC];
	_ =	sdelay $0x3  }
0x94: {  	_ =	strace s2  }
0x95: {  	s2 =	sld [smem:$0x3FFD];
	_ =	sdelay $0x3  }
0x96: {  	_ =	strace s2  }
0x97: {  	_ =	strace $0x8FFFFFFF  }
0x98: {  	s18 =	sld [smem:$0x3FDB];
	_ =	sdelay $0x1  }
0x99: {  	s19 =	simm.s32 $_scs_section_size  }
0x9a: {  	s4 =	simm.s32 $_size__tile_overlayer_lowered;
	s5 =	simm.s32 $_tile_overlayer_lowered  }
0x9b: {  	s22 =	simm.s32 $0x1BFF;
	s21 =	sshll.u32 s5, $0x1;
	s2 =	sadd.s32 s19, s18  }
0x9c: {  	s6 =	simm.s32 $0x0;
	s20 =	sshll.u32 s4, $0x1;
	s4 =	sadd.s32 s21, s2  }
0x9d: {  	[timem:s6], [sflag:s22] =	dma.local [hbm:s4], s20  }
0x9e: {  	_ =	swait.ge [sflag:s22], s20  }
0x9f: {  	s3 =	ssub.s32 $0x0, s20;
	[sflag:s22] =	ssyncset.done $0x0  }
0xa0: {  	[sflag:s22] =	ssyncadd.s32 s3;
	_ =	sdelay $0x1  }
0xa1: {  	s23 =	simm.s32 $0x1B8B  }
0xa2: {  	_ =	swait.ge [sflag:s23], $0x1  }
0xa3: {  	[sflag:s23] =	ssyncset.done $0x0  }
0xa4: {  	s25 =	simm.s32 $0x1B8E;
	s24 =	sld [smem:$0x3FFE];
	[sflag:s23] =	ssyncadd.s32 $0xFFFFFFFF  }
0xa5: {  	s26 =	simm.s32 $execute0_lowered;
	[smem:$0x3FD2] =	sst s25  }
0xa6: {  	s4 =	sshll.u32 s26, $0x1;
	_ =	strace $0x80000046;
	[dreg:$0x1] =	wrdreg $0xFFFFFFFF  }
0xa7: {  	s28 =	simm.s32 $_size_execute0_lowered;
	s2 =	sadd.s32 s2, s4;
	[dreg:$0x0] =	wrdreg $0x0  }
0xa8: {  	s4 =	sshll.u32 s28, $0x1;
	[dreg:$0x2] =	wrdreg s2  }
0xa9: {  	[dreg:$0x3] =	wrdreg s4  }
0xaa: {  	[dreg:$0x4] =	wrdreg $0xC0  }
0xab: {  	_ =	task [dreg:s6], $0x5FFFF  }
0xac: {  	[dreg:$0x1] =	wrdreg $0xFFFFFFFF  }
0xad: {  	[dreg:$0x0] =	wrdreg $0x60  }
0xae: {  	[dreg:$0x2] =	wrdreg s24  }
0xaf: {  	[dreg:$0x3] =	wrdreg $0x9  }
0xb0: {  	_ =	task.clear_ibuf [dreg:s6], $0x4FFFF;
	_ =	strace $0x90000046  }
0xb1: {  	s29 =	simm.s32 $0x9;
	_ =	strace $0x80000048  }
0xb2: {  	_ =	swait.ge [sflag:s29], $0x1  }
0xb3: {  	[sflag:s29] =	ssyncadd.s32 $0xFFFFFFFF  }
0xb4: {  	_ =	strace $0x90000048  }
0xb5: {  	_ =	sfence  }
0xb6: {  	s30 =	sld [smem:$0x0];
	_ =	sdelay $0x2  }
0xb7: {  	s31 =	sshll.u32 s1, $0xD;
	s1 =	sshrl.u32 s1, $0x2  }
0xb8: {  	s3 =	sand.u32 $0x4000, s31;
	s1 =	sadd.s32 s1, s30  }
0xb9: {  	s0 =	sor.u32 s3, s0;
	s1 =	sshll.u32 s1, $0x11  }
0xba: {  	s0 =	sor.u32 s1, s0  }
0xbb: {  	s0 =	sadd.s32 $0x8F2B, s0  }
0xbc: {  	[sflag:s0] =	ssyncadd.remote.s32 $0x1  }
0xbd: {  	_ =	sfence.sel $0xFFFF  }
0xbe: {  	[dreg:$0x0] =	wrdreg $0xFFFFFFFF;
	(pc) =	sbr.abs _section_cstart, $3  }
0xbf: {  	[dreg:$0x1] =	wrdreg $0xFFFFFFFF  }
0xc0: {  	_ =	task.clear_ibuf [dreg:s6], $0x2FFFF;
	_ =	strace $0x9FFFFFFF  }
0xc1: {  	(tm) =	ssettm $0x7FFFFFFF  }
tec
execute0_lowered:
.L_overlay_start_1:
0x0: {  	(tag) =	ssettag $0x1  }
0x1: {  	v0 =	vlaneseq.u32  }
0x2: {  	v0 =	vmul.u32 $0x80, v0;
	_ =	sdelay $0x1  }
0x3: {  	v8 =	vor.u32 $0x10, v0  }
0x4: {  	[tilespmem:$0x1FC20] =	vst v8;
	v8 =	vor.u32 $0x11, v0  }
0x5: {  	[tilespmem:$0x1FC30] =	vst v8;
	v8 =	vor.u32 $0x12, v0  }
0x6: {  	[tilespmem:$0x1FC40] =	vst v8;
	v8 =	vor.u32 $0x13, v0  }
0x7: {  	[tilespmem:$0x1FC50] =	vst v8;
	v8 =	vor.u32 $0x14, v0  }
0x8: {  	[tilespmem:$0x1FC60] =	vst v8;
	v8 =	vor.u32 $0x15, v0  }
0x9: {  	[tilespmem:$0x1FC70] =	vst v8;
	v8 =	vor.u32 $0x16, v0  }
0xa: {  	[tilespmem:$0x1FC80] =	vst v8;
	v8 =	vor.u32 $0x17, v0  }
0xb: {  	[tilespmem:$0x1FC90] =	vst v8;
	v8 =	vor.u32 $0x18, v0  }
0xc: {  	[tilespmem:$0x1FCA0] =	vst v8;
	v8 =	vor.u32 $0x19, v0  }
0xd: {  	[tilespmem:$0x1FCB0] =	vst v8;
	v8 =	vor.u32 $0x1A, v0  }
0xe: {  	[tilespmem:$0x1FCC0] =	vst v8;
	v8 =	vor.u32 $0x1B, v0  }
0xf: {  	[tilespmem:$0x1FCD0] =	vst v8;
	v8 =	vor.u32 $0x1C, v0  }
0x10: {  	[tilespmem:$0x1FCE0] =	vst v8;
	v8 =	vor.u32 $0x1D, v0  }
0x11: {  	[tilespmem:$0x1FCF0] =	vst v8;
	v8 =	vor.u32 $0x1E, v0  }
0x12: {  	[tilespmem:$0x1FD00] =	vst v8;
	v8 =	vor.u32 $0x1F, v0  }
0x13: {  	[tilespmem:$0x1FD10] =	vst v8;
	v8 =	vor.u32 $0x20, v0  }
0x14: {  	[tilespmem:$0x1FD20] =	vst v8;
	v8 =	vor.u32 $0x21, v0  }
0x15: {  	[tilespmem:$0x1FD30] =	vst v8;
	v8 =	vor.u32 $0x22, v0  }
0x16: {  	[tilespmem:$0x1FD40] =	vst v8;
	v8 =	vor.u32 $0x23, v0  }
0x17: {  	[tilespmem:$0x1FD50] =	vst v8;
	v8 =	vor.u32 $0x24, v0  }
0x18: {  	[tilespmem:$0x1FD60] =	vst v8;
	v8 =	vor.u32 $0x25, v0  }
0x19: {  	[tilespmem:$0x1FD70] =	vst v8;
	v8 =	vor.u32 $0x26, v0  }
0x1a: {  	[tilespmem:$0x1FD80] =	vst v8;
	v8 =	vor.u32 $0x27, v0  }
0x1b: {  	[tilespmem:$0x1FD90] =	vst v8;
	v8 =	vor.u32 $0x28, v0  }
0x1c: {  	[tilespmem:$0x1FDA0] =	vst v8;
	v8 =	vor.u32 $0x29, v0  }
0x1d: {  	[tilespmem:$0x1FDB0] =	vst v8;
	v8 =	vor.u32 $0x2A, v0  }
0x1e: {  	[tilespmem:$0x1FDC0] =	vst v8;
	v8 =	vor.u32 $0x2B, v0  }
0x1f: {  	[tilespmem:$0x1FDD0] =	vst v8;
	v8 =	vor.u32 $0x2C, v0  }
0x20: {  	[tilespmem:$0x1FDE0] =	vst v8;
	v8 =	vor.u32 $0x2D, v0  }
0x21: {  	[tilespmem:$0x1FDF0] =	vst v8;
	v8 =	vor.u32 $0x2E, v0  }
0x22: {  	[tilespmem:$0x1FE00] =	vst v8;
	v8 =	vor.u32 $0x2F, v0  }
0x23: {  	s3 =	rddreg [dreg:$0x0];
	s2 =	simm.s32 $0x0;
	[tilespmem:$0x1FE10] =	vst v8;
	v8 =	vor.u32 $0x30, v0  }
0x24: {  	[smem:$0x7FF] =	sst s2;
	[tilespmem:$0x1FE20] =	vst v8;
	v8 =	vor.u32 $0x31, v0  }
0x25: {  	s0 =	rddreg [dreg:$0x1];
	v4 =	vor.u32 $0x3, v0;
	_ =	strace $0x80000047;
	[tilespmem:$0x1FE30] =	vst v8  }
0x26: {  	v5 =	vor.u32 $0x4, v0;
	[tilespmem:$0x1FF20] =	vst v4  }
0x27: {  	v6 =	vor.u32 $0x5, v0;
	[tilespmem:$0x1FF30] =	vst v5  }
0x28: {  	v20 =	vor.u32 $0x6, v0;
	[tilespmem:$0x1FF40] =	vst v6  }
0x29: {  	v2 =	vor.u32 $0x1, v0;
	[tilespmem:$0x1FF50] =	vst v20  }
0x2a: {  	v3 =	vor.u32 $0x2, v0;
	[tilespmem:$0x1FF60] =	vst v2  }
0x2b: {  	v12 =	vor.u32 $0x8, v0;
	[tilespmem:$0x1FF70] =	vst v3  }
0x2c: {  	v15 =	vor.u32 $0x9, v0;
	[tilespmem:$0x1FF80] =	vst v12  }
0x2d: {  	v18 =	vor.u32 $0xA, v0;
	[tilespmem:$0x1FF90] =	vst v15  }
0x2e: {  	v24 =	vor.u32 $0xB, v0;
	[tilespmem:$0x1FFA0] =	vst v18  }
0x2f: {  	v21 =	vor.u32 $0xC, v0;
	[tilespmem:$0x1FFB0] =	vst v24  }
0x30: {  	v22 =	vor.u32 $0xD, v0;
	[tilespmem:$0x1FFC0] =	vst v21  }
0x31: {  	v23 =	vor.u32 $0xE, v0;
	[tilespmem:$0x1FFD0] =	vst v22  }
0x32: {  	v25 =	vor.u32 $0xF, v0;
	[tilespmem:$0x1FFE0] =	vst v23  }
0x33: {  	v8 =	vor.u32 $0x32, v0;
	[tilespmem:$0x1FFF0] =	vst v25  }
0x34: {  	[tilespmem:$0x1FE40] =	vst v8;
	v8 =	vor.u32 $0x33, v0  }
0x35: {  	[tilespmem:$0x1FE50] =	vst v8;
	v8 =	vor.u32 $0x34, v0  }
0x36: {  	[tilespmem:$0x1FE60] =	vst v8;
	v8 =	vor.u32 $0x35, v0  }
0x37: {  	[tilespmem:$0x1FE70] =	vst v8;
	v8 =	vor.u32 $0x36, v0  }
0x38: {  	[tilespmem:$0x1FE80] =	vst v8;
	v8 =	vor.u32 $0x37, v0  }
0x39: {  	[tilespmem:$0x1FE90] =	vst v8;
	v8 =	vor.u32 $0x38, v0  }
0x3a: {  	s4 =	srdreg.scid;
	[tilespmem:$0x1FEA0] =	vst v8;
	v8 =	vor.u32 $0x39, v0  }
0x3b: {  	s1 =	stileid.u32;
	s9 =	simm.s32 $0x800;
	s10 =	simm.s32 $0x1;
	[tilespmem:$0x1FEB0] =	vst v8;
	v8 =	vor.u32 $0x3A, v0  }
0x3c: {  	s11 =	simm.s32 $0x1000;
	s12 =	simm.s32 $0x2;
	s4 =	sand.u32 $0x1, s4;
	[tilespmem:$0x1FEC0] =	vst v8;
	v8 =	vor.u32 $0x3B, v0  }
0x3d: {  	s5 =	sshll.u32 s1, $0xE;
	s6 =	sshll.u32 s4, $0xD;
	s4 =	ssub.s32 $0x2, s4;
	[tilespmem:$0x1FED0] =	vst v8;
	v8 =	vor.u32 $0x3C, v0  }
0x3e: {  	s13 =	simm.s32 $0x3;
	s5 =	sor.u32 s6, s5;
	s31 =	sshrl.u32 s4, $0x1;
	[tilespmem:$0x1FEE0] =	vst v8;
	v8 =	vor.u32 $0x3D, v0  }
0x3f: {  	s14 =	simm.s32 $0x0;
	s7 =	sadd.s32 s5, s3;
	s8 =	ssub.s32 s4, s31;
	[tilespmem:$0x1FEF0] =	vst v8;
	v8 =	vor.u32 $0x3E, v0  }
0x40: {  	s3 =	sadd.s32 $0xA00, s7;
	s4 =	sadd.s32 $0xB00, s7;
	s5 =	sadd.s32 $0xC00, s7;
	[tilespmem:$0x1FF00] =	vst v8;
	v8 =	vor.u32 $0x3F, v0  }
0x41: {  	v7 =	vor.u32 $0x7, v0;
	s6 =	sadd.s32 $0xD00, s7;
	s7 =	sadd.s32 $0x40A00, s7;
	s8 =	smax.u32 s8, $0x1;
	[tilespmem:$0x1FF10] =	vst v8  }
.LBB2_1:
0x42: {  	[tilespmem:s2], [sflag:$0x1] =	stream.linear.gather [hbm4b:s3+s2], $0x800, $0x38;
	[tilespmem:$0x11000] =	vst v63  }
0x43: {  	s15 =	simm.s32 $0x0;
	s16 =	simm.s32 $0x0  }
0x44: {  	[tilespmem:s9], [sflag:$0x2] =	stream.linear.gather [hbm4b:s4+s2], $0x800, $0x38;
	[tilespmem:$0x11000] =	vst v63  }
.LBB2_2:
0x45: {  	_ =	swait.ge [sflag:s10], $0x800  }
0x46: {  	v1 =	vld [tilespmem:$0x1FF80];
	_ =	sdelay $0x5  }
0x47: {  	[sflag:s10] =	ssyncset.done $0x0  }
0x48: {  	[sflag:s10] =	ssyncadd.s32 $0xFFFFF800  }
0x49: {  	v17 =	vld.idx.msk [tilespmem:v1+s2+$0x0], $0xffff  }
0x4a: {  	v1 =	vld [tilespmem:$0x1FF90];
	_ =	sdelay $0x7  }
0x4b: {  	v18 =	vld.idx.msk [tilespmem:v1+s2+$0x0], $0xffff  }
0x4c: {  	v1 =	vld [tilespmem:$0x1FFA0];
	_ =	sdelay $0x7  }
0x4d: {  	v19 =	vld.idx.msk [tilespmem:v1+s2+$0x0], $0xffff  }
0x4e: {  	v1 =	vld [tilespmem:$0x1FFB0];
	_ =	sdelay $0x6  }
0x4f: {  	v14 =	vld.idx.msk [tilespmem:v20+s2+$0x0], $0xffff  }
0x50: {  	v20 =	vld.idx.msk [tilespmem:v1+s2+$0x0], $0xffff  }
0x51: {  	v1 =	vld [tilespmem:$0x1FFC0];
	_ =	sdelay $0x4  }
0x52: {  	v8 =	vld.idx.msk [tilespmem:v0+s2+$0x0], $0xffff  }
0x53: {  	v9 =	vld.idx.msk [tilespmem:v2+s2+$0x0], $0xffff  }
0x54: {  	v10 =	vld.idx.msk [tilespmem:v3+s2+$0x0], $0xffff  }
0x55: {  	v21 =	vld.idx.msk [tilespmem:v1+s2+$0x0], $0xffff  }
0x56: {  	v1 =	vld [tilespmem:$0x1FFD0]  }
0x57: {  	v11 =	vld.idx.msk [tilespmem:v4+s2+$0x0], $0xffff  }
0x58: {  	v12 =	vld.idx.msk [tilespmem:v5+s2+$0x0], $0xffff  }
0x59: {  	v13 =	vld.idx.msk [tilespmem:v6+s2+$0x0], $0xffff  }
0x5a: {  	v15 =	vld.idx.msk [tilespmem:v7+s2+$0x0], $0xffff;
	_ =	sdelay $0x3  }
0x5b: {  	vm0 =	vlt.s32 v8, v9;
	vm1 =	vlt.s32 v10, v11;
	vm10 =	vlt.s32 v12, v13;
	v22 =	vld.idx.msk [tilespmem:v1+s2+$0x0], $0xffff  }
0x5c: {  	vm11 =	vlt.s32 v14, v15;
	v16 =	vsel vm0, v9, v8;
	v8 =	vsel vm0, v8, v9;
	v1 =	vld [tilespmem:$0x1FFE0]  }
0x5d: {  	v54 =	vsel vm1, v11, v10;
	v10 =	vsel vm1, v10, v11;
	v55 =	vsel vm10, v13, v12  }
0x5e: {  	v12 =	vsel vm10, v12, v13;
	v56 =	vsel vm11, v15, v14;
	v14 =	vsel vm11, v14, v15  }
0x5f: {  	vm12 =	vlt.s32 v16, v54;
	vm13 =	vlt.s32 v8, v10;
	vm14 =	vlt.s32 v55, v56  }
0x60: {  	vm15 =	vlt.s32 v12, v14;
	v57 =	vsel vm12, v54, v16;
	v9 =	vsel vm12, v16, v54  }
0x61: {  	v58 =	vsel vm13, v10, v8;
	v8 =	vsel vm13, v8, v10;
	v59 =	vsel vm14, v56, v55  }
0x62: {  	v11 =	vsel vm14, v55, v56;
	v60 =	vsel vm15, v14, v12;
	v12 =	vsel vm15, v12, v14  }
0x63: {  	vm4 =	vlt.s32 v58, v9;
	vm5 =	vlt.s32 v60, v11;
	vm6 =	vlt.s32 v57, v59  }
0x64: {  	vm9 =	vlt.s32 v8, v12;
	v61 =	vsel vm4, v9, v58;
	v9 =	vsel vm4, v58, v9;
	v23 =	vld.idx.msk [tilespmem:v1+s2+$0x0], $0xffff  }
0x65: {  	v62 =	vsel vm5, v11, v60;
	v11 =	vsel vm5, v60, v11;
	v63 =	vsel vm6, v59, v57;
	v1 =	vld [tilespmem:$0x1FFF0]  }
0x66: {  	v10 =	vsel vm6, v57, v59;
	v30 =	vsel vm9, v12, v8;
	vm8 =	vlt.s32 v9, v11  }
0x67: {  	v8 =	vsel vm9, v8, v12;
	vm7 =	vlt.s32 v61, v62;
	v29 =	vsel vm8, v11, v9  }
0x68: {  	v28 =	vsel vm7, v62, v61;
	v14 =	vsel vm7, v61, v62;
	vm10 =	vlt.s32 v29, v10  }
0x69: {  	v9 =	vsel vm8, v9, v11;
	vm11 =	vlt.s32 v30, v14;
	v31 =	vsel vm10, v10, v29  }
0x6a: {  	v10 =	vsel vm10, v29, v10;
	v32 =	vsel vm11, v14, v30;
	v11 =	vsel vm11, v30, v14  }
0x6b: {  	vm12 =	vlt.s32 v28, v31;
	vm13 =	vlt.s32 v32, v10;
	vm14 =	vlt.s32 v11, v9  }
0x6c: {  	v33 =	vsel vm12, v31, v28;
	v12 =	vsel vm12, v28, v31;
	v34 =	vsel vm13, v10, v32  }
0x6d: {  	v10 =	vsel vm13, v32, v10;
	vm15 =	vlt.s32 v17, v18;
	vm4 =	vlt.s32 v19, v20;
	v24 =	vld.idx.msk [tilespmem:v1+s2+$0x0], $0xffff  }
0x6e: {  	v36 =	vsel vm15, v18, v17;
	v17 =	vsel vm15, v17, v18;
	v18 =	vsel vm4, v20, v19  }
0x6f: {  	v35 =	vsel vm14, v9, v11;
	v19 =	vsel vm4, v19, v20;
	vm7 =	vlt.s32 v36, v18  }
0x70: {  	v9 =	vsel vm14, v11, v9;
	vm8 =	vlt.s32 v17, v19;
	v37 =	vsel vm7, v18, v36  }
0x71: {  	v11 =	vsel vm7, v36, v18;
	v18 =	vsel vm8, v19, v17;
	vm5 =	vlt.s32 v21, v22  }
0x72: {  	v17 =	vsel vm8, v17, v19;
	v20 =	vsel vm5, v22, v21;
	vm6 =	vlt.s32 v23, v24  }
0x73: {  	v21 =	vsel vm5, v21, v22;
	v22 =	vsel vm6, v24, v23;
	v23 =	vsel vm6, v23, v24  }
0x74: {  	vm11 =	vlt.s32 v18, v11;
	vm9 =	vlt.s32 v20, v22;
	vm10 =	vlt.s32 v21, v23  }
0x75: {  	v19 =	vsel vm9, v22, v20;
	v20 =	vsel vm9, v20, v22;
	v22 =	vsel vm10, v23, v21  }
0x76: {  	v21 =	vsel vm10, v21, v23;
	v23 =	vsel vm11, v11, v18;
	v11 =	vsel vm11, v18, v11  }
0x77: {  	vm12 =	vlt.s32 v22, v20;
	vm13 =	vlt.s32 v37, v19;
	vm4 =	vlt.s32 v17, v21  }
0x78: {  	v18 =	vsel vm12, v20, v22;
	v20 =	vsel vm12, v22, v20;
	v22 =	vsel vm13, v19, v37  }
0x79: {  	v19 =	vsel vm13, v37, v19;
	vm14 =	vlt.s32 v23, v18;
	vm15 =	vlt.s32 v11, v20  }
0x7a: {  	v38 =	vsel vm14, v18, v23;
	v18 =	vsel vm14, v23, v18;
	v23 =	vsel vm15, v20, v11  }
0x7b: {  	v11 =	vsel vm15, v11, v20;
	v20 =	vsel vm4, v21, v17;
	v17 =	vsel vm4, v17, v21  }
0x7c: {  	v54 =	vld [tilespmem:$0x1FC60];
	vm15 =	vgt.s32 v8, v22;
	vm5 =	vlt.s32 v23, v19;
	vm6 =	vlt.s32 v20, v18  }
0x7d: {  	v55 =	vld [tilespmem:$0x1FC70];
	vm10 =	vgt.s32 v63, v17;
	v8 =	vsel vm15, v8, v22;
	v21 =	vsel vm5, v19, v23  }
0x7e: {  	v50 =	vld [tilespmem:$0x1FC20];
	v19 =	vsel vm5, v23, v19;
	v23 =	vsel vm6, v18, v20;
	v18 =	vsel vm6, v20, v18  }
0x7f: {  	v51 =	vld [tilespmem:$0x1FC30];
	v13 =	vsel vm10, v63, v17;
	vm7 =	vlt.s32 v38, v21;
	vm8 =	vlt.s32 v23, v19  }
0x80: {  	vm9 =	vlt.s32 v18, v11;
	v20 =	vsel vm7, v21, v38;
	v39 =	vsel vm8, v19, v23  }
0x81: {  	v19 =	vsel vm8, v23, v19;
	v23 =	vsel vm9, v11, v18;
	v11 =	vsel vm9, v18, v11  }
0x82: {  	v52 =	vld [tilespmem:$0x1FC40];
	v21 =	vsel vm7, v38, v21;
	vm1 =	vgt.s32 v33, v11;
	vm2 =	vgt.s32 v12, v23  }
0x83: {  	v53 =	vld [tilespmem:$0x1FC50];
	vm11 =	vgt.s32 v34, v19;
	vm12 =	vgt.s32 v10, v39;
	vm13 =	vgt.s32 v35, v21  }
0x84: {  	v61 =	vld.idx.msk [tilespmem:v54+s2+$0x0], $0xffff;
	vm14 =	vgt.s32 v9, v20;
	v11 =	vsel vm1, v33, v11;
	v12 =	vsel vm2, v12, v23  }
0x85: {  	v22 =	vld.idx.msk [tilespmem:v55+s2+$0x0], $0xffff;
	v40 =	vsel vm11, v34, v19;
	v10 =	vsel vm12, v10, v39;
	v41 =	vsel vm13, v35, v21  }
0x86: {  	v45 =	vld.idx.msk [tilespmem:v50+s2+$0x0], $0xffff;
	v9 =	vsel vm14, v9, v20;
	vm4 =	vlt.s32 v13, v10;
	vm5 =	vlt.s32 v11, v41  }
0x87: {  	v18 =	vld.idx.msk [tilespmem:v51+s2+$0x0], $0xffff;
	vm6 =	vlt.s32 v12, v9;
	vm7 =	vlt.s32 v40, v8;
	v42 =	vsel vm4, v10, v13  }
0x88: {  	v57 =	vld [tilespmem:$0x1FC90];
	v10 =	vsel vm4, v13, v10;
	v43 =	vsel vm5, v41, v11;
	v11 =	vsel vm5, v11, v41  }
0x89: {  	v56 =	vld [tilespmem:$0x1FC80];
	v44 =	vsel vm6, v9, v12;
	v9 =	vsel vm6, v12, v9;
	v46 =	vsel vm7, v8, v40  }
0x8a: {  	v8 =	vsel vm7, v40, v8;
	vm6 =	vlt.s32 v61, v22;
	vm8 =	vlt.s32 v42, v44  }
0x8b: {  	vm9 =	vlt.s32 v43, v46;
	vm10 =	vlt.s32 v10, v9;
	vm11 =	vlt.s32 v11, v8  }
0x8c: {  	v49 =	vld.idx.msk [tilespmem:v52+s2+$0x0], $0xffff;
	vm4 =	vlt.s32 v45, v18;
	v47 =	vsel vm8, v44, v42;
	v15 =	vsel vm8, v42, v44  }
0x8d: {  	v20 =	vld.idx.msk [tilespmem:v53+s2+$0x0], $0xffff;
	v19 =	vsel vm9, v46, v43;
	v13 =	vsel vm9, v43, v46;
	v60 =	vsel vm10, v9, v10  }
0x8e: {  	v9 =	vsel vm10, v10, v9;
	v21 =	vsel vm11, v8, v11;
	v8 =	vsel vm11, v11, v8  }
0x8f: {  	v29 =	vsel vm4, v18, v45;
	v12 =	vsel vm4, v45, v18;
	v10 =	vsel vm6, v61, v22  }
0x90: {  	v28 =	vld.idx.msk [tilespmem:v57+s2+$0x0], $0xffff;
	vm12 =	vlt.s32 v47, v19;
	vm13 =	vlt.s32 v15, v13;
	vm14 =	vlt.s32 v60, v21  }
0x91: {  	vm15 =	vlt.s32 v9, v8;
	v62 =	vsel vm12, v19, v47;
	v14 =	vsel vm12, v47, v19;
	v19 =	vld.idx.msk [tilespmem:v56+s2+$0x0], $0xffff  }
0x92: {  	vm5 =	vlt.s32 v49, v20;
	v23 =	vsel vm13, v13, v15;
	v13 =	vsel vm13, v15, v13  }
0x93: {  	v63 =	vsel vm14, v21, v60;
	v17 =	vsel vm14, v60, v21;
	v21 =	vsel vm15, v8, v9  }
0x94: {  	v8 =	vsel vm15, v9, v8;
	v18 =	vsel vm5, v20, v49;
	v16 =	vsel vm5, v49, v20  }
0x95: {  	v20 =	vsel vm6, v22, v61;
	vm8 =	vlt.s32 v29, v18;
	vm9 =	vlt.s32 v12, v16  }
0x96: {  	v30 =	vsel vm8, v18, v29;
	v9 =	vsel vm8, v29, v18;
	vm7 =	vlt.s32 v19, v28  }
0x97: {  	v18 =	vsel vm9, v16, v12;
	v12 =	vsel vm9, v12, v16;
	v22 =	vsel vm7, v28, v19  }
0x98: {  	vm12 =	vlt.s32 v18, v9;
	v19 =	vsel vm7, v19, v28;
	vm10 =	vlt.s32 v20, v22  }
0x99: {  	vm11 =	vlt.s32 v10, v19;
	v31 =	vsel vm10, v22, v20;
	v20 =	vsel vm10, v20, v22  }
0x9a: {  	v22 =	vsel vm11, v19, v10;
	v10 =	vsel vm11, v10, v19;
	v19 =	vsel vm12, v9, v18  }
0x9b: {  	v9 =	vsel vm12, v18, v9;
	vm13 =	vlt.s32 v22, v20;
	vm14 =	vlt.s32 v30, v31  }
0x9c: {  	vm5 =	vlt.s32 v12, v10;
	v18 =	vsel vm13, v20, v22;
	v20 =	vsel vm13, v22, v20  }
0x9d: {  	v22 =	vsel vm14, v31, v30;
	v16 =	vsel vm14, v30, v31;
	vm15 =	vlt.s32 v19, v18  }
0x9e: {  	vm4 =	vlt.s32 v9, v20;
	v32 =	vsel vm15, v18, v19;
	v18 =	vsel vm15, v19, v18  }
0x9f: {  	v58 =	vld [tilespmem:$0x1FCA0];
	v19 =	vsel vm4, v20, v9;
	v9 =	vsel vm4, v9, v20;
	v20 =	vsel vm5, v10, v12  }
0xa0: {  	v59 =	vld [tilespmem:$0x1FCB0];
	v10 =	vsel vm5, v12, v10;
	vm6 =	vlt.s32 v19, v16;
	vm7 =	vlt.s32 v20, v18  }
0xa1: {  	v60 =	vld [tilespmem:$0x1FCC0];
	vm11 =	vgt.s32 v62, v10;
	v33 =	vsel vm6, v16, v19;
	v16 =	vsel vm6, v19, v16  }
0xa2: {  	v61 =	vld [tilespmem:$0x1FCD0];
	v19 =	vsel vm7, v18, v20;
	v18 =	vsel vm7, v20, v18;
	v10 =	vsel vm11, v62, v10  }
0xa3: {  	vm6 =	vgt.s32 v8, v22;
	vm8 =	vlt.s32 v32, v33;
	vm9 =	vlt.s32 v19, v16  }
0xa4: {  	vm10 =	vlt.s32 v18, v9;
	v8 =	vsel vm6, v8, v22;
	v20 =	vsel vm8, v33, v32  }
0xa5: {  	v34 =	vsel vm9, v16, v19;
	v16 =	vsel vm9, v19, v16;
	v19 =	vsel vm10, v18, v9  }
0xa6: {  	v12 =	vsel vm8, v32, v33;
	v9 =	vsel vm10, v9, v18;
	vm12 =	vgt.s32 v14, v19  }
0xa7: {  	v41 =	vld.idx.msk [tilespmem:v58+s2+$0x0], $0xffff;
	vm13 =	vgt.s32 v23, v9;
	vm14 =	vgt.s32 v13, v16;
	vm15 =	vgt.s32 v63, v34  }
0xa8: {  	v43 =	vld.idx.msk [tilespmem:v59+s2+$0x0], $0xffff;
	vm4 =	vgt.s32 v17, v12;
	vm5 =	vgt.s32 v21, v20;
	v35 =	vsel vm12, v14, v19  }
0xa9: {  	v44 =	vld.idx.msk [tilespmem:v60+s2+$0x0], $0xffff;
	v9 =	vsel vm13, v23, v9;
	v13 =	vsel vm14, v13, v16;
	v36 =	vsel vm15, v63, v34  }
0xaa: {  	v45 =	vld.idx.msk [tilespmem:v61+s2+$0x0], $0xffff;
	v12 =	vsel vm4, v17, v12;
	v37 =	vsel vm5, v21, v20;
	vm7 =	vlt.s32 v10, v36  }
0xab: {  	v62 =	vld [tilespmem:$0x1FCE0];
	vm8 =	vlt.s32 v35, v12;
	vm9 =	vlt.s32 v9, v37;
	vm10 =	vlt.s32 v13, v8  }
0xac: {  	v33 =	vld [tilespmem:$0x1FD00];
	v38 =	vsel vm7, v36, v10;
	v10 =	vsel vm7, v10, v36;
	v39 =	vsel vm8, v12, v35  }
0xad: {  	v63 =	vld [tilespmem:$0x1FCF0];
	v11 =	vsel vm8, v35, v12;
	v40 =	vsel vm9, v37, v9;
	v9 =	vsel vm9, v9, v37  }
0xae: {  	v34 =	vld [tilespmem:$0x1FD10];
	v42 =	vsel vm10, v8, v13;
	v8 =	vsel vm10, v13, v8;
	vm7 =	vlt.s32 v41, v43  }
0xaf: {  	vm8 =	vlt.s32 v44, v45;
	vm11 =	vlt.s32 v38, v40;
	vm12 =	vlt.s32 v39, v42  }
0xb0: {  	vm13 =	vlt.s32 v10, v9;
	vm14 =	vlt.s32 v11, v8;
	v26 =	vsel vm7, v43, v41  }
0xb1: {  	v13 =	vsel vm7, v41, v43;
	v27 =	vsel vm8, v45, v44;
	v16 =	vsel vm8, v44, v45  }
0xb2: {  	v18 =	vsel vm11, v40, v38;
	v12 =	vsel vm11, v38, v40;
	v19 =	vsel vm12, v42, v39  }
0xb3: {  	v14 =	vsel vm12, v39, v42;
	v20 =	vsel vm13, v9, v10;
	v46 =	vld.idx.msk [tilespmem:v62+s2+$0x0], $0xffff;
	vm15 =	vlt.s32 v18, v19  }
0xb4: {  	v9 =	vsel vm13, v10, v9;
	v22 =	vsel vm15, v19, v18;
	v18 =	vsel vm15, v18, v19;
	v19 =	vld.idx.msk [tilespmem:v33+s2+$0x0], $0xffff  }
0xb5: {  	v21 =	vsel vm14, v8, v11;
	v8 =	vsel vm14, v11, v8;
	vm11 =	vlt.s32 v26, v27;
	v47 =	vld.idx.msk [tilespmem:v63+s2+$0x0], $0xffff  }
0xb6: {  	vm12 =	vlt.s32 v13, v16;
	vm4 =	vlt.s32 v12, v14;
	vm5 =	vlt.s32 v20, v21;
	v48 =	vld.idx.msk [tilespmem:v34+s2+$0x0], $0xffff  }
0xb7: {  	vm6 =	vlt.s32 v9, v8;
	v30 =	vsel vm12, v16, v13;
	v13 =	vsel vm12, v13, v16  }
0xb8: {  	v23 =	vsel vm4, v14, v12;
	v49 =	vsel vm5, v21, v20;
	v20 =	vsel vm5, v20, v21  }
0xb9: {  	v21 =	vsel vm6, v8, v9;
	v8 =	vsel vm6, v9, v8;
	v9 =	vsel vm11, v26, v27  }
0xba: {  	v12 =	vsel vm4, v12, v14;
	vm15 =	vlt.s32 v30, v9;
	vm9 =	vlt.s32 v46, v47  }
0xbb: {  	v35 =	vsel vm15, v9, v30;
	vm10 =	vlt.s32 v19, v48;
	v28 =	vsel vm9, v47, v46  }
0xbc: {  	v10 =	vsel vm9, v46, v47;
	v29 =	vsel vm10, v48, v19;
	v14 =	vsel vm10, v19, v48  }
0xbd: {  	v9 =	vsel vm15, v30, v9;
	vm13 =	vlt.s32 v28, v29;
	vm14 =	vlt.s32 v10, v14  }
0xbe: {  	v19 =	vsel vm11, v27, v26;
	v11 =	vsel vm13, v28, v29;
	v32 =	vsel vm14, v14, v10  }
0xbf: {  	v31 =	vsel vm13, v29, v28;
	v10 =	vsel vm14, v10, v14;
	vm4 =	vlt.s32 v32, v11  }
0xc0: {  	vm5 =	vlt.s32 v19, v31;
	vm8 =	vlt.s32 v13, v10;
	v36 =	vsel vm4, v11, v32  }
0xc1: {  	v11 =	vsel vm4, v32, v11;
	v37 =	vsel vm5, v31, v19;
	v16 =	vsel vm5, v19, v31  }
0xc2: {  	v39 =	vsel vm8, v10, v13;
	v10 =	vsel vm8, v13, v10;
	vm6 =	vlt.s32 v35, v36  }
0xc3: {  	vm7 =	vlt.s32 v9, v11;
	vm14 =	vgt.s32 v22, v10;
	v19 =	vsel vm6, v36, v35  }
0xc4: {  	v14 =	vsel vm6, v35, v36;
	v38 =	vsel vm7, v11, v9;
	v9 =	vsel vm7, v9, v11  }
0xc5: {  	v10 =	vsel vm14, v22, v10;
	vm9 =	vlt.s32 v38, v16;
	vm10 =	vlt.s32 v39, v14  }
0xc6: {  	v40 =	vsel vm9, v16, v38;
	v15 =	vsel vm9, v38, v16;
	v41 =	vsel vm10, v14, v39  }
0xc7: {  	v11 =	vsel vm10, v39, v14;
	vm9 =	vgt.s32 v8, v37;
	vm11 =	vlt.s32 v19, v40  }
0xc8: {  	vm12 =	vlt.s32 v41, v15;
	vm13 =	vlt.s32 v11, v9;
	v8 =	vsel vm9, v8, v37  }
0xc9: {  	v42 =	vsel vm11, v40, v19;
	v13 =	vsel vm11, v19, v40;
	v19 =	vsel vm12, v15, v41  }
0xca: {  	v35 =	vld [tilespmem:$0x1FD20];
	v15 =	vsel vm12, v41, v15;
	v43 =	vsel vm13, v9, v11;
	v9 =	vsel vm13, v11, v9  }
0xcb: {  	v36 =	vld [tilespmem:$0x1FD30];
	vm15 =	vgt.s32 v18, v9;
	vm4 =	vgt.s32 v23, v43;
	vm5 =	vgt.s32 v12, v15  }
0xcc: {  	v38 =	vld [tilespmem:$0x1FD50];
	vm6 =	vgt.s32 v49, v19;
	vm7 =	vgt.s32 v20, v13;
	vm8 =	vgt.s32 v21, v42  }
0xcd: {  	v39 =	vld [tilespmem:$0x1FD60];
	v9 =	vsel vm15, v18, v9;
	v44 =	vsel vm4, v23, v43;
	v12 =	vsel vm5, v12, v15  }
0xce: {  	v37 =	vld [tilespmem:$0x1FD40];
	v45 =	vsel vm6, v49, v19;
	v13 =	vsel vm7, v20, v13;
	v14 =	vsel vm8, v21, v42  }
0xcf: {  	v40 =	vld [tilespmem:$0x1FD70];
	vm10 =	vlt.s32 v10, v45;
	vm11 =	vlt.s32 v9, v13;
	vm12 =	vlt.s32 v44, v14  }
0xd0: {  	v41 =	vld [tilespmem:$0x1FD80];
	vm13 =	vlt.s32 v12, v8;
	v46 =	vsel vm10, v45, v10;
	v10 =	vsel vm10, v10, v45  }
0xd1: {  	v42 =	vld [tilespmem:$0x1FD90];
	v47 =	vsel vm11, v13, v9;
	v9 =	vsel vm11, v9, v13;
	v48 =	vsel vm12, v14, v44  }
0xd2: {  	v49 =	vld.idx.msk [tilespmem:v35+s2+$0x0], $0xffff;
	v11 =	vsel vm12, v44, v14;
	v26 =	vsel vm13, v8, v12;
	v8 =	vsel vm13, v12, v8  }
0xd3: {  	v18 =	vld.idx.msk [tilespmem:v36+s2+$0x0], $0xffff;
	vm14 =	vlt.s32 v46, v48;
	vm15 =	vlt.s32 v47, v26;
	vm4 =	vlt.s32 v10, v11  }
0xd4: {  	vm5 =	vlt.s32 v9, v8;
	v27 =	vsel vm14, v48, v46;
	v13 =	vsel vm14, v46, v48;
	v20 =	vld.idx.msk [tilespmem:v38+s2+$0x0], $0xffff  }
0xd5: {  	v28 =	vsel vm15, v26, v47;
	v14 =	vsel vm15, v47, v26;
	v29 =	vsel vm4, v11, v10;
	v21 =	vld.idx.msk [tilespmem:v39+s2+$0x0], $0xffff  }
0xd6: {  	v10 =	vsel vm4, v10, v11;
	v30 =	vsel vm5, v8, v9;
	v8 =	vsel vm5, v9, v8;
	v19 =	vld.idx.msk [tilespmem:v37+s2+$0x0], $0xffff  }
0xd7: {  	vm6 =	vlt.s32 v27, v28;
	vm7 =	vlt.s32 v13, v14;
	vm8 =	vlt.s32 v29, v30;
	v22 =	vld.idx.msk [tilespmem:v40+s2+$0x0], $0xffff  }
0xd8: {  	vm9 =	vlt.s32 v10, v8;
	v31 =	vsel vm6, v28, v27;
	v23 =	vld.idx.msk [tilespmem:v41+s2+$0x0], $0xffff;
	v12 =	vsel vm6, v27, v28  }
0xd9: {  	v32 =	vsel vm7, v14, v13;
	v13 =	vsel vm7, v13, v14;
	v44 =	vsel vm8, v30, v29;
	v43 =	vld.idx.msk [tilespmem:v42+s2+$0x0], $0xffff  }
0xda: {  	v11 =	vsel vm8, v29, v30;
	v45 =	vsel vm9, v8, v10;
	vm10 =	vlt.s32 v49, v18  }
0xdb: {  	v8 =	vsel vm9, v10, v8;
	v46 =	vsel vm10, v18, v49;
	vm11 =	vlt.s32 v19, v20  }
0xdc: {  	v17 =	vsel vm10, v49, v18;
	v18 =	vsel vm11, v20, v19;
	vm12 =	vlt.s32 v21, v22  }
0xdd: {  	v19 =	vsel vm11, v19, v20;
	v20 =	vsel vm12, v22, v21;
	v21 =	vsel vm12, v21, v22  }
0xde: {  	vm14 =	vlt.s32 v46, v18;
	vm15 =	vlt.s32 v17, v19;
	vm13 =	vlt.s32 v23, v43  }
0xdf: {  	v47 =	vsel vm14, v18, v46;
	v10 =	vsel vm14, v46, v18;
	v18 =	vsel vm15, v19, v17  }
0xe0: {  	v17 =	vsel vm15, v17, v19;
	v22 =	vsel vm13, v43, v23;
	v23 =	vsel vm13, v23, v43  }
0xe1: {  	vm6 =	vlt.s32 v18, v10;
	vm4 =	vlt.s32 v20, v22;
	vm5 =	vlt.s32 v21, v23  }
0xe2: {  	v19 =	vsel vm4, v22, v20;
	v20 =	vsel vm4, v20, v22;
	v22 =	vsel vm5, v23, v21  }
0xe3: {  	v21 =	vsel vm5, v21, v23;
	v23 =	vsel vm6, v10, v18;
	v10 =	vsel vm6, v18, v10  }
0xe4: {  	vm7 =	vlt.s32 v22, v20;
	vm8 =	vlt.s32 v47, v19;
	vm11 =	vlt.s32 v17, v21  }
0xe5: {  	v18 =	vsel vm7, v20, v22;
	v20 =	vsel vm7, v22, v20;
	v22 =	vsel vm8, v19, v47  }
0xe6: {  	v19 =	vsel vm8, v47, v19;
	vm9 =	vlt.s32 v23, v18;
	vm10 =	vlt.s32 v10, v20  }
0xe7: {  	v48 =	vsel vm9, v18, v23;
	v18 =	vsel vm9, v23, v18;
	v23 =	vsel vm10, v20, v10  }
0xe8: {  	v10 =	vsel vm10, v10, v20;
	v20 =	vsel vm11, v21, v17;
	v17 =	vsel vm11, v17, v21  }
0xe9: {  	vm11 =	vgt.s32 v8, v22;
	vm12 =	vlt.s32 v23, v19;
	vm13 =	vlt.s32 v20, v18  }
0xea: {  	vm5 =	vgt.s32 v31, v17;
	v8 =	vsel vm11, v8, v22;
	v21 =	vsel vm12, v19, v23  }
0xeb: {  	v19 =	vsel vm12, v23, v19;
	v23 =	vsel vm13, v18, v20;
	v18 =	vsel vm13, v20, v18  }
0xec: {  	v9 =	vsel vm5, v31, v17;
	vm14 =	vlt.s32 v48, v21;
	vm15 =	vlt.s32 v23, v19  }
0xed: {  	v46 =	vld [tilespmem:$0x1FDD0];
	vm4 =	vlt.s32 v18, v10;
	v20 =	vsel vm14, v21, v48;
	v49 =	vsel vm15, v19, v23  }
0xee: {  	v43 =	vld [tilespmem:$0x1FDA0];
	v19 =	vsel vm15, v23, v19;
	v23 =	vsel vm4, v10, v18;
	v10 =	vsel vm4, v18, v10  }
0xef: {  	v47 =	vld [tilespmem:$0x1FDE0];
	v21 =	vsel vm14, v48, v21;
	vm1 =	vgt.s32 v12, v10;
	vm6 =	vgt.s32 v32, v23  }
0xf0: {  	v1 =	vld [tilespmem:$0x1FE10];
	vm7 =	vgt.s32 v13, v19;
	vm8 =	vgt.s32 v44, v49;
	vm9 =	vgt.s32 v11, v21  }
0xf1: {  	v48 =	vld [tilespmem:$0x1FDF0];
	vm10 =	vgt.s32 v45, v20;
	v10 =	vsel vm1, v12, v10;
	v26 =	vsel vm6, v32, v23  }
0xf2: {  	v13 =	vsel vm7, v13, v19;
	v14 =	vsel vm8, v44, v49;
	v11 =	vsel vm9, v11, v21;
	v44 =	vld [tilespmem:$0x1FDB0]  }
0xf3: {  	v15 =	vsel vm10, v45, v20;
	v45 =	vld [tilespmem:$0x1FDC0];
	vm12 =	vlt.s32 v9, v14;
	vm13 =	vlt.s32 v10, v11  }
0xf4: {  	v49 =	vld [tilespmem:$0x1FE00];
	vm14 =	vlt.s32 v26, v15;
	vm15 =	vlt.s32 v13, v8;
	v27 =	vsel vm12, v14, v9  }
0xf5: {  	v20 =	vld.idx.msk [tilespmem:v46+s2+$0x0], $0xffff;
	v28 =	vsel vm13, v11, v10;
	v10 =	vsel vm13, v10, v11;
	v29 =	vsel vm14, v15, v26  }
0xf6: {  	v12 =	vsel vm14, v26, v15;
	v15 =	vld.idx.msk [tilespmem:v43+s2+$0x0], $0xffff;
	v30 =	vsel vm15, v8, v13;
	vm4 =	vlt.s32 v27, v29  }
0xf7: {  	vm5 =	vlt.s32 v28, v30;
	v31 =	vsel vm4, v29, v27;
	v11 =	vsel vm4, v27, v29;
	v29 =	vld.idx.msk [tilespmem:v47+s2+$0x0], $0xffff  }
0xf8: {  	v9 =	vsel vm12, v9, v14;
	v19 =	vsel vm5, v30, v28;
	v14 =	vsel vm5, v28, v30;
	v30 =	vld.idx.msk [tilespmem:v1+s2+$0x0], $0xffff  }
0xf9: {  	v8 =	vsel vm15, v13, v8;
	v22 =	vld.idx.msk [tilespmem:v48+s2+$0x0], $0xffff  }
0xfa: {  	vm6 =	vlt.s32 v9, v12;
	vm7 =	vlt.s32 v10, v8;
	v18 =	vld.idx.msk [tilespmem:v44+s2+$0x0], $0xffff  }
0xfb: {  	v28 =	vsel vm6, v12, v9;
	v21 =	vsel vm7, v8, v10;
	vm8 =	vlt.s32 v31, v19;
	v32 =	vld.idx.msk [tilespmem:v45+s2+$0x0], $0xffff  }
0xfc: {  	v8 =	vsel vm7, v10, v8;
	v10 =	vsel vm8, v19, v31;
	v13 =	vsel vm8, v31, v19;
	v19 =	vld.idx.msk [tilespmem:v49+s2+$0x0], $0xffff  }
0xfd: {  	v9 =	vsel vm6, v9, v12;
	vm9 =	vlt.s32 v11, v14;
	vm10 =	vlt.s32 v28, v21  }
0xfe: {  	vm11 =	vlt.s32 v9, v8;
	v23 =	vsel vm9, v14, v11;
	v11 =	vsel vm9, v11, v14  }
0xff: {  	v14 =	vsel vm10, v21, v28;
	v17 =	vsel vm10, v28, v21;
	vm14 =	vlt.s32 v29, v22  }
0x100: {  	v21 =	vsel vm11, v8, v9;
	v8 =	vsel vm11, v9, v8;
	v12 =	vsel vm14, v29, v22  }
0x101: {  	vm12 =	vlt.s32 v15, v18;
	vm13 =	vlt.s32 v32, v20;
	vm15 =	vlt.s32 v19, v30  }
0x102: {  	v31 =	vsel vm12, v18, v15;
	v15 =	vsel vm12, v15, v18;
	v18 =	vsel vm13, v20, v32  }
0x103: {  	v16 =	vsel vm13, v32, v20;
	v20 =	vsel vm14, v22, v29;
	v22 =	vsel vm15, v30, v19  }
0x104: {  	v19 =	vsel vm15, v19, v30;
	vm4 =	vlt.s32 v31, v18;
	vm5 =	vlt.s32 v15, v16  }
0x105: {  	vm6 =	vlt.s32 v20, v22;
	vm7 =	vlt.s32 v12, v19;
	v32 =	vsel vm4, v18, v31  }
0x106: {  	v9 =	vsel vm4, v31, v18;
	v18 =	vsel vm5, v16, v15;
	v15 =	vsel vm5, v15, v16  }
0x107: {  	v27 =	vsel vm6, v22, v20;
	v20 =	vsel vm6, v20, v22;
	v22 =	vsel vm7, v19, v12  }
0x108: {  	v12 =	vsel vm7, v12, v19;
	vm8 =	vlt.s32 v18, v9;
	vm9 =	vlt.s32 v22, v20  }
0x109: {  	vm10 =	vlt.s32 v32, v27;
	vm13 =	vlt.s32 v15, v12;
	v19 =	vsel vm8, v9, v18  }
0x10a: {  	v9 =	vsel vm8, v18, v9;
	v18 =	vsel vm9, v20, v22;
	v20 =	vsel vm9, v22, v20  }
0x10b: {  	v22 =	vsel vm10, v27, v32;
	v16 =	vsel vm10, v32, v27;
	vm11 =	vlt.s32 v19, v18  }
0x10c: {  	vm12 =	vlt.s32 v9, v20;
	v28 =	vsel vm11, v18, v19;
	v18 =	vsel vm11, v19, v18  }
0x10d: {  	v19 =	vsel vm12, v20, v9;
	v9 =	vsel vm12, v9, v20;
	v20 =	vsel vm13, v12, v15  }
0x10e: {  	v12 =	vsel vm13, v15, v12;
	vm14 =	vlt.s32 v19, v16;
	vm15 =	vlt.s32 v20, v18  }
0x10f: {  	vm7 =	vgt.s32 v10, v12;
	v29 =	vsel vm14, v16, v19;
	v16 =	vsel vm14, v19, v16  }
0x110: {  	v19 =	vsel vm15, v18, v20;
	v18 =	vsel vm15, v20, v18;
	v10 =	vsel vm7, v10, v12  }
0x111: {  	vm14 =	vgt.s32 v8, v22;
	vm4 =	vlt.s32 v28, v29;
	vm5 =	vlt.s32 v19, v16  }
0x112: {  	vm6 =	vlt.s32 v18, v9;
	v8 =	vsel vm14, v8, v22;
	v20 =	vsel vm4, v29, v28  }
0x113: {  	v30 =	vsel vm5, v16, v19;
	v16 =	vsel vm5, v19, v16;
	v19 =	vsel vm6, v18, v9  }
0x114: {  	v15 =	vsel vm4, v28, v29;
	v9 =	vsel vm6, v9, v18;
	vm8 =	vgt.s32 v13, v19  }
0x115: {  	vm9 =	vgt.s32 v23, v9;
	vm10 =	vgt.s32 v11, v16;
	vm11 =	vgt.s32 v14, v30  }
0x116: {  	v4 =	vld [tilespmem:$0x1FE40];
	vm12 =	vgt.s32 v17, v15;
	vm13 =	vgt.s32 v21, v20;
	v31 =	vsel vm8, v13, v19  }
0x117: {  	v5 =	vld [tilespmem:$0x1FE50];
	v9 =	vsel vm9, v23, v9;
	v11 =	vsel vm10, v11, v16;
	v32 =	vsel vm11, v14, v30  }
0x118: {  	v2 =	vld [tilespmem:$0x1FE20];
	v24 =	vsel vm12, v17, v15;
	v25 =	vsel vm13, v21, v20;
	vm15 =	vlt.s32 v10, v32  }
0x119: {  	v3 =	vld [tilespmem:$0x1FE30];
	vm4 =	vlt.s32 v31, v24;
	vm5 =	vlt.s32 v9, v25;
	vm6 =	vlt.s32 v11, v8  }
0x11a: {  	v6 =	vld [tilespmem:$0x1FE60];
	v26 =	vsel vm15, v32, v10;
	v27 =	vsel vm4, v24, v31;
	v28 =	vsel vm5, v25, v9  }
0x11b: {  	v9 =	vsel vm5, v9, v25;
	v29 =	vsel vm6, v8, v11;
	v25 =	vld [tilespmem:$0x1FE70];
	vm7 =	vlt.s32 v26, v28  }
0x11c: {  	vm8 =	vlt.s32 v27, v29;
	v18 =	vsel vm7, v28, v26;
	v14 =	vsel vm7, v26, v28;
	v26 =	vld [tilespmem:$0x1FE80]  }
0x11d: {  	v19 =	vsel vm8, v29, v27;
	v13 =	vsel vm8, v27, v29;
	v27 =	vld [tilespmem:$0x1FE90]  }
0x11e: {  	v16 =	vld.idx.msk [tilespmem:v4+s2+$0x0], $0xffff  }
0x11f: {  	v17 =	vld.idx.msk [tilespmem:v5+s2+$0x0], $0xffff;
	v10 =	vsel vm15, v10, v32  }
0x120: {  	v15 =	vld.idx.msk [tilespmem:v2+s2+$0x0], $0xffff;
	v12 =	vsel vm4, v31, v24;
	v8 =	vsel vm6, v11, v8;
	vm9 =	vlt.s32 v10, v9  }
0x121: {  	v11 =	vld.idx.msk [tilespmem:v3+s2+$0x0], $0xffff;
	vm10 =	vlt.s32 v12, v8;
	v20 =	vsel vm9, v9, v10;
	v9 =	vsel vm9, v10, v9  }
0x122: {  	v10 =	vld.idx.msk [tilespmem:v6+s2+$0x0], $0xffff;
	v21 =	vsel vm10, v8, v12;
	v8 =	vsel vm10, v12, v8;
	vm11 =	vlt.s32 v18, v19  }
0x123: {  	vm12 =	vlt.s32 v14, v13;
	vm13 =	vlt.s32 v20, v21;
	vm14 =	vlt.s32 v9, v8;
	v30 =	vld.idx.msk [tilespmem:v25+s2+$0x0], $0xffff  }
0x124: {  	vm4 =	vlt.s32 v16, v17;
	v22 =	vsel vm11, v19, v18;
	v18 =	vsel vm11, v18, v19;
	v19 =	vld.idx.msk [tilespmem:v26+s2+$0x0], $0xffff  }
0x125: {  	v23 =	vsel vm12, v13, v14;
	v13 =	vsel vm12, v14, v13;
	v24 =	vsel vm13, v21, v20;
	v31 =	vld.idx.msk [tilespmem:v27+s2+$0x0], $0xffff  }
0x126: {  	v20 =	vsel vm13, v20, v21;
	v21 =	vsel vm14, v8, v9;
	vm15 =	vlt.s32 v15, v11  }
0x127: {  	v8 =	vsel vm14, v9, v8;
	v28 =	vsel vm4, v17, v16;
	v32 =	vsel vm15, v11, v15  }
0x128: {  	v16 =	vsel vm4, v16, v17;
	v11 =	vsel vm15, v15, v11;
	vm7 =	vlt.s32 v32, v28  }
0x129: {  	vm8 =	vlt.s32 v11, v16;
	v9 =	vsel vm7, v32, v28;
	vm5 =	vlt.s32 v10, v30  }
0x12a: {  	v29 =	vsel vm5, v30, v10;
	v10 =	vsel vm5, v10, v30;
	vm6 =	vlt.s32 v19, v31  }
0x12b: {  	v30 =	vsel vm6, v31, v19;
	v14 =	vsel vm6, v19, v31;
	v19 =	vsel vm7, v28, v32  }
0x12c: {  	v31 =	vsel vm8, v16, v11;
	v11 =	vsel vm8, v11, v16;
	vm9 =	vlt.s32 v29, v30  }
0x12d: {  	vm10 =	vlt.s32 v10, v14;
	vm11 =	vlt.s32 v31, v9;
	v32 =	vsel vm9, v30, v29  }
0x12e: {  	v1 =	vmovc v0;
	v0 =	vld [tilespmem:$0x1FEF0];
	v12 =	vsel vm9, v29, v30;
	v28 =	vsel vm10, v14, v10;
	v10 =	vsel vm10, v10, v14  }
0x12f: {  	v29 =	vsel vm11, v9, v31;
	v9 =	vsel vm11, v31, v9;
	vm12 =	vlt.s32 v28, v12  }
0x130: {  	vm13 =	vlt.s32 v19, v32;
	vm4 =	vlt.s32 v11, v10;
	v30 =	vsel vm12, v12, v28  }
0x131: {  	v12 =	vsel vm12, v28, v12;
	v17 =	vsel vm13, v32, v19;
	v16 =	vsel vm13, v19, v32  }
0x132: {  	v32 =	vsel vm4, v10, v11;
	v10 =	vsel vm4, v11, v10;
	vm14 =	vlt.s32 v29, v30  }
0x133: {  	vm15 =	vlt.s32 v9, v12;
	vm10 =	vgt.s32 v22, v10;
	v19 =	vsel vm14, v30, v29  }
0x134: {  	v14 =	vsel vm14, v29, v30;
	v31 =	vsel vm15, v12, v9;
	v9 =	vsel vm15, v9, v12  }
0x135: {  	v10 =	vsel vm10, v22, v10;
	vm5 =	vlt.s32 v31, v16;
	vm6 =	vlt.s32 v32, v14  }
0x136: {  	v22 =	vld.idx.msk [tilespmem:v0+s2+$0x0], $0xffff;
	v28 =	vsel vm5, v16, v31;
	v15 =	vsel vm5, v31, v16;
	v29 =	vsel vm6, v14, v32  }
0x137: {  	v0 =	vld [tilespmem:$0x1FF00];
	v12 =	vsel vm6, v32, v14;
	vm5 =	vgt.s32 v8, v17;
	vm7 =	vlt.s32 v19, v28  }
0x138: {  	vm8 =	vlt.s32 v29, v15;
	vm9 =	vlt.s32 v12, v9;
	v8 =	vsel vm5, v8, v17  }
0x139: {  	v30 =	vsel vm7, v28, v19;
	v11 =	vsel vm7, v19, v28;
	v19 =	vsel vm8, v15, v29  }
0x13a: {  	v15 =	vsel vm8, v29, v15;
	v31 =	vsel vm9, v9, v12;
	v9 =	vsel vm9, v12, v9;
	v28 =	vld [tilespmem:$0x1FEA0]  }
0x13b: {  	v29 =	vld [tilespmem:$0x1FEB0];
	vm11 =	vgt.s32 v18, v9;
	vm14 =	vgt.s32 v24, v19;
	vm4 =	vgt.s32 v21, v30  }
0x13c: {  	vm12 =	vgt.s32 v23, v31;
	v32 =	vsel vm14, v24, v19;
	v14 =	vsel vm4, v21, v30;
	v30 =	vld [tilespmem:$0x1FEC0]  }
0x13d: {  	vm13 =	vgt.s32 v13, v15;
	v12 =	vsel vm12, v23, v31;
	v31 =	vld [tilespmem:$0x1FED0];
	vm6 =	vlt.s32 v10, v32  }
0x13e: {  	vm15 =	vgt.s32 v20, v11;
	v16 =	vsel vm6, v32, v10;
	v10 =	vsel vm6, v10, v32;
	v32 =	vld [tilespmem:$0x1FEE0]  }
0x13f: {  	v9 =	vsel vm11, v18, v9;
	v13 =	vsel vm13, v13, v15;
	v11 =	vsel vm15, v20, v11;
	v23 =	vld.idx.msk [tilespmem:v0+s2+$0x0], $0xffff  }
0x140: {  	vm7 =	vlt.s32 v9, v11;
	vm8 =	vlt.s32 v12, v14;
	vm9 =	vlt.s32 v13, v8;
	v0 =	vld [tilespmem:$0x1FF10]  }
0x141: {  	v15 =	vsel vm7, v11, v9;
	v9 =	vsel vm7, v9, v11;
	v24 =	vsel vm8, v14, v12  }
0x142: {  	v12 =	vsel vm8, v12, v14;
	v14 =	vsel vm9, v8, v13;
	v8 =	vsel vm9, v13, v8  }
0x143: {  	vm10 =	vlt.s32 v16, v24;
	vm11 =	vlt.s32 v15, v14;
	vm12 =	vlt.s32 v10, v12;
	v17 =	vld.idx.msk [tilespmem:v28+s2+$0x0], $0xffff  }
0x144: {  	vm13 =	vlt.s32 v9, v8;
	v13 =	vsel vm10, v24, v16;
	v11 =	vsel vm10, v16, v24;
	v18 =	vld.idx.msk [tilespmem:v29+s2+$0x0], $0xffff  }
0x145: {  	v24 =	vsel vm11, v14, v15;
	v14 =	vsel vm11, v15, v14;
	v15 =	vsel vm12, v12, v10;
	v19 =	vld.idx.msk [tilespmem:v30+s2+$0x0], $0xffff  }
0x146: {  	v10 =	vsel vm12, v10, v12;
	v12 =	vsel vm13, v8, v9;
	v8 =	vsel vm13, v9, v8;
	v20 =	vld.idx.msk [tilespmem:v31+s2+$0x0], $0xffff  }
0x147: {  	vm14 =	vlt.s32 v13, v24;
	vm15 =	vlt.s32 v11, v14;
	vm4 =	vlt.s32 v15, v12;
	v21 =	vld.idx.msk [tilespmem:v32+s2+$0x0], $0xffff  }
0x148: {  	vm5 =	vlt.s32 v10, v8;
	v9 =	vsel vm14, v24, v13;
	v13 =	vsel vm14, v13, v24;
	v24 =	vld.idx.msk [tilespmem:v0+s2+$0x0], $0xffff  }
0x149: {  	v16 =	vsel vm15, v14, v11;
	v11 =	vsel vm15, v11, v14;
	v14 =	vsel vm4, v12, v15  }
0x14a: {  	v12 =	vsel vm4, v15, v12;
	v15 =	vsel vm5, v8, v10;
	vm6 =	vlt.s32 v17, v18  }
0x14b: {  	v8 =	vsel vm5, v10, v8;
	v10 =	vsel vm6, v18, v17;
	vm7 =	vlt.s32 v19, v20  }
0x14c: {  	v17 =	vsel vm6, v17, v18;
	v18 =	vsel vm7, v20, v19;
	v19 =	vsel vm7, v19, v20  }
0x14d: {  	vm8 =	vlt.s32 v21, v22;
	vm9 =	vlt.s32 v23, v24;
	vm10 =	vlt.s32 v10, v18  }
0x14e: {  	vm11 =	vlt.s32 v17, v19;
	v20 =	vsel vm8, v22, v21;
	v21 =	vsel vm8, v21, v22  }
0x14f: {  	v22 =	vsel vm9, v24, v23;
	v23 =	vsel vm9, v23, v24;
	v24 =	vsel vm10, v18, v10  }
0x150: {  	v10 =	vsel vm10, v10, v18;
	v18 =	vsel vm11, v19, v17;
	v17 =	vsel vm11, v17, v19  }
0x151: {  	vm12 =	vlt.s32 v20, v22;
	vm13 =	vlt.s32 v21, v23;
	vm14 =	vlt.s32 v18, v10  }
0x152: {  	v19 =	vsel vm12, v22, v20;
	v20 =	vsel vm12, v20, v22;
	v22 =	vsel vm13, v23, v21  }
0x153: {  	v21 =	vsel vm13, v21, v23;
	v23 =	vsel vm14, v10, v18;
	v10 =	vsel vm14, v18, v10  }
0x154: {  	vm15 =	vlt.s32 v22, v20;
	vm4 =	vlt.s32 v24, v19;
	vm7 =	vlt.s32 v17, v21  }
0x155: {  	v18 =	vsel vm15, v20, v22;
	v20 =	vsel vm15, v22, v20;
	v22 =	vsel vm4, v19, v24  }
0x156: {  	v19 =	vsel vm4, v24, v19;
	vm5 =	vlt.s32 v23, v18;
	vm6 =	vlt.s32 v10, v20  }
0x157: {  	v24 =	vsel vm5, v18, v23;
	v18 =	vsel vm5, v23, v18;
	v23 =	vsel vm6, v20, v10  }
0x158: {  	v10 =	vsel vm6, v10, v20;
	v20 =	vsel vm7, v21, v17;
	v17 =	vsel vm7, v17, v21  }
0x159: {  	vm8 =	vlt.s32 v23, v19;
	vm9 =	vlt.s32 v20, v18;
	vm13 =	vgt.s32 v9, v17  }
0x15a: {  	v21 =	vsel vm8, v19, v23;
	v19 =	vsel vm8, v23, v19;
	v23 =	vsel vm9, v18, v20  }
0x15b: {  	v18 =	vsel vm9, v20, v18;
	v9 =	vsel vm13, v9, v17;
	vm8 =	vgt.s32 v8, v22  }
0x15c: {  	vm10 =	vlt.s32 v24, v21;
	vm11 =	vlt.s32 v23, v19;
	vm12 =	vlt.s32 v18, v10  }
0x15d: {  	v20 =	vsel vm10, v21, v24;
	v21 =	vsel vm10, v24, v21;
	v24 =	vsel vm11, v19, v23  }
0x15e: {  	v19 =	vsel vm11, v23, v19;
	v23 =	vsel vm12, v18, v10;
	v10 =	vsel vm12, v10, v18  }
0x15f: {  	v8 =	vsel vm8, v8, v22;
	vm14 =	vgt.s32 v13, v23;
	vm15 =	vgt.s32 v16, v10  }
0x160: {  	vm4 =	vgt.s32 v11, v19;
	vm5 =	vgt.s32 v14, v24;
	vm6 =	vgt.s32 v12, v21  }
0x161: {  	vm7 =	vgt.s32 v15, v20;
	v13 =	vsel vm14, v13, v23;
	v10 =	vsel vm15, v16, v10  }
0x162: {  	v11 =	vsel vm4, v11, v19;
	v14 =	vsel vm5, v14, v24;
	v12 =	vsel vm6, v12, v21  }
0x163: {  	v15 =	vsel vm7, v15, v20;
	v24 =	vmov s15;
	vm9 =	vlt.s32 v9, v14  }
0x164: {  	vm10 =	vlt.s32 v13, v12;
	vm11 =	vlt.s32 v10, v15;
	vm12 =	vlt.s32 v11, v8  }
0x165: {  	v16 =	vsel vm9, v14, v9;
	v9 =	vsel vm9, v9, v14;
	v14 =	vsel vm10, v12, v13  }
0x166: {  	v12 =	vsel vm10, v13, v12;
	v13 =	vsel vm11, v15, v10;
	v10 =	vsel vm11, v10, v15  }
0x167: {  	v15 =	vsel vm12, v8, v11;
	v8 =	vsel vm12, v11, v8;
	v11 =	vshll.u32 v24, $0x7  }
0x168: {  	vm13 =	vlt.s32 v16, v13;
	vm14 =	vlt.s32 v14, v15;
	v18 =	vor.u32 v1, v11  }
0x169: {  	vm15 =	vlt.s32 v9, v10;
	v17 =	vsel vm13, v13, v16;
	v13 =	vsel vm13, v16, v13  }
0x16a: {  	v16 =	vsel vm14, v15, v14;
	v14 =	vsel vm14, v14, v15;
	v15 =	vor.u32 $0x1, v18  }
0x16b: {  	vm4 =	vlt.s32 v12, v8;
	v19 =	vsel vm15, v10, v9;
	v24 =	vor.u32 $0x2, v18  }
0x16c: {  	v9 =	vsel vm15, v9, v10;
	v20 =	vor.u32 $0x3, v18;
	vm5 =	vlt.s32 v17, v16  }
0x16d: {  	v21 =	vsel vm4, v8, v12;
	v23 =	vor.u32 $0x4, v18;
	v22 =	vsel vm5, v16, v17  }
0x16e: {  	vm6 =	vlt.s32 v13, v14;
	v16 =	vsel vm5, v17, v16;
	v17 =	vor.u32 $0x5, v18;
	[tilespmem:v18+s11+$0x0] =	vst.idx.msk $0xffff, v22  }
0x16f: {  	v22 =	vsel vm6, v14, v13;
	v13 =	vsel vm6, v13, v14;
	v14 =	vor.u32 $0x6, v18;
	[tilespmem:v15+s11+$0x0] =	vst.idx.msk $0xffff, v16  }
0x170: {  	v10 =	vor.u32 v7, v11;
	vm7 =	vlt.s32 v19, v21;
	[tilespmem:v24+s11+$0x0] =	vst.idx.msk $0xffff, v22  }
0x171: {  	v8 =	vsel vm4, v12, v8;
	v16 =	vsel vm7, v21, v19;
	[tilespmem:v20+s11+$0x0] =	vst.idx.msk $0xffff, v13  }
0x172: {  	vm0 =	vlt.s32 v9, v8;
	v24 =	vsel vm7, v19, v21;
	[tilespmem:v23+s11+$0x0] =	vst.idx.msk $0xffff, v16  }
0x173: {  	s17 =	smin.u32 s16, $0x1D;
	v13 =	vsel vm0, v8, v9;
	[tilespmem:v17+s11+$0x0] =	vst.idx.msk $0xffff, v24  }
0x174: {  	s17 =	sshll.u32 s17, $0x8;
	v8 =	vsel vm0, v9, v8;
	[tilespmem:v14+s11+$0x0] =	vst.idx.msk $0xffff, v13  }
0x175: {  	s17 =	sadd.s32 s17, s5;
	[tilespmem:v10+s11+$0x0] =	vst.idx.msk $0xffff, v8  }
0x176: {  	[tilespmem:s2], [sflag:$0x1] =	stream.linear.gather [hbm4b:s17+s2], $0x800, $0x38;
	[tilespmem:$0x11000] =	vst v63  }
0x177: {  	_ =	swait.ge [sflag:s12], $0x800  }
0x178: {  	v16 =	vld [tilespmem:$0x1FF70]  }
0x179: {  	v17 =	vld [tilespmem:$0x1FF20];
	_ =	sdelay $0x4  }
0x17a: {  	[sflag:s12] =	ssyncset.done $0x0;
	v15 =	vld [tilespmem:$0x1FF60]  }
0x17b: {  	v24 =	vld [tilespmem:$0x1FF30];
	[sflag:s12] =	ssyncadd.s32 $0xFFFFF800  }
0x17c: {  	v10 =	vld.idx.msk [tilespmem:v16+s9+$0x0], $0xffff  }
0x17d: {  	v11 =	vld.idx.msk [tilespmem:v17+s9+$0x0], $0xffff  }
0x17e: {  	v16 =	vld [tilespmem:$0x1FF40]  }
0x17f: {  	v17 =	vld [tilespmem:$0x1FF50];
	_ =	sdelay $0x2  }
0x180: {  	v8 =	vld.idx.msk [tilespmem:v1+s9+$0x0], $0xffff  }
0x181: {  	v9 =	vld.idx.msk [tilespmem:v15+s9+$0x0], $0xffff  }
0x182: {  	v12 =	vld.idx.msk [tilespmem:v24+s9+$0x0], $0xffff  }
0x183: {  	v15 =	vld.idx.msk [tilespmem:v7+s9+$0x0], $0xffff  }
0x184: {  	v13 =	vld.idx.msk [tilespmem:v16+s9+$0x0], $0xffff  }
0x185: {  	v14 =	vld.idx.msk [tilespmem:v17+s9+$0x0], $0xffff  }
0x186: {  	vm9 =	vlt.s32 v10, v11  }
0x187: {  	vm8 =	vlt.s32 v8, v9;
	v24 =	vsel vm9, v11, v10  }
0x188: {  	v10 =	vsel vm9, v10, v11;
	v16 =	vsel vm8, v9, v8;
	v8 =	vsel vm8, v8, v9  }
0x189: {  	vm12 =	vlt.s32 v16, v24;
	vm13 =	vlt.s32 v8, v10;
	vm10 =	vlt.s32 v12, v13  }
0x18a: {  	v9 =	vsel vm12, v16, v24;
	vm11 =	vlt.s32 v14, v15;
	v11 =	vsel vm10, v13, v12  }
0x18b: {  	v12 =	vsel vm10, v12, v13;
	v13 =	vsel vm11, v15, v14;
	v14 =	vsel vm11, v14, v15  }
0x18c: {  	v15 =	vsel vm12, v24, v16;
	v24 =	vsel vm13, v10, v8;
	v8 =	vsel vm13, v8, v10  }
0x18d: {  	vm14 =	vlt.s32 v11, v13;
	vm15 =	vlt.s32 v12, v14;
	vm4 =	vlt.s32 v24, v9  }
0x18e: {  	v19 =	vld [tilespmem:$0x1FFA0];
	v10 =	vsel vm14, v13, v11;
	v11 =	vsel vm14, v11, v13;
	v13 =	vsel vm15, v14, v12  }
0x18f: {  	v12 =	vsel vm15, v12, v14;
	v14 =	vsel vm4, v9, v24;
	v9 =	vsel vm4, v24, v9;
	v24 =	vld [tilespmem:$0x1FF80]  }
0x190: {  	v20 =	vld [tilespmem:$0x1FFB0];
	_ =	sdelay $0x1  }
0x191: {  	v21 =	vld [tilespmem:$0x1FFC0]  }
0x192: {  	v22 =	vld [tilespmem:$0x1FFD0];
	vm5 =	vlt.s32 v13, v11;
	vm6 =	vlt.s32 v15, v10;
	vm9 =	vlt.s32 v8, v12  }
0x193: {  	v18 =	vld [tilespmem:$0x1FF90];
	v16 =	vsel vm5, v11, v13;
	v11 =	vsel vm5, v13, v11;
	v13 =	vsel vm6, v10, v15  }
0x194: {  	v23 =	vld [tilespmem:$0x1FFE0];
	v10 =	vsel vm6, v15, v10;
	vm7 =	vlt.s32 v14, v16;
	vm8 =	vlt.s32 v9, v11  }
0x195: {  	v19 =	vld.idx.msk [tilespmem:v19+s9+$0x0], $0xffff;
	v15 =	vsel vm7, v16, v14;
	v14 =	vsel vm7, v14, v16;
	v16 =	vsel vm8, v11, v9  }
0x196: {  	v9 =	vsel vm8, v9, v11;
	vm10 =	vlt.s32 v16, v10;
	v17 =	vld.idx.msk [tilespmem:v24+s9+$0x0], $0xffff;
	v24 =	vsel vm9, v12, v8  }
0x197: {  	v20 =	vld.idx.msk [tilespmem:v20+s9+$0x0], $0xffff;
	v8 =	vsel vm9, v8, v12;
	v12 =	vsel vm10, v10, v16;
	vm11 =	vlt.s32 v24, v14  }
0x198: {  	v10 =	vsel vm10, v16, v10;
	v16 =	vsel vm11, v14, v24;
	v11 =	vsel vm11, v24, v14;
	v24 =	vld [tilespmem:$0x1FFF0]  }
0x199: {  	v21 =	vld.idx.msk [tilespmem:v21+s9+$0x0], $0xffff  }
0x19a: {  	v22 =	vld.idx.msk [tilespmem:v22+s9+$0x0], $0xffff;
	_ =	sdelay $0x2  }
0x19b: {  	v18 =	vld.idx.msk [tilespmem:v18+s9+$0x0], $0xffff;
	_ =	sdelay $0x1  }
0x19c: {  	v23 =	vld.idx.msk [tilespmem:v23+s9+$0x0], $0xffff;
	vm4 =	vlt.s32 v19, v20;
	vm5 =	vlt.s32 v21, v22;
	vm12 =	vlt.s32 v15, v12  }
0x19d: {  	v14 =	vsel vm12, v12, v15;
	v12 =	vsel vm12, v15, v12;
	vm13 =	vlt.s32 v16, v10;
	v24 =	vld.idx.msk [tilespmem:v24+s9+$0x0], $0xffff  }
0x19e: {  	vm14 =	vlt.s32 v11, v9;
	v15 =	vsel vm13, v10, v16;
	v10 =	vsel vm13, v16, v10  }
0x19f: {  	v16 =	vsel vm14, v9, v11;
	v9 =	vsel vm14, v11, v9;
	vm15 =	vlt.s32 v17, v18  }
0x1a0: {  	v11 =	vsel vm15, v18, v17;
	v17 =	vsel vm15, v17, v18;
	v18 =	vsel vm4, v20, v19  }
0x1a1: {  	v19 =	vsel vm4, v19, v20;
	v20 =	vsel vm5, v22, v21;
	v21 =	vsel vm5, v21, v22  }
0x1a2: {  	vm7 =	vlt.s32 v11, v18;
	vm8 =	vlt.s32 v17, v19;
	vm6 =	vlt.s32 v23, v24  }
0x1a3: {  	v22 =	vsel vm6, v24, v23;
	v23 =	vsel vm6, v23, v24;
	v24 =	vsel vm7, v18, v11  }
0x1a4: {  	v11 =	vsel vm7, v11, v18;
	v18 =	vsel vm8, v19, v17;
	v17 =	vsel vm8, v17, v19  }
0x1a5: {  	vm9 =	vlt.s32 v20, v22;
	vm10 =	vlt.s32 v21, v23;
	vm11 =	vlt.s32 v18, v11  }
0x1a6: {  	v19 =	vsel vm9, v22, v20;
	v20 =	vsel vm9, v20, v22;
	v22 =	vsel vm10, v23, v21  }
0x1a7: {  	v21 =	vsel vm10, v21, v23;
	v23 =	vsel vm11, v11, v18;
	v11 =	vsel vm11, v18, v11  }
0x1a8: {  	vm12 =	vlt.s32 v22, v20;
	vm13 =	vlt.s32 v24, v19;
	vm4 =	vlt.s32 v17, v21  }
0x1a9: {  	v18 =	vsel vm12, v20, v22;
	v20 =	vsel vm12, v22, v20;
	v22 =	vsel vm13, v19, v24  }
0x1aa: {  	v19 =	vsel vm13, v24, v19;
	vm14 =	vlt.s32 v23, v18;
	vm15 =	vlt.s32 v11, v20  }
0x1ab: {  	v24 =	vsel vm14, v18, v23;
	v18 =	vsel vm14, v23, v18;
	v23 =	vsel vm15, v20, v11  }
0x1ac: {  	v11 =	vsel vm15, v11, v20;
	v20 =	vsel vm4, v21, v17;
	v17 =	vsel vm4, v17, v21  }
0x1ad: {  	vm4 =	vgt.s32 v8, v22;
	vm5 =	vlt.s32 v23, v19;
	vm6 =	vlt.s32 v20, v18  }
0x1ae: {  	vm10 =	vgt.s32 v13, v17;
	v8 =	vsel vm4, v8, v22;
	v21 =	vsel vm5, v19, v23  }
0x1af: {  	v19 =	vsel vm5, v23, v19;
	v23 =	vsel vm6, v18, v20;
	v18 =	vsel vm6, v20, v18  }
0x1b0: {  	vm7 =	vlt.s32 v24, v21;
	vm8 =	vlt.s32 v23, v19;
	vm9 =	vlt.s32 v18, v11  }
0x1b1: {  	v20 =	vsel vm7, v21, v24;
	v21 =	vsel vm7, v24, v21;
	v24 =	vsel vm8, v19, v23  }
0x1b2: {  	v19 =	vsel vm8, v23, v19;
	v23 =	vsel vm9, v11, v18;
	v11 =	vsel vm9, v18, v11  }
0x1b3: {  	v13 =	vsel vm10, v13, v17;
	vm1 =	vgt.s32 v14, v11;
	vm11 =	vgt.s32 v12, v23  }
0x1b4: {  	vm12 =	vgt.s32 v15, v19;
	vm13 =	vgt.s32 v10, v24;
	vm14 =	vgt.s32 v16, v21  }
0x1b5: {  	vm15 =	vgt.s32 v9, v20;
	v11 =	vsel vm1, v14, v11;
	v12 =	vsel vm11, v12, v23  }
0x1b6: {  	v14 =	vsel vm12, v15, v19;
	v10 =	vsel vm13, v10, v24;
	v24 =	vsel vm14, v16, v21  }
0x1b7: {  	v9 =	vsel vm15, v9, v20;
	vm5 =	vlt.s32 v13, v10;
	vm6 =	vlt.s32 v11, v24  }
0x1b8: {  	vm7 =	vlt.s32 v12, v9;
	vm8 =	vlt.s32 v14, v8;
	v16 =	vsel vm5, v10, v13  }
0x1b9: {  	v10 =	vsel vm5, v13, v10;
	v13 =	vsel vm6, v24, v11;
	v11 =	vsel vm6, v11, v24  }
0x1ba: {  	v15 =	vsel vm7, v9, v12;
	v9 =	vsel vm7, v12, v9;
	v12 =	vld.idx.msk [tilespmem:v50+s9+$0x0], $0xffff;
	v50 =	vsel vm8, v8, v14  }
0x1bb: {  	v22 =	vld.idx.msk [tilespmem:v55+s9+$0x0], $0xffff;
	v8 =	vsel vm8, v14, v8;
	vm9 =	vlt.s32 v16, v15;
	vm10 =	vlt.s32 v13, v50  }
0x1bc: {  	v18 =	vld.idx.msk [tilespmem:v51+s9+$0x0], $0xffff;
	vm11 =	vlt.s32 v10, v9;
	vm12 =	vlt.s32 v11, v8;
	v24 =	vsel vm9, v15, v16  }
0x1bd: {  	v20 =	vld.idx.msk [tilespmem:v53+s9+$0x0], $0xffff;
	v15 =	vsel vm9, v16, v15;
	v19 =	vsel vm10, v50, v13;
	v13 =	vsel vm10, v13, v50  }
0x1be: {  	v16 =	vld.idx.msk [tilespmem:v52+s9+$0x0], $0xffff;
	v17 =	vsel vm11, v9, v10;
	v9 =	vsel vm11, v10, v9;
	v21 =	vsel vm12, v8, v11  }
0x1bf: {  	v50 =	vld.idx.msk [tilespmem:v54+s9+$0x0], $0xffff;
	v8 =	vsel vm12, v11, v8;
	vm13 =	vlt.s32 v24, v19;
	vm14 =	vlt.s32 v15, v13  }
0x1c0: {  	v52 =	vld.idx.msk [tilespmem:v57+s9+$0x0], $0xffff;
	vm15 =	vlt.s32 v17, v21;
	vm4 =	vlt.s32 v9, v8;
	v51 =	vsel vm13, v19, v24  }
0x1c1: {  	v14 =	vsel vm13, v24, v19;
	v19 =	vld.idx.msk [tilespmem:v56+s9+$0x0], $0xffff;
	v23 =	vsel vm14, v13, v15;
	v13 =	vsel vm14, v15, v13  }
0x1c2: {  	v15 =	vsel vm15, v21, v17;
	v17 =	vsel vm15, v17, v21;
	vm5 =	vlt.s32 v12, v18  }
0x1c3: {  	v21 =	vsel vm4, v8, v9;
	v8 =	vsel vm4, v9, v8;
	v53 =	vsel vm5, v18, v12  }
0x1c4: {  	v12 =	vsel vm5, v12, v18;
	vm6 =	vlt.s32 v16, v20;
	vm7 =	vlt.s32 v50, v22  }
0x1c5: {  	v18 =	vsel vm6, v20, v16;
	v16 =	vsel vm6, v16, v20;
	v20 =	vsel vm7, v22, v50  }
0x1c6: {  	v10 =	vsel vm7, v50, v22;
	vm8 =	vlt.s32 v19, v52;
	vm9 =	vlt.s32 v53, v18  }
0x1c7: {  	vm10 =	vlt.s32 v12, v16;
	v22 =	vsel vm8, v52, v19;
	v19 =	vsel vm8, v19, v52  }
0x1c8: {  	v54 =	vsel vm9, v18, v53;
	v9 =	vsel vm9, v53, v18;
	v18 =	vsel vm10, v16, v12  }
0x1c9: {  	v12 =	vsel vm10, v12, v16;
	vm11 =	vlt.s32 v20, v22;
	vm12 =	vlt.s32 v10, v19  }
0x1ca: {  	vm13 =	vlt.s32 v18, v9;
	v55 =	vsel vm11, v22, v20;
	v20 =	vsel vm11, v20, v22  }
0x1cb: {  	v22 =	vsel vm12, v19, v10;
	v10 =	vsel vm12, v10, v19;
	v19 =	vsel vm13, v9, v18  }
0x1cc: {  	v9 =	vsel vm13, v18, v9;
	vm14 =	vlt.s32 v22, v20;
	vm15 =	vlt.s32 v54, v55  }
0x1cd: {  	vm6 =	vlt.s32 v12, v10;
	v18 =	vsel vm14, v20, v22;
	v20 =	vsel vm14, v22, v20  }
0x1ce: {  	v22 =	vsel vm15, v55, v54;
	v16 =	vsel vm15, v54, v55;
	vm4 =	vlt.s32 v19, v18  }
0x1cf: {  	vm5 =	vlt.s32 v9, v20;
	v56 =	vsel vm4, v18, v19;
	v18 =	vsel vm4, v19, v18  }
0x1d0: {  	v19 =	vsel vm5, v20, v9;
	v9 =	vsel vm5, v9, v20;
	v20 =	vsel vm6, v10, v12  }
0x1d1: {  	v10 =	vsel vm6, v12, v10;
	vm7 =	vlt.s32 v19, v16;
	vm8 =	vlt.s32 v20, v18  }
0x1d2: {  	vm12 =	vgt.s32 v51, v10;
	v57 =	vsel vm7, v16, v19;
	v16 =	vsel vm7, v19, v16  }
0x1d3: {  	v19 =	vsel vm8, v18, v20;
	v18 =	vsel vm8, v20, v18;
	v10 =	vsel vm12, v51, v10  }
0x1d4: {  	vm7 =	vgt.s32 v8, v22;
	vm9 =	vlt.s32 v56, v57;
	vm10 =	vlt.s32 v19, v16  }
0x1d5: {  	vm11 =	vlt.s32 v18, v9;
	v8 =	vsel vm7, v8, v22;
	v20 =	vsel vm9, v57, v56  }
0x1d6: {  	v50 =	vsel vm10, v16, v19;
	v16 =	vsel vm10, v19, v16;
	v19 =	vsel vm11, v18, v9  }
0x1d7: {  	v59 =	vld.idx.msk [tilespmem:v59+s9+$0x0], $0xffff;
	v12 =	vsel vm9, v56, v57;
	v9 =	vsel vm11, v9, v18;
	vm13 =	vgt.s32 v14, v19  }
0x1d8: {  	v60 =	vld.idx.msk [tilespmem:v60+s9+$0x0], $0xffff;
	vm14 =	vgt.s32 v23, v9;
	vm15 =	vgt.s32 v13, v16;
	vm4 =	vgt.s32 v15, v50  }
0x1d9: {  	v61 =	vld.idx.msk [tilespmem:v61+s9+$0x0], $0xffff;
	vm5 =	vgt.s32 v17, v12;
	vm6 =	vgt.s32 v21, v20;
	v51 =	vsel vm13, v14, v19  }
0x1da: {  	v62 =	vld.idx.msk [tilespmem:v62+s9+$0x0], $0xffff;
	v9 =	vsel vm14, v23, v9;
	v13 =	vsel vm15, v13, v16;
	v52 =	vsel vm4, v15, v50  }
0x1db: {  	v63 =	vld.idx.msk [tilespmem:v63+s9+$0x0], $0xffff;
	v12 =	vsel vm5, v17, v12;
	v53 =	vsel vm6, v21, v20;
	vm8 =	vlt.s32 v10, v52  }
0x1dc: {  	v57 =	vld.idx.msk [tilespmem:v58+s9+$0x0], $0xffff;
	vm9 =	vlt.s32 v51, v12;
	vm10 =	vlt.s32 v9, v53;
	vm11 =	vlt.s32 v13, v8  }
0x1dd: {  	v54 =	vsel vm8, v52, v10;
	v10 =	vsel vm8, v10, v52;
	v55 =	vsel vm9, v12, v51  }
0x1de: {  	v11 =	vsel vm9, v51, v12;
	v56 =	vsel vm10, v53, v9;
	v9 =	vsel vm10, v9, v53  }
0x1df: {  	v58 =	vsel vm11, v8, v13;
	v8 =	vsel vm11, v13, v8;
	vm9 =	vlt.s32 v60, v61  }
0x1e0: {  	vm10 =	vlt.s32 v62, v63;
	vm12 =	vlt.s32 v54, v56;
	vm13 =	vlt.s32 v55, v58  }
0x1e1: {  	vm14 =	vlt.s32 v10, v9;
	vm15 =	vlt.s32 v11, v8;
	vm8 =	vlt.s32 v57, v59  }
0x1e2: {  	v50 =	vsel vm9, v61, v60;
	v16 =	vsel vm9, v60, v61;
	v51 =	vsel vm10, v63, v62  }
0x1e3: {  	v18 =	vsel vm12, v56, v54;
	v12 =	vsel vm12, v54, v56;
	v19 =	vsel vm13, v58, v55  }
0x1e4: {  	v14 =	vsel vm13, v55, v58;
	v20 =	vsel vm14, v9, v10;
	v9 =	vsel vm14, v10, v9  }
0x1e5: {  	v21 =	vsel vm15, v8, v11;
	v8 =	vsel vm15, v11, v8;
	vm4 =	vlt.s32 v18, v19  }
0x1e6: {  	v13 =	vsel vm8, v57, v59;
	v22 =	vsel vm4, v19, v18;
	v18 =	vsel vm4, v18, v19;
	v19 =	vld.idx.msk [tilespmem:v33+s9+$0x0], $0xffff  }
0x1e7: {  	v10 =	vsel vm10, v62, v63;
	vm5 =	vlt.s32 v12, v14;
	vm6 =	vlt.s32 v20, v21;
	v33 =	vld.idx.msk [tilespmem:v34+s9+$0x0], $0xffff  }
0x1e8: {  	vm7 =	vlt.s32 v9, v8;
	vm13 =	vlt.s32 v13, v16;
	v23 =	vsel vm5, v14, v12  }
0x1e9: {  	v12 =	vsel vm5, v12, v14;
	v24 =	vsel vm6, v21, v20;
	v34 =	vsel vm8, v59, v57  }
0x1ea: {  	v20 =	vsel vm6, v20, v21;
	v21 =	vsel vm7, v8, v9;
	vm12 =	vlt.s32 v34, v50  }
0x1eb: {  	v8 =	vsel vm7, v9, v8;
	v53 =	vsel vm13, v16, v13;
	v9 =	vsel vm12, v34, v50  }
0x1ec: {  	v13 =	vsel vm13, v13, v16;
	vm4 =	vlt.s32 v53, v9;
	vm11 =	vlt.s32 v19, v33  }
0x1ed: {  	v56 =	vsel vm4, v9, v53;
	v52 =	vsel vm11, v33, v19;
	v14 =	vsel vm11, v19, v33  }
0x1ee: {  	v9 =	vsel vm4, v53, v9;
	vm14 =	vlt.s32 v51, v52;
	vm15 =	vlt.s32 v10, v14  }
0x1ef: {  	v19 =	vsel vm12, v50, v34;
	v11 =	vsel vm14, v51, v52;
	v55 =	vsel vm15, v14, v10  }
0x1f0: {  	v54 =	vsel vm14, v52, v51;
	v10 =	vsel vm15, v10, v14;
	vm5 =	vlt.s32 v55, v11  }
0x1f1: {  	vm6 =	vlt.s32 v19, v54;
	vm9 =	vlt.s32 v13, v10;
	v57 =	vsel vm5, v11, v55  }
0x1f2: {  	v11 =	vsel vm5, v55, v11;
	v58 =	vsel vm6, v54, v19;
	v16 =	vsel vm6, v19, v54  }
0x1f3: {  	v60 =	vsel vm9, v10, v13;
	v10 =	vsel vm9, v13, v10;
	vm7 =	vlt.s32 v56, v57  }
0x1f4: {  	vm8 =	vlt.s32 v9, v11;
	vm15 =	vgt.s32 v22, v10;
	v19 =	vsel vm7, v57, v56  }
0x1f5: {  	v14 =	vsel vm7, v56, v57;
	v59 =	vsel vm8, v11, v9;
	v9 =	vsel vm8, v9, v11  }
0x1f6: {  	v10 =	vsel vm15, v22, v10;
	vm10 =	vlt.s32 v59, v16;
	vm11 =	vlt.s32 v60, v14  }
0x1f7: {  	v61 =	vsel vm10, v16, v59;
	v15 =	vsel vm10, v59, v16;
	v62 =	vsel vm11, v14, v60  }
0x1f8: {  	v11 =	vsel vm11, v60, v14;
	vm10 =	vgt.s32 v8, v58;
	vm12 =	vlt.s32 v19, v61  }
0x1f9: {  	vm13 =	vlt.s32 v62, v15;
	vm14 =	vlt.s32 v11, v9;
	v8 =	vsel vm10, v8, v58  }
0x1fa: {  	v63 =	vsel vm12, v61, v19;
	v13 =	vsel vm12, v19, v61;
	v19 =	vsel vm13, v15, v62  }
0x1fb: {  	v15 =	vsel vm13, v62, v15;
	v33 =	vsel vm14, v9, v11;
	v9 =	vsel vm14, v11, v9  }
0x1fc: {  	vm4 =	vgt.s32 v18, v9;
	vm5 =	vgt.s32 v23, v33;
	vm6 =	vgt.s32 v12, v15  }
0x1fd: {  	vm7 =	vgt.s32 v24, v19;
	vm8 =	vgt.s32 v20, v13;
	vm9 =	vgt.s32 v21, v63  }
0x1fe: {  	v54 =	vld.idx.msk [tilespmem:v35+s9+$0x0], $0xffff;
	v9 =	vsel vm4, v18, v9;
	v34 =	vsel vm5, v23, v33;
	v12 =	vsel vm6, v12, v15  }
0x1ff: {  	v22 =	vld.idx.msk [tilespmem:v40+s9+$0x0], $0xffff;
	v50 =	vsel vm7, v24, v19;
	v13 =	vsel vm8, v20, v13;
	v14 =	vsel vm9, v21, v63  }
0x200: {  	v62 =	vld.idx.msk [tilespmem:v42+s9+$0x0], $0xffff;
	vm11 =	vlt.s32 v10, v50;
	vm12 =	vlt.s32 v9, v13;
	vm13 =	vlt.s32 v34, v14  }
0x201: {  	v18 =	vld.idx.msk [tilespmem:v36+s9+$0x0], $0xffff;
	vm14 =	vlt.s32 v12, v8;
	v51 =	vsel vm11, v50, v10;
	v10 =	vsel vm11, v10, v50  }
0x202: {  	v19 =	vld.idx.msk [tilespmem:v37+s9+$0x0], $0xffff;
	v52 =	vsel vm12, v13, v9;
	v9 =	vsel vm12, v9, v13;
	v53 =	vsel vm13, v14, v34  }
0x203: {  	v20 =	vld.idx.msk [tilespmem:v38+s9+$0x0], $0xffff;
	v11 =	vsel vm13, v34, v14;
	v55 =	vsel vm14, v8, v12;
	v8 =	vsel vm14, v12, v8  }
0x204: {  	v21 =	vld.idx.msk [tilespmem:v39+s9+$0x0], $0xffff;
	vm15 =	vlt.s32 v51, v53;
	vm4 =	vlt.s32 v52, v55;
	vm5 =	vlt.s32 v10, v11  }
0x205: {  	v23 =	vld.idx.msk [tilespmem:v41+s9+$0x0], $0xffff;
	vm6 =	vlt.s32 v9, v8;
	v56 =	vsel vm15, v53, v51;
	v13 =	vsel vm15, v51, v53  }
0x206: {  	v57 =	vsel vm4, v55, v52;
	v14 =	vsel vm4, v52, v55;
	v58 =	vsel vm5, v11, v10  }
0x207: {  	v10 =	vsel vm5, v10, v11;
	v59 =	vsel vm6, v8, v9;
	v8 =	vsel vm6, v9, v8  }
0x208: {  	vm7 =	vlt.s32 v56, v57;
	vm8 =	vlt.s32 v13, v14;
	vm9 =	vlt.s32 v58, v59  }
0x209: {  	vm10 =	vlt.s32 v10, v8;
	vm11 =	vlt.s32 v54, v18;
	vm12 =	vlt.s32 v19, v20  }
0x20a: {  	vm13 =	vlt.s32 v21, v22;
	vm14 =	vlt.s32 v23, v62;
	v60 =	vsel vm7, v57, v56  }
0x20b: {  	v12 =	vsel vm7, v56, v57;
	v61 =	vsel vm8, v14, v13;
	v13 =	vsel vm8, v13, v14  }
0x20c: {  	v63 =	vsel vm9, v59, v58;
	v11 =	vsel vm9, v58, v59;
	v33 =	vsel vm10, v8, v10  }
0x20d: {  	v8 =	vsel vm10, v10, v8;
	v34 =	vsel vm11, v18, v54;
	v17 =	vsel vm11, v54, v18  }
0x20e: {  	v18 =	vsel vm12, v20, v19;
	v19 =	vsel vm12, v19, v20;
	v20 =	vsel vm13, v22, v21  }
0x20f: {  	v21 =	vsel vm13, v21, v22;
	v22 =	vsel vm14, v62, v23;
	v23 =	vsel vm14, v23, v62  }
0x210: {  	vm15 =	vlt.s32 v34, v18;
	vm4 =	vlt.s32 v17, v19;
	vm5 =	vlt.s32 v20, v22  }
0x211: {  	vm6 =	vlt.s32 v21, v23;
	v35 =	vsel vm15, v18, v34;
	v10 =	vsel vm15, v34, v18  }
0x212: {  	v18 =	vsel vm4, v19, v17;
	v17 =	vsel vm4, v17, v19;
	v19 =	vsel vm5, v22, v20  }
0x213: {  	v20 =	vsel vm5, v20, v22;
	v22 =	vsel vm6, v23, v21;
	v21 =	vsel vm6, v21, v23  }
0x214: {  	vm7 =	vlt.s32 v18, v10;
	vm8 =	vlt.s32 v22, v20;
	vm9 =	vlt.s32 v35, v19  }
0x215: {  	vm12 =	vlt.s32 v17, v21;
	v23 =	vsel vm7, v10, v18;
	v10 =	vsel vm7, v18, v10  }
0x216: {  	v18 =	vsel vm8, v20, v22;
	v20 =	vsel vm8, v22, v20;
	v22 =	vsel vm9, v19, v35  }
0x217: {  	v19 =	vsel vm9, v35, v19;
	vm10 =	vlt.s32 v23, v18;
	vm11 =	vlt.s32 v10, v20  }
0x218: {  	v36 =	vsel vm10, v18, v23;
	v18 =	vsel vm10, v23, v18;
	v23 =	vsel vm11, v20, v10  }
0x219: {  	v10 =	vsel vm11, v10, v20;
	v20 =	vsel vm12, v21, v17;
	v17 =	vsel vm12, v17, v21  }
0x21a: {  	vm12 =	vgt.s32 v8, v22;
	vm13 =	vlt.s32 v23, v19;
	vm14 =	vlt.s32 v20, v18  }
0x21b: {  	vm6 =	vgt.s32 v60, v17;
	v8 =	vsel vm12, v8, v22;
	v21 =	vsel vm13, v19, v23  }
0x21c: {  	v19 =	vsel vm13, v23, v19;
	v23 =	vsel vm14, v18, v20;
	v18 =	vsel vm14, v20, v18  }
0x21d: {  	v9 =	vsel vm6, v60, v17;
	vm15 =	vlt.s32 v36, v21;
	vm4 =	vlt.s32 v23, v19  }
0x21e: {  	vm5 =	vlt.s32 v18, v10;
	v20 =	vsel vm15, v21, v36;
	v37 =	vsel vm4, v19, v23  }
0x21f: {  	v19 =	vsel vm4, v23, v19;
	v23 =	vsel vm5, v10, v18;
	v10 =	vsel vm5, v18, v10  }
0x220: {  	v21 =	vsel vm15, v36, v21;
	vm1 =	vgt.s32 v12, v10;
	vm7 =	vgt.s32 v61, v23  }
0x221: {  	vm8 =	vgt.s32 v13, v19;
	vm9 =	vgt.s32 v63, v37;
	vm10 =	vgt.s32 v11, v21  }
0x222: {  	v53 =	vld.idx.msk [tilespmem:v47+s9+$0x0], $0xffff;
	vm11 =	vgt.s32 v33, v20;
	v10 =	vsel vm1, v12, v10;
	v38 =	vsel vm7, v61, v23  }
0x223: {  	v22 =	vld.idx.msk [tilespmem:v48+s9+$0x0], $0xffff;
	v13 =	vsel vm8, v13, v19;
	v14 =	vsel vm9, v63, v37;
	v11 =	vsel vm10, v11, v21  }
0x224: {  	v42 =	vld.idx.msk [tilespmem:v43+s9+$0x0], $0xffff;
	v15 =	vsel vm11, v33, v20;
	vm13 =	vlt.s32 v9, v14;
	vm14 =	vlt.s32 v10, v11  }
0x225: {  	v18 =	vld.idx.msk [tilespmem:v44+s9+$0x0], $0xffff;
	vm15 =	vlt.s32 v38, v15;
	vm4 =	vlt.s32 v13, v8;
	v39 =	vsel vm13, v14, v9  }
0x226: {  	v0 =	vld [tilespmem:$0x1FE10];
	v9 =	vsel vm13, v9, v14;
	v40 =	vsel vm14, v11, v10;
	v10 =	vsel vm14, v10, v11  }
0x227: {  	v41 =	vsel vm15, v15, v38;
	v12 =	vsel vm15, v38, v15;
	v43 =	vsel vm4, v8, v13  }
0x228: {  	v8 =	vsel vm4, v13, v8;
	vm15 =	vlt.s32 v53, v22;
	vm5 =	vlt.s32 v39, v41  }
0x229: {  	vm6 =	vlt.s32 v40, v43;
	vm7 =	vlt.s32 v9, v12;
	vm8 =	vlt.s32 v10, v8  }
0x22a: {  	v51 =	vld.idx.msk [tilespmem:v45+s9+$0x0], $0xffff;
	vm13 =	vlt.s32 v42, v18;
	v50 =	vsel vm5, v41, v39;
	v11 =	vsel vm5, v39, v41  }
0x22b: {  	v20 =	vld.idx.msk [tilespmem:v46+s9+$0x0], $0xffff;
	v19 =	vsel vm6, v43, v40;
	v14 =	vsel vm6, v40, v43;
	v52 =	vsel vm7, v12, v9  }
0x22c: {  	v9 =	vsel vm7, v9, v12;
	v21 =	vsel vm8, v8, v10;
	v8 =	vsel vm8, v10, v8  }
0x22d: {  	v57 =	vsel vm13, v18, v42;
	v15 =	vsel vm13, v42, v18;
	v12 =	vsel vm15, v53, v22  }
0x22e: {  	v56 =	vld.idx.msk [tilespmem:v0+s9+$0x0], $0xffff;
	vm9 =	vlt.s32 v50, v19;
	vm10 =	vlt.s32 v11, v14;
	vm11 =	vlt.s32 v52, v21  }
0x22f: {  	vm12 =	vlt.s32 v9, v8;
	v54 =	vsel vm9, v19, v50;
	v13 =	vsel vm9, v50, v19;
	v19 =	vld.idx.msk [tilespmem:v49+s9+$0x0], $0xffff  }
0x230: {  	vm14 =	vlt.s32 v51, v20;
	v23 =	vsel vm10, v14, v11;
	v11 =	vsel vm10, v11, v14  }
0x231: {  	v55 =	vsel vm11, v21, v52;
	v17 =	vsel vm11, v52, v21;
	v21 =	vsel vm12, v8, v9  }
0x232: {  	v8 =	vsel vm12, v9, v8;
	v18 =	vsel vm14, v20, v51;
	v16 =	vsel vm14, v51, v20  }
0x233: {  	v20 =	vsel vm15, v22, v53;
	vm5 =	vlt.s32 v57, v18;
	vm6 =	vlt.s32 v15, v16  }
0x234: {  	v58 =	vsel vm5, v18, v57;
	v9 =	vsel vm5, v57, v18;
	vm4 =	vlt.s32 v19, v56  }
0x235: {  	v18 =	vsel vm6, v16, v15;
	v15 =	vsel vm6, v15, v16;
	v22 =	vsel vm4, v56, v19  }
0x236: {  	vm9 =	vlt.s32 v18, v9;
	v19 =	vsel vm4, v19, v56;
	vm7 =	vlt.s32 v20, v22  }
0x237: {  	vm8 =	vlt.s32 v12, v19;
	v59 =	vsel vm7, v22, v20;
	v20 =	vsel vm7, v20, v22  }
0x238: {  	v22 =	vsel vm8, v19, v12;
	v12 =	vsel vm8, v12, v19;
	v19 =	vsel vm9, v9, v18  }
0x239: {  	v9 =	vsel vm9, v18, v9;
	vm10 =	vlt.s32 v22, v20;
	vm11 =	vlt.s32 v58, v59  }
0x23a: {  	vm14 =	vlt.s32 v15, v12;
	v18 =	vsel vm10, v20, v22;
	v20 =	vsel vm10, v22, v20  }
0x23b: {  	v22 =	vsel vm11, v59, v58;
	v16 =	vsel vm11, v58, v59;
	vm12 =	vlt.s32 v19, v18  }
0x23c: {  	vm13 =	vlt.s32 v9, v20;
	v60 =	vsel vm12, v18, v19;
	v18 =	vsel vm12, v19, v18  }
0x23d: {  	v19 =	vsel vm13, v20, v9;
	v9 =	vsel vm13, v9, v20;
	v20 =	vsel vm14, v12, v15  }
0x23e: {  	v12 =	vsel vm14, v15, v12;
	vm15 =	vlt.s32 v19, v16;
	vm4 =	vlt.s32 v20, v18  }
0x23f: {  	vm8 =	vgt.s32 v54, v12;
	v61 =	vsel vm15, v16, v19;
	v16 =	vsel vm15, v19, v16  }
0x240: {  	v19 =	vsel vm4, v18, v20;
	v18 =	vsel vm4, v20, v18;
	v10 =	vsel vm8, v54, v12  }
0x241: {  	vm15 =	vgt.s32 v8, v22;
	vm5 =	vlt.s32 v60, v61;
	vm6 =	vlt.s32 v19, v16  }
0x242: {  	vm7 =	vlt.s32 v18, v9;
	v8 =	vsel vm15, v8, v22;
	v20 =	vsel vm5, v61, v60  }
0x243: {  	v44 =	vld.idx.msk [tilespmem:v25+s9+$0x0], $0xffff;
	v62 =	vsel vm6, v16, v19;
	v16 =	vsel vm6, v19, v16;
	v19 =	vsel vm7, v18, v9  }
0x244: {  	v38 =	vld.idx.msk [tilespmem:v2+s9+$0x0], $0xffff;
	v15 =	vsel vm5, v60, v61;
	v9 =	vsel vm7, v9, v18;
	vm9 =	vgt.s32 v13, v19  }
0x245: {  	v40 =	vld.idx.msk [tilespmem:v3+s9+$0x0], $0xffff;
	vm10 =	vgt.s32 v23, v9;
	vm11 =	vgt.s32 v11, v16;
	vm12 =	vgt.s32 v55, v62  }
0x246: {  	v41 =	vld.idx.msk [tilespmem:v4+s9+$0x0], $0xffff;
	vm13 =	vgt.s32 v17, v15;
	vm14 =	vgt.s32 v21, v20;
	v63 =	vsel vm9, v13, v19  }
0x247: {  	v42 =	vld.idx.msk [tilespmem:v5+s9+$0x0], $0xffff;
	v9 =	vsel vm10, v23, v9;
	v11 =	vsel vm11, v11, v16;
	v24 =	vsel vm12, v55, v62  }
0x248: {  	v43 =	vld.idx.msk [tilespmem:v6+s9+$0x0], $0xffff;
	v33 =	vsel vm13, v17, v15;
	v34 =	vsel vm14, v21, v20;
	vm4 =	vlt.s32 v10, v24  }
0x249: {  	vm5 =	vlt.s32 v63, v33;
	vm6 =	vlt.s32 v9, v34;
	vm7 =	vlt.s32 v11, v8  }
0x24a: {  	v35 =	vsel vm4, v24, v10;
	v10 =	vsel vm4, v10, v24;
	v36 =	vsel vm5, v33, v63  }
0x24b: {  	v12 =	vsel vm5, v63, v33;
	v37 =	vsel vm6, v34, v9;
	v9 =	vsel vm6, v9, v34  }
0x24c: {  	v39 =	vsel vm7, v8, v11;
	v8 =	vsel vm7, v11, v8;
	vm4 =	vlt.s32 v38, v40  }
0x24d: {  	vm5 =	vlt.s32 v41, v42;
	vm6 =	vlt.s32 v43, v44;
	vm8 =	vlt.s32 v35, v37  }
0x24e: {  	vm9 =	vlt.s32 v36, v39;
	vm10 =	vlt.s32 v10, v9;
	vm11 =	vlt.s32 v12, v8  }
0x24f: {  	v47 =	vsel vm4, v40, v38;
	v11 =	vsel vm4, v38, v40;
	v48 =	vsel vm5, v42, v41  }
0x250: {  	v16 =	vsel vm5, v41, v42;
	v49 =	vsel vm6, v44, v43;
	v18 =	vsel vm8, v37, v35  }
0x251: {  	v14 =	vsel vm8, v35, v37;
	v19 =	vsel vm9, v39, v36;
	v13 =	vsel vm9, v36, v39  }
0x252: {  	v20 =	vsel vm10, v9, v10;
	v9 =	vsel vm10, v10, v9;
	v21 =	vsel vm11, v8, v12  }
0x253: {  	v45 =	vld.idx.msk [tilespmem:v27+s9+$0x0], $0xffff;
	v8 =	vsel vm11, v12, v8;
	v10 =	vsel vm6, v43, v44;
	vm12 =	vlt.s32 v18, v19  }
0x254: {  	vm8 =	vlt.s32 v47, v48;
	v22 =	vsel vm12, v19, v18;
	v18 =	vsel vm12, v18, v19;
	v19 =	vld.idx.msk [tilespmem:v26+s9+$0x0], $0xffff  }
0x255: {  	vm9 =	vlt.s32 v11, v16;
	vm13 =	vlt.s32 v14, v13;
	vm14 =	vlt.s32 v20, v21  }
0x256: {  	vm15 =	vlt.s32 v9, v8;
	v51 =	vsel vm9, v16, v11;
	v11 =	vsel vm9, v11, v16  }
0x257: {  	v23 =	vsel vm13, v13, v14;
	v46 =	vsel vm14, v21, v20;
	v20 =	vsel vm14, v20, v21  }
0x258: {  	v21 =	vsel vm15, v8, v9;
	v8 =	vsel vm15, v9, v8;
	v9 =	vsel vm8, v47, v48  }
0x259: {  	v13 =	vsel vm13, v14, v13;
	vm12 =	vlt.s32 v51, v9;
	vm7 =	vlt.s32 v19, v45  }
0x25a: {  	v54 =	vsel vm12, v9, v51;
	v50 =	vsel vm7, v45, v19;
	v14 =	vsel vm7, v19, v45  }
0x25b: {  	v9 =	vsel vm12, v51, v9;
	vm10 =	vlt.s32 v49, v50;
	vm11 =	vlt.s32 v10, v14  }
0x25c: {  	v19 =	vsel vm8, v48, v47;
	v12 =	vsel vm10, v49, v50;
	v53 =	vsel vm11, v14, v10  }
0x25d: {  	v52 =	vsel vm10, v50, v49;
	v10 =	vsel vm11, v10, v14;
	vm13 =	vlt.s32 v53, v12  }
0x25e: {  	v0 =	vmovc v1;
	v1 =	vld [tilespmem:$0x1FEF0];
	vm14 =	vlt.s32 v19, v52;
	vm5 =	vlt.s32 v11, v10;
	v55 =	vsel vm13, v12, v53  }
0x25f: {  	v12 =	vsel vm13, v53, v12;
	v56 =	vsel vm14, v52, v19;
	v16 =	vsel vm14, v19, v52  }
0x260: {  	v58 =	vsel vm5, v10, v11;
	v10 =	vsel vm5, v11, v10;
	vm15 =	vlt.s32 v54, v55  }
0x261: {  	vm4 =	vlt.s32 v9, v12;
	vm11 =	vgt.s32 v22, v10;
	v19 =	vsel vm15, v55, v54  }
0x262: {  	v14 =	vsel vm15, v54, v55;
	v57 =	vsel vm4, v12, v9;
	v9 =	vsel vm4, v9, v12  }
0x263: {  	v10 =	vsel vm11, v22, v10;
	vm6 =	vlt.s32 v57, v16;
	vm7 =	vlt.s32 v58, v14  }
0x264: {  	v59 =	vsel vm6, v16, v57;
	v15 =	vsel vm6, v57, v16;
	v60 =	vsel vm7, v14, v58  }
0x265: {  	v12 =	vsel vm7, v58, v14;
	vm6 =	vgt.s32 v8, v56;
	vm8 =	vlt.s32 v19, v59  }
0x266: {  	v22 =	vld.idx.msk [tilespmem:v1+s9+$0x0], $0xffff;
	vm9 =	vlt.s32 v60, v15;
	vm10 =	vlt.s32 v12, v9;
	v8 =	vsel vm6, v8, v56  }
0x267: {  	v1 =	vld [tilespmem:$0x1FF00];
	v61 =	vsel vm8, v59, v19;
	v11 =	vsel vm8, v19, v59;
	v19 =	vsel vm9, v15, v60  }
0x268: {  	v15 =	vsel vm9, v60, v15;
	v62 =	vsel vm10, v9, v12;
	v9 =	vsel vm10, v12, v9  }
0x269: {  	vm12 =	vgt.s32 v18, v9;
	vm13 =	vgt.s32 v23, v62;
	vm14 =	vgt.s32 v13, v15  }
0x26a: {  	vm15 =	vgt.s32 v46, v19;
	vm4 =	vgt.s32 v20, v11;
	vm5 =	vgt.s32 v21, v61  }
0x26b: {  	v9 =	vsel vm12, v18, v9;
	v63 =	vsel vm13, v23, v62;
	v13 =	vsel vm14, v13, v15  }
0x26c: {  	v28 =	vld.idx.msk [tilespmem:v28+s9+$0x0], $0xffff;
	v24 =	vsel vm15, v46, v19;
	v11 =	vsel vm4, v20, v11;
	v14 =	vsel vm5, v21, v61  }
0x26d: {  	v18 =	vld.idx.msk [tilespmem:v29+s9+$0x0], $0xffff;
	vm7 =	vlt.s32 v10, v24;
	vm8 =	vlt.s32 v9, v11;
	vm9 =	vlt.s32 v63, v14  }
0x26e: {  	v19 =	vld.idx.msk [tilespmem:v30+s9+$0x0], $0xffff;
	vm10 =	vlt.s32 v13, v8;
	v25 =	vsel vm7, v24, v10;
	v10 =	vsel vm7, v10, v24  }
0x26f: {  	v26 =	vsel vm8, v11, v9;
	v9 =	vsel vm8, v9, v11;
	v27 =	vsel vm9, v14, v63;
	v23 =	vld.idx.msk [tilespmem:v1+s9+$0x0], $0xffff  }
0x270: {  	v12 =	vsel vm9, v63, v14;
	v33 =	vsel vm10, v8, v13;
	v8 =	vsel vm10, v13, v8;
	v1 =	vld [tilespmem:$0x1FF10]  }
0x271: {  	v20 =	vld.idx.msk [tilespmem:v31+s9+$0x0], $0xffff;
	vm11 =	vlt.s32 v25, v27;
	vm12 =	vlt.s32 v26, v33;
	vm13 =	vlt.s32 v10, v12  }
0x272: {  	v21 =	vld.idx.msk [tilespmem:v32+s9+$0x0], $0xffff;
	vm14 =	vlt.s32 v9, v8;
	v34 =	vsel vm11, v27, v25;
	v11 =	vsel vm11, v25, v27  }
0x273: {  	v35 =	vsel vm12, v33, v26;
	v14 =	vsel vm12, v26, v33;
	v36 =	vsel vm13, v12, v10  }
0x274: {  	v10 =	vsel vm13, v10, v12;
	v37 =	vsel vm14, v8, v9;
	v8 =	vsel vm14, v9, v8  }
0x275: {  	vm15 =	vlt.s32 v34, v35;
	vm4 =	vlt.s32 v11, v14;
	vm5 =	vlt.s32 v36, v37  }
0x276: {  	vm6 =	vlt.s32 v10, v8;
	vm7 =	vlt.s32 v28, v18;
	vm8 =	vlt.s32 v19, v20  }
0x277: {  	vm9 =	vlt.s32 v21, v22;
	v38 =	vsel vm15, v35, v34;
	v13 =	vsel vm15, v34, v35  }
0x278: {  	v39 =	vsel vm4, v14, v11;
	v11 =	vsel vm4, v11, v14;
	v41 =	vsel vm5, v37, v36;
	v40 =	vld.idx.msk [tilespmem:v1+s9+$0x0], $0xffff  }
0x279: {  	v12 =	vsel vm5, v36, v37;
	v42 =	vsel vm6, v8, v10;
	v8 =	vsel vm6, v10, v8  }
0x27a: {  	v43 =	vsel vm7, v18, v28;
	v17 =	vsel vm7, v28, v18;
	v18 =	vsel vm8, v20, v19  }
0x27b: {  	v19 =	vsel vm8, v19, v20;
	v20 =	vsel vm9, v22, v21;
	vm11 =	vlt.s32 v43, v18  }
0x27c: {  	v21 =	vsel vm9, v21, v22;
	vm12 =	vlt.s32 v17, v19;
	v44 =	vsel vm11, v18, v43  }
0x27d: {  	v10 =	vsel vm11, v43, v18;
	v18 =	vsel vm12, v19, v17;
	vm10 =	vlt.s32 v23, v40  }
0x27e: {  	v17 =	vsel vm12, v17, v19;
	v22 =	vsel vm10, v40, v23;
	v23 =	vsel vm10, v23, v40  }
0x27f: {  	vm15 =	vlt.s32 v18, v10;
	vm13 =	vlt.s32 v20, v22;
	vm14 =	vlt.s32 v21, v23  }
0x280: {  	v19 =	vsel vm13, v22, v20;
	v20 =	vsel vm13, v20, v22;
	v22 =	vsel vm14, v23, v21  }
0x281: {  	v21 =	vsel vm14, v21, v23;
	v23 =	vsel vm15, v10, v18;
	v10 =	vsel vm15, v18, v10  }
0x282: {  	vm4 =	vlt.s32 v22, v20;
	vm5 =	vlt.s32 v44, v19;
	vm8 =	vlt.s32 v17, v21  }
0x283: {  	v18 =	vsel vm4, v20, v22;
	v20 =	vsel vm4, v22, v20;
	v22 =	vsel vm5, v19, v44  }
0x284: {  	v19 =	vsel vm5, v44, v19;
	vm6 =	vlt.s32 v23, v18;
	vm7 =	vlt.s32 v10, v20  }
0x285: {  	v45 =	vsel vm6, v18, v23;
	v18 =	vsel vm6, v23, v18;
	v23 =	vsel vm7, v20, v10  }
0x286: {  	v10 =	vsel vm7, v10, v20;
	v20 =	vsel vm8, v21, v17;
	v17 =	vsel vm8, v17, v21  }
0x287: {  	vm9 =	vlt.s32 v23, v19;
	vm10 =	vlt.s32 v20, v18;
	vm14 =	vgt.s32 v38, v17  }
0x288: {  	v21 =	vsel vm9, v19, v23;
	v19 =	vsel vm9, v23, v19;
	v23 =	vsel vm10, v18, v20  }
0x289: {  	v18 =	vsel vm10, v20, v18;
	v9 =	vsel vm14, v38, v17;
	vm9 =	vgt.s32 v8, v22  }
0x28a: {  	vm11 =	vlt.s32 v45, v21;
	vm12 =	vlt.s32 v23, v19;
	vm13 =	vlt.s32 v18, v10  }
0x28b: {  	v8 =	vsel vm9, v8, v22;
	v20 =	vsel vm11, v21, v45;
	v21 =	vsel vm11, v45, v21  }
0x28c: {  	s30 =	sadd.s32 $0x10, s15;
	v46 =	vsel vm12, v19, v23;
	v19 =	vsel vm12, v23, v19;
	v23 =	vsel vm13, v18, v10  }
0x28d: {  	v10 =	vsel vm13, v10, v18;
	v18 =	vmov s30;
	vm15 =	vgt.s32 v13, v23  }
0x28e: {  	vm4 =	vgt.s32 v39, v10;
	vm5 =	vgt.s32 v11, v19;
	vm6 =	vgt.s32 v41, v46  }
0x28f: {  	vm7 =	vgt.s32 v12, v21;
	vm8 =	vgt.s32 v42, v20;
	v18 =	vshll.u32 v18, $0x7  }
0x290: {  	v3 =	vld [tilespmem:$0x1FF70];
	v13 =	vsel vm15, v13, v23;
	v10 =	vsel vm4, v39, v10;
	v11 =	vsel vm5, v11, v19  }
0x291: {  	v6 =	vld [tilespmem:$0x1FF40];
	v14 =	vsel vm6, v41, v46;
	v12 =	vsel vm7, v12, v21;
	v15 =	vsel vm8, v42, v20  }
0x292: {  	v4 =	vld [tilespmem:$0x1FF20];
	v21 =	vor.u32 v0, v18;
	vm10 =	vlt.s32 v9, v14;
	vm11 =	vlt.s32 v13, v12  }
0x293: {  	vm12 =	vlt.s32 v10, v15;
	vm3 =	vlt.s32 v11, v8;
	v47 =	vsel vm10, v14, v9  }
0x294: {  	v2 =	vld [tilespmem:$0x1FF60];
	v48 =	vsel vm11, v12, v13;
	v19 =	vsel vm12, v15, v10;
	v20 =	vsel vm3, v8, v11  }
0x295: {  	vm4 =	vlt.s32 v47, v19;
	vm5 =	vlt.s32 v48, v20  }
0x296: {  	v50 =	vor.u32 v3, v18;
	v22 =	vsel vm4, v19, v47;
	v23 =	vsel vm5, v20, v48  }
0x297: {  	v5 =	vld [tilespmem:$0x1FF30];
	v53 =	vor.u32 v4, v18;
	v57 =	vor.u32 v6, v18;
	vm6 =	vlt.s32 v22, v23  }
0x298: {  	v60 =	vor.u32 v7, v18;
	v9 =	vsel vm10, v9, v14;
	v49 =	vsel vm6, v23, v22  }
0x299: {  	v52 =	vsel vm5, v48, v20;
	v20 =	vld [tilespmem:$0x1FF50];
	[tilespmem:v21+s11+$0x0] =	vst.idx.msk $0xffff, v49;
	v21 =	vor.u32 v2, v18  }
0x29a: {  	v12 =	vsel vm11, v13, v12;
	v10 =	vsel vm12, v10, v15;
	v8 =	vsel vm3, v11, v8  }
0x29b: {  	vm0 =	vlt.s32 v9, v10;
	vm14 =	vlt.s32 v12, v8;
	v51 =	vsel vm4, v47, v19  }
0x29c: {  	v55 =	vsel vm0, v10, v9;
	v19 =	vor.u32 v5, v18;
	v58 =	vsel vm14, v8, v12  }
0x29d: {  	v9 =	vsel vm0, v9, v10;
	vm13 =	vlt.s32 v51, v52;
	v54 =	vsel vm6, v22, v23  }
0x29e: {  	v56 =	vsel vm13, v52, v51;
	v59 =	vor.u32 v20, v18;
	[tilespmem:v21+s11+$0x0] =	vst.idx.msk $0xffff, v54  }
0x29f: {  	vm15 =	vlt.s32 v55, v58;
	v11 =	vsel vm13, v51, v52;
	[tilespmem:v50+s11+$0x0] =	vst.idx.msk $0xffff, v56  }
0x2a0: {  	p0 =	sne.s32 s16, $0x1E;
	v8 =	vsel vm14, v12, v8;
	v61 =	vsel vm15, v58, v55;
	[tilespmem:v53+s11+$0x0] =	vst.idx.msk $0xffff, v11  }
.Ltmp0:
0x2a1: {  	vm0 =	vlt.s32 v9, v8;
	v62 =	vsel vm15, v55, v58;
	[tilespmem:v19+s11+$0x0] =	vst.idx.msk $0xffff, v61;
	(pc) =	sbr.rel @p0 .LBB2_2-.Ltmp0, $4  }
0x2a2: {  	s31 =	smin.u32 s16, $0x1C;
	v63 =	vsel vm0, v8, v9;
	[tilespmem:v57+s11+$0x0] =	vst.idx.msk $0xffff, v62  }
0x2a3: {  	s17 =	sshll.u32 s31, $0x8;
	v8 =	vsel vm0, v9, v8;
	[tilespmem:v59+s11+$0x0] =	vst.idx.msk $0xffff, v63  }
0x2a4: {  	s16 =	sadd.s32 $0x2, s16;
	s15 =	sadd.s32 $0x20, s15;
	s17 =	sadd.s32 s17, s6;
	[tilespmem:v60+s11+$0x0] =	vst.idx.msk $0xffff, v8  }
0x2a5: {  	[tilespmem:s9], [sflag:$0x2] =	stream.linear.gather [hbm4b:s17+s2], $0x800, $0x38;
	[tilespmem:$0x11000] =	vst v63  }
0x2a6: {  	_ =	swait.ge [sflag:s10], $0x800  }
0x2a7: {  	[sflag:s10] =	ssyncset.done $0x0  }
0x2a8: {  	[sflag:s10] =	ssyncadd.s32 $0xFFFFF800  }
0x2a9: {  	s14 =	sadd.s32 $0x1, s14;
	_ =	swait.ge [sflag:s12], $0x800  }
0x2aa: {  	p0 =	sne.s32 s14, s8;
	[sflag:s12] =	ssyncset.done $0x0  }
.Ltmp1:
0x2ab: {  	[sflag:s12] =	ssyncadd.s32 $0xFFFFF800;
	(pc) =	sbr.rel @p0 .LBB2_1-.Ltmp1, $4  }
0x2ac: {  	[hbm4b:s7+s2] =	stream.linear.scatter [tilespmem:s11], [sflag:$0x3], $0x10000, $0x38;
	[tilespmem:$0x11000] =	vst v63  }
0x2ad: {  	_ =	swait.ge [sflag:s13], $0x10000  }
0x2ae: {  	[sflag:s13] =	ssyncset.done $0x0  }
0x2af: {  	[sflag:s13] =	ssyncadd.s32 $0xFFFF0000  }
0x2b0: {  	_ =	sfence.sel $0x180000  }
0x2b1: {  	[bflag:$0x0] =	sbarrier.arrive $0xFFFF  }
0x2b2: {  	p0 =	sne.s32 s1, $0x0;
	_ =	strace $0x90000047  }
0x2b3: {  	s0 =	sadd.s32 @!p0 $0x100000, s0;
	[bflag:$0x2] =	sbarrier.arrive $0xFFFF  }
0x2b4: {  	[sflag:s0] =	ssyncadd.tile.s32 @!p0 $0x1;
	_ =	shalt  }
.Lfunc_end2:
_tile_overlayer_lowered:
.L_overlay_start_2:
0x2b5: {  	(tag) =	ssettag $0x2  }
0x2b6: {  	s0 =	rddreg [dreg:$0x0];
	s2 =	stileid.u32  }
0x2b7: {  	s1 =	rddreg [dreg:$0x1];
	p0 =	sne.s32 s2, $0x0  }
0x2b8: {  	s3 =	rddreg [dreg:$0x2];
	[bflag:$0x3] =	sbarrier.arrive $0xFFFF;
	s2 =	simm.s32 @!p0 $0x1C03  }
0x2b9: {  	[timem:s3], [sflag:s2] =	dma.local @!p0 [hbm:s0], s1  }
0x2ba: {  	s0 =	simm.s32 @!p0 $0x3  }
0x2bb: {  	_ =	swait.ge @!p0 [sflag:s0], s1  }
0x2bc: {  	s1 =	ssub.s32 @!p0 $0x0, s1;
	[sflag:s0] =	ssyncset.done @!p0 $0x0  }
0x2bd: {  	[sflag:s0] =	ssyncadd.s32 @!p0 s1  }
0x2be: {  	[bflag:$0x3] =	sbarrier.arrive $0xFFFF  }
0x2bf: {  	_ =	shalt  }

</sc_bundles>
